<compile_context>
chip_gen: v7x
topology: tpu7x:2x2x1
jax: 0.10.2.dev20260603
libtpu: 0.0.44.dev20260713+nightly
codegen_flags: <defaults>
</compile_context>

<pallas_src>
import functools

import jax
import jax.numpy as jnp
from jax import lax
from jax.experimental import pallas as pl
from jax.experimental.pallas import tpu as pltpu
from jax.experimental.pallas import tpu_sc as plsc

_NC, _NS = 2, 16
_L = 16


def _hist_body(s2, k_top, groups_per_w, idx_hbm, cnt_hbm,
               idx_v, row_a, row_b, sem_a, sem_b):
    wid = lax.axis_index("s") * _NC + lax.axis_index("c")
    zero16 = jnp.zeros((_L,), jnp.float32)
    one16 = jnp.ones((_L,), jnp.float32)
    g0 = wid * groups_per_w
    rows = [row_a, row_b]
    sems = [sem_a, sem_b]

    pltpu.sync_copy(idx_hbm.at[pl.ds(g0 * _L, groups_per_w * _L), :], idx_v)

    def dst(g_loc):
        return cnt_hbm.at[pl.ds((g0 + g_loc) * _L, _L), :]

    for g_loc in range(groups_per_w):
        buf = g_loc % 2
        row_v = rows[buf]
        if g_loc >= 2:
            pltpu.make_async_copy(row_v, dst(g_loc - 2), sems[buf]).wait()

        def zrow(r, c2, row_v=row_v):
            for c in range(s2 // _L):
                row_v[r, pl.ds(c * _L, _L)] = zero16
            return c2

        lax.fori_loop(0, _L, zrow, 0)

        def scat(r, c2, row_v=row_v, g_loc=g_loc):
            rvec = jnp.zeros((_L,), jnp.int32) + r

            def inner(kk, c3):
                for u in range(4):
                    iv = idx_v[g_loc * _L + r,
                               pl.ds((kk * 4 + u) * _L, _L)]
                    plsc.addupdate_scatter(row_v, [rvec, iv], one16)
                return c3

            lax.fori_loop(0, k_top // (4 * _L), inner, 0)
            return c2

        lax.fori_loop(0, _L, scat, 0)
        pltpu.async_copy(row_v, dst(g_loc), sems[buf])

    for g_loc in range(max(0, groups_per_w - 2), groups_per_w):
        buf = g_loc % 2
        pltpu.make_async_copy(rows[buf], dst(g_loc), sems[buf]).wait()


def _hist_sc(idx2, s1, s2, k_top):
    nw = _NC * _NS
    groups_per_w = (s1 // _L) // nw
    mesh = plsc.VectorSubcoreMesh(
        core_axis_name="c", subcore_axis_name="s",
        num_cores=_NC, num_subcores=_NS)
    f = pl.kernel(
        functools.partial(_hist_body, s2, k_top, groups_per_w),
        out_type=jax.ShapeDtypeStruct((s1, s2), jnp.float32),
        mesh=mesh,
        compiler_params=pltpu.CompilerParams(needs_layout_passes=False),
        scratch_types=[
            pltpu.VMEM((groups_per_w * _L, k_top), jnp.int32),
            pltpu.VMEM((_L, s2), jnp.float32),
            pltpu.VMEM((_L, s2), jnp.float32),
            pltpu.SemaphoreType.DMA,
            pltpu.SemaphoreType.DMA,
        ],
    )
    return f(idx2)


def _kl_body(qb, n1, h, s2, scale_ref, q_ref, k_ref, qi_ref, ki_ref,
             mp_ref, cnt_ref, out_ref):
    scale = scale_ref[0, 0].astype(jnp.bfloat16)
    d = q_ref.shape[-1]
    att = lax.dot_general(
        q_ref[...].reshape(n1 * qb, d) * scale, k_ref[...],
        (((1,), (1,)), ((), ())),
        preferred_element_type=jnp.float32).reshape(n1, qb, s2)
    e = jnp.exp2(att - mp_ref[...])
    tgt = e.sum(axis=0)
    scv = lax.dot_general(
        qi_ref[...].reshape(h * qb, d), ki_ref[...], (((1,), (1,)), ((), ())),
        preferred_element_type=jnp.float32).reshape(h, qb, s2)
    qsc = jnp.maximum(scv, 0.0).sum(axis=0)
    cnt = cnt_ref[...]
    zt = jnp.sum(cnt * tgt, axis=1, keepdims=True)
    qmax = jnp.max(qsc, axis=1, keepdims=True)
    zq = jnp.sum(cnt * jnp.exp(qsc - qmax), axis=1, keepdims=True)
    lse = qmax + jnp.log(zq)
    t = tgt * (1.0 / jnp.maximum(zt, 1e-6))
    term = cnt * t * (jnp.log(jnp.maximum(t, 1e-9)) - qsc + lse)
    kl = jnp.sum(term)

    @pl.when(pl.program_id(0) == 0)
    def _init():
        out_ref[0, 0] = 0.0

    out_ref[0, 0] += kl


def _kl_tc(q3, kf, qi3, kif, mp3, cnt, scale_arr, qb):
    d = q3.shape[2]
    s2 = kf.shape[0]
    s1 = cnt.shape[0]
    n1 = q3.shape[0]
    h = qi3.shape[0]
    grid = (s1 // qb,)
    body = functools.partial(_kl_body, qb, n1, h, s2)
    return pl.pallas_call(
        body,
        grid=grid,
        in_specs=[
            pl.BlockSpec(memory_space=pltpu.SMEM),
            pl.BlockSpec((n1, qb, d), lambda i: (0, i, 0)),
            pl.BlockSpec((s2, d), lambda i: (0, 0)),
            pl.BlockSpec((h, qb, d), lambda i: (0, i, 0)),
            pl.BlockSpec((s2, d), lambda i: (0, 0)),
            pl.BlockSpec((n1, qb, 1), lambda i: (0, i, 0)),
            pl.BlockSpec((qb, s2), lambda i: (i, 0)),
        ],
        out_specs=pl.BlockSpec(memory_space=pltpu.SMEM),
        out_shape=jax.ShapeDtypeStruct((1, 1), jnp.float32),
        compiler_params=pltpu.CompilerParams(
            vmem_limit_bytes=100 * 1024 * 1024),
    )(scale_arr, q3, kf, qi3, kif, mp3, cnt)


def kernel(query, key, query_indexer, key_indexer, weights, topk_indices,
           softmax_max, softmax_sum, scale_value):
    b, s1, n1, d = query.shape
    s2 = key.shape[1]
    h = query_indexer.shape[2]
    k_top = topk_indices.shape[2]

    q3 = query.reshape(s1, n1, d).astype(jnp.bfloat16).transpose(1, 0, 2)
    kf = key.reshape(s2, d).astype(jnp.bfloat16)
    qi3 = ((query_indexer.reshape(s1, h, d)
            * weights.reshape(s1, h, 1)).astype(jnp.bfloat16)
           .transpose(1, 0, 2))
    kif = key_indexer.reshape(s2, d).astype(jnp.bfloat16)
    mp3 = ((softmax_max.reshape(s1, n1)
            + jnp.log(softmax_sum.reshape(s1, n1))).T[:, :, None]
           * 1.4426950408889634)
    cnt = _hist_sc(topk_indices.reshape(s1, k_top), s1, s2, k_top)
    scale_arr = (jnp.asarray(scale_value, jnp.float32)
                 * 1.4426950408889634).reshape(1, 1)
    total = _kl_tc(q3, kf, qi3, kif, mp3, cnt, scale_arr, qb=64)
    return total[0, 0] / s1

# --- scband reference (transcript-rebuilt; emitter-appended) ---
"""Pipeline reference for scband-sparse-lightning-indexer-klloss-86354612453568 (READ-ONLY COPY).

The authoritative reference and input builder live on the scoring server;
editing this copy changes nothing except your own understanding.
"""

import jax, jax.numpy as jnp
import numpy as np

B, S1, S2, N1, D = 1, 2048, 2048, 16, 128
H_IDX, D_IDX, K_TOP = 8, 128, 512
SCALE = 1.0 / float(np.sqrt(D))


def setup_inputs() -> dict:
    key0 = jax.random.key(0)
    ks = jax.random.split(key0, 8)
    query = jax.random.normal(ks[0], (B, S1, N1, D), dtype=jnp.float32)
    key = jax.random.normal(ks[1], (B, S2, 1, D), dtype=jnp.float32)
    query_indexer = jax.random.normal(ks[2], (B, S1, H_IDX, D_IDX), dtype=jnp.float32)
    key_indexer = jax.random.normal(ks[3], (B, S2, 1, D_IDX), dtype=jnp.float32)
    weights = jax.random.uniform(ks[4], (B, S1, H_IDX), dtype=jnp.float32)
    topk_indices = jax.random.randint(ks[5], (B, S1, K_TOP), 0, S2, dtype=jnp.int32)
    softmax_max = jax.random.normal(ks[6], (B, S1, N1), dtype=jnp.float32)
    softmax_sum = jax.random.uniform(ks[7], (B, S1, N1), dtype=jnp.float32) + 0.5
    return {
        "query": query,
        "key": key,
        "query_indexer": query_indexer,
        "key_indexer": key_indexer,
        "weights": weights,
        "topk_indices": topk_indices,
        "softmax_max": softmax_max,
        "softmax_sum": softmax_sum,
        "scale_value": jnp.float32(SCALE),
    }


def _gather_keys(k_flat, idx):
    # k_flat: [B, S2, D], idx: [B, S1, K] -> [B, S1, K, D]
    return jax.vmap(lambda kb, ib: kb[ib])(k_flat, idx)


def reference(query, key, query_indexer, key_indexer, weights, topk_indices,
              softmax_max, softmax_sum, scale_value=SCALE):
    sq = query.shape[1]
    # ---- target distribution from sparse attention (uses FA softmax stats) ----
    k_flat = key[:, :, 0, :]                       # [B, S2, D] (MLA single KV head)
    k_sel = _gather_keys(k_flat, topk_indices)     # [B, S1, K, D]
    attn = jnp.einsum('bsnd,bskd->bnsk', query, k_sel) * scale_value  # [B,N1,S1,K]
    m = jnp.transpose(softmax_max, (0, 2, 1))[..., None]  # [B, N1, S1, 1]
    s = jnp.transpose(softmax_sum, (0, 2, 1))[..., None]  # [B, N1, S1, 1]
    p = jnp.exp(attn - m) / s                      # per-head attention probs at selected keys
    target = p.sum(axis=1)                         # sum over attention heads -> [B, S1, K]
    target = target / jnp.clip(target.sum(axis=-1, keepdims=True), 1e-6)
    # ---- lightning indexer distribution at the same selected keys ----
    ki_flat = key_indexer[:, :, 0, :]              # [B, S2, D_IDX]
    ki_sel = _gather_keys(ki_flat, topk_indices)   # [B, S1, K, D_IDX]
    sc = jnp.einsum('bshd,bskd->bshk', query_indexer, ki_sel)  # [B, S1, H, K]
    idx_scores = (jax.nn.relu(sc) * weights[..., None]).sum(axis=2)  # [B, S1, K]
    logq = jax.nn.log_softmax(idx_scores, axis=-1)
    # ---- KL(target || indexer) summed over tokens ----
    kl = (target * (jnp.log(jnp.clip(target, 1e-9)) - logq)).sum(axis=-1)  # [B, S1]
    loss = kl.sum()
    return loss / sq

if __name__ == "__main__":
    import jax
    _d = setup_inputs()
    print(jax.jit(kernel)(*tuple(_d.values())))

</pallas_src>

<mosaic_0001>
#map = affine_map<(d0, d1) -> (0, 0)>
module attributes {stable_mosaic.version = 14 : i64} {
  func.func @_hist_body(%arg0: i32, %arg1: i32, %arg2: memref<2048x512xi32, #tpu.memory_space<hbm>>, %arg3: memref<2048x2048xf32, #tpu.memory_space<hbm>>, %arg4: memref<64x512xi32, #tpu.memory_space<vmem>>, %arg5: memref<16x2048xf32, #tpu.memory_space<vmem>>, %arg6: memref<16x2048xf32, #tpu.memory_space<vmem>>, %arg7: memref<!tpu.dma_semaphore, #tpu.memory_space<semaphore_mem>>, %arg8: memref<!tpu.dma_semaphore, #tpu.memory_space<semaphore_mem>>) attributes {dimension_semantics = [#tpu.dimension_semantics<core_parallel>, #tpu.dimension_semantics<subcore_parallel>], iteration_bounds = array<i64: 2, 16>, scalar_prefetch = 0 : i64, scratch_operands = 5 : i64, tpu.core_type = #tpu.core_type<sc_vector_subcore>, window_params = [{transform_indices = #map}, {transform_indices = #map}]} {
    %mul3A = arith.constant 2 : i32
    %mul3A_0 = arith.muli %arg1, %mul3A : i32
    %add3A = arith.addi %mul3A_0, %arg0 : i32
    %broadcast_in_dim3A = arith.constant 0.000000e+00 : f32
    %broadcast_in_dim3A_1 = vector.broadcast %broadcast_in_dim3A : f32 to vector<16xf32>
    %broadcast_in_dim3A_2 = arith.constant 1.000000e+00 : f32
    %broadcast_in_dim3A_3 = vector.broadcast %broadcast_in_dim3A_2 : f32 to vector<16xf32>
    %mul3A_4 = arith.constant 4 : i32
    %mul3A_5 = arith.muli %add3A, %mul3A_4 : i32
    %mul3A_6 = arith.constant 16 : i32
    %mul3A_7 = arith.muli %mul3A_5, %mul3A_6 : i32
    "tpu.region"() ({
      %run_scoped3A = tpu.sem_alloc : memref<!tpu.dma_semaphore, #tpu.memory_space<semaphore_mem>>
      %dma_start3A_117 = arith.constant 0 : i32
      %dma_start3A_118 = tpu.memref_slice %arg2[%mul3A_7, %dma_start3A_117] : memref<2048x512xi32, #tpu.memory_space<hbm>> -> memref<64x512xi32, #tpu.memory_space<hbm>>
      %dma_start3A_119 = arith.constant 0 : i32
      %dma_start3A_120 = tpu.memref_slice %arg2[%mul3A_7, %dma_start3A_119] : memref<2048x512xi32, #tpu.memory_space<hbm>> -> memref<64x512xi32, #tpu.memory_space<hbm>>
      tpu.enqueue_dma source(%dma_start3A_120 : memref<64x512xi32, #tpu.memory_space<hbm>>) target(%arg4 : memref<64x512xi32, #tpu.memory_space<vmem>>) target_semaphore(%run_scoped3A : memref<!tpu.dma_semaphore, #tpu.memory_space<semaphore_mem>>)
      %dma_wait3A_121 = arith.constant 0 : i32
      %dma_wait3A_122 = tpu.memref_slice %arg2[%mul3A_7, %dma_wait3A_121] : memref<2048x512xi32, #tpu.memory_space<hbm>> -> memref<64x512xi32, #tpu.memory_space<hbm>>
      %dma_wait3A_123 = arith.constant 0 : i32
      %dma_wait3A_124 = tpu.memref_slice %arg2[%mul3A_7, %dma_wait3A_123] : memref<2048x512xi32, #tpu.memory_space<hbm>> -> memref<64x512xi32, #tpu.memory_space<hbm>>
      tpu.wait_dma2 semaphore(%run_scoped3A : memref<!tpu.dma_semaphore, #tpu.memory_space<semaphore_mem>>) src(%dma_wait3A_124 : memref<64x512xi32, #tpu.memory_space<hbm>>) dst(%arg4 : memref<64x512xi32, #tpu.memory_space<vmem>>)
      tpu.yield
    }) : () -> ()
    %scan3A = arith.constant 0 : i32
    %scan3A_8 = arith.constant 0 : i32
    %scan3A_9 = arith.constant 16 : i32
    %scan3A_10 = arith.addi %scan3A_8, %scan3A_9 : i32
    %scan3A_11 = arith.constant 1 : i32
    scf.for %scan3A_117 = %scan3A_8 to %scan3A_10 step %scan3A_11  : i32 {
      %swap3A = arith.index_cast %scan3A_117 : i32 to index
      %swap3A_118 = arith.constant 0 : index
      %swap3A_119 = tpu.vector_load %arg5[%swap3A, %swap3A_118] {strides = array<i32>} : memref<16x2048xf32, #tpu.memory_space<vmem>>, vector<16xf32>,
      tpu.vector_store %arg5[%swap3A, %swap3A_118], %broadcast_in_dim3A_1 {strides = array<i32>} : memref<16x2048xf32, #tpu.memory_space<vmem>>, vector<16xf32>,
      %swap3A_120 = arith.index_cast %scan3A_117 : i32 to index
      %swap3A_121 = arith.constant 16 : index
      %swap3A_122 = tpu.vector_load %arg5[%swap3A_120, %swap3A_121] {strides = array<i32>} : memref<16x2048xf32, #tpu.memory_space<vmem>>, vector<16xf32>,
      tpu.vector_store %arg5[%swap3A_120, %swap3A_121], %broadcast_in_dim3A_1 {strides = array<i32>} : memref<16x2048xf32, #tpu.memory_space<vmem>>, vector<16xf32>,
      %swap3A_123 = arith.index_cast %scan3A_117 : i32 to index
      %swap3A_124 = arith.constant 32 : index
      %swap3A_125 = tpu.vector_load %arg5[%swap3A_123, %swap3A_124] {strides = array<i32>} : memref<16x2048xf32, #tpu.memory_space<vmem>>, vector<16xf32>,
      tpu.vector_store %arg5[%swap3A_123, %swap3A_124], %broadcast_in_dim3A_1 {strides = array<i32>} : memref<16x2048xf32, #tpu.memory_space<vmem>>, vector<16xf32>,
      %swap3A_126 = arith.index_cast %scan3A_117 : i32 to index
      %swap3A_127 = arith.constant 48 : index
      %swap3A_128 = tpu.vector_load %arg5[%swap3A_126, %swap3A_127] {strides = array<i32>} : memref<16x2048xf32, #tpu.memory_space<vmem>>, vector<16xf32>,
      tpu.vector_store %arg5[%swap3A_126, %swap3A_127], %broadcast_in_dim3A_1 {strides = array<i32>} : memref<16x2048xf32, #tpu.memory_space<vmem>>, vector<16xf32>,
      %swap3A_129 = arith.index_cast %scan3A_117 : i32 to index
      %swap3A_130 = arith.constant 64 : index
      %swap3A_131 = tpu.vector_load %arg5[%swap3A_129, %swap3A_130] {strides = array<i32>} : memref<16x2048xf32, #tpu.memory_space<vmem>>, vector<16xf32>,
      tpu.vector_store %arg5[%swap3A_129, %swap3A_130], %broadcast_in_dim3A_1 {strides = array<i32>} : memref<16x2048xf32, #tpu.memory_space<vmem>>, vector<16xf32>,
      %swap3A_132 = arith.index_cast %scan3A_117 : i32 to index
      %swap3A_133 = arith.constant 80 : index
      %swap3A_134 = tpu.vector_load %arg5[%swap3A_132, %swap3A_133] {strides = array<i32>} : memref<16x2048xf32, #tpu.memory_space<vmem>>, vector<16xf32>,
      tpu.vector_store %arg5[%swap3A_132, %swap3A_133], %broadcast_in_dim3A_1 {strides = array<i32>} : memref<16x2048xf32, #tpu.memory_space<vmem>>, vector<16xf32>,
      %swap3A_135 = arith.index_cast %scan3A_117 : i32 to index
      %swap3A_136 = arith.constant 96 : index
      %swap3A_137 = tpu.vector_load %arg5[%swap3A_135, %swap3A_136] {strides = array<i32>} : memref<16x2048xf32, #tpu.memory_space<vmem>>, vector<16xf32>,
      tpu.vector_store %arg5[%swap3A_135, %swap3A_136], %broadcast_in_dim3A_1 {strides = array<i32>} : memref<16x2048xf32, #tpu.memory_space<vmem>>, vector<16xf32>,
      %swap3A_138 = arith.index_cast %scan3A_117 : i32 to index
      %swap3A_139 = arith.constant 112 : index
      %swap3A_140 = tpu.vector_load %arg5[%swap3A_138, %swap3A_139] {strides = array<i32>} : memref<16x2048xf32, #tpu.memory_space<vmem>>, vector<16xf32>,
      tpu.vector_store %arg5[%swap3A_138, %swap3A_139], %broadcast_in_dim3A_1 {strides = array<i32>} : memref<16x2048xf32, #tpu.memory_space<vmem>>, vector<16xf32>,
      %swap3A_141 = arith.index_cast %scan3A_117 : i32 to index
      %swap3A_142 = arith.constant 128 : index
      %swap3A_143 = tpu.vector_load %arg5[%swap3A_141, %swap3A_142] {strides = array<i32>} : memref<16x2048xf32, #tpu.memory_space<vmem>>, vector<16xf32>,
      tpu.vector_store %arg5[%swap3A_141, %swap3A_142], %broadcast_in_dim3A_1 {strides = array<i32>} : memref<16x2048xf32, #tpu.memory_space<vmem>>, vector<16xf32>,
      %swap3A_144 = arith.index_cast %scan3A_117 : i32 to index
      %swap3A_145 = arith.constant 144 : index
      %swap3A_146 = tpu.vector_load %arg5[%swap3A_144, %swap3A_145] {strides = array<i32>} : memref<16x2048xf32, #tpu.memory_space<vmem>>, vector<16xf32>,
      tpu.vector_store %arg5[%swap3A_144, %swap3A_145], %broadcast_in_dim3A_1 {strides = array<i32>} : memref<16x2048xf32, #tpu.memory_space<vmem>>, vector<16xf32>,
      %swap3A_147 = arith.index_cast %scan3A_117 : i32 to index
      %swap3A_148 = arith.constant 160 : index
      %swap3A_149 = tpu.vector_load %arg5[%swap3A_147, %swap3A_148] {strides = array<i32>} : memref<16x2048xf32, #tpu.memory_space<vmem>>, vector<16xf32>,
      tpu.vector_store %arg5[%swap3A_147, %swap3A_148], %broadcast_in_dim3A_1 {strides = array<i32>} : memref<16x2048xf32, #tpu.memory_space<vmem>>, vector<16xf32>,
      %swap3A_150 = arith.index_cast %scan3A_117 : i32 to index
      %swap3A_151 = arith.constant 176 : index
      %swap3A_152 = tpu.vector_load %arg5[%swap3A_150, %swap3A_151] {strides = array<i32>} : memref<16x2048xf32, #tpu.memory_space<vmem>>, vector<16xf32>,
      tpu.vector_store %arg5[%swap3A_150, %swap3A_151], %broadcast_in_dim3A_1 {strides = array<i32>} : memref<16x2048xf32, #tpu.memory_space<vmem>>, vector<16xf32>,
      %swap3A_153 = arith.index_cast %scan3A_117 : i32 to index
      %swap3A_154 = arith.constant 192 : index
      %swap3A_155 = tpu.vector_load %arg5[%swap3A_153, %swap3A_154] {strides = array<i32>} : memref<16x2048xf32, #tpu.memory_space<vmem>>, vector<16xf32>,
      tpu.vector_store %arg5[%swap3A_153, %swap3A_154], %broadcast_in_dim3A_1 {strides = array<i32>} : memref<16x2048xf32, #tpu.memory_space<vmem>>, vector<16xf32>,
      %swap3A_156 = arith.index_cast %scan3A_117 : i32 to index
      %swap3A_157 = arith.constant 208 : index
      %swap3A_158 = tpu.vector_load %arg5[%swap3A_156, %swap3A_157] {strides = array<i32>} : memref<16x2048xf32, #tpu.memory_space<vmem>>, vector<16xf32>,
      tpu.vector_store %arg5[%swap3A_156, %swap3A_157], %broadcast_in_dim3A_1 {strides = array<i32>} : memref<16x2048xf32, #tpu.memory_space<vmem>>, vector<16xf32>,
      %swap3A_159 = arith.index_cast %scan3A_117 : i32 to index
      %swap3A_160 = arith.constant 224 : index
      %swap3A_161 = tpu.vector_load %arg5[%swap3A_159, %swap3A_160] {strides = array<i32>} : memref<16x2048xf32, #tpu.memory_space<vmem>>, vector<16xf32>,
      tpu.vector_store %arg5[%swap3A_159, %swap3A_160], %broadcast_in_dim3A_1 {strides = array<i32>} : memref<16x2048xf32, #tpu.memory_space<vmem>>, vector<16xf32>,
      %swap3A_162 = arith.index_cast %scan3A_117 : i32 to index
      %swap3A_163 = arith.constant 240 : index
      %swap3A_164 = tpu.vector_load %arg5[%swap3A_162, %swap3A_163] {strides = array<i32>} : memref<16x2048xf32, #tpu.memory_space<vmem>>, vector<16xf32>,
      tpu.vector_store %arg5[%swap3A_162, %swap3A_163], %broadcast_in_dim3A_1 {strides = array<i32>} : memref<16x2048xf32, #tpu.memory_space<vmem>>, vector<16xf32>,
      %swap3A_165 = arith.index_cast %scan3A_117 : i32 to index
      %swap3A_166 = arith.constant 256 : index
      %swap3A_167 = tpu.vector_load %arg5[%swap3A_165, %swap3A_166] {strides = array<i32>} : memref<16x2048xf32, #tpu.memory_space<vmem>>, vector<16xf32>,
      tpu.vector_store %arg5[%swap3A_165, %swap3A_166], %broadcast_in_dim3A_1 {strides = array<i32>} : memref<16x2048xf32, #tpu.memory_space<vmem>>, vector<16xf32>,
      %swap3A_168 = arith.index_cast %scan3A_117 : i32 to index
      %swap3A_169 = arith.constant 272 : index
      %swap3A_170 = tpu.vector_load %arg5[%swap3A_168, %swap3A_169] {strides = array<i32>} : memref<16x2048xf32, #tpu.memory_space<vmem>>, vector<16xf32>,
      tpu.vector_store %arg5[%swap3A_168, %swap3A_169], %broadcast_in_dim3A_1 {strides = array<i32>} : memref<16x2048xf32, #tpu.memory_space<vmem>>, vector<16xf32>,
      %swap3A_171 = arith.index_cast %scan3A_117 : i32 to index
      %swap3A_172 = arith.constant 288 : index
      %swap3A_173 = tpu.vector_load %arg5[%swap3A_171, %swap3A_172] {strides = array<i32>} : memref<16x2048xf32, #tpu.memory_space<vmem>>, vector<16xf32>,
      tpu.vector_store %arg5[%swap3A_171, %swap3A_172], %broadcast_in_dim3A_1 {strides = array<i32>} : memref<16x2048xf32, #tpu.memory_space<vmem>>, vector<16xf32>,
      %swap3A_174 = arith.index_cast %scan3A_117 : i32 to index
      %swap3A_175 = arith.constant 304 : index
      %swap3A_176 = tpu.vector_load %arg5[%swap3A_174, %swap3A_175] {strides = array<i32>} : memref<16x2048xf32, #tpu.memory_space<vmem>>, vector<16xf32>,
      tpu.vector_store %arg5[%swap3A_174, %swap3A_175], %broadcast_in_dim3A_1 {strides = array<i32>} : memref<16x2048xf32, #tpu.memory_space<vmem>>, vector<16xf32>,
      %swap3A_177 = arith.index_cast %scan3A_117 : i32 to index
      %swap3A_178 = arith.constant 320 : index
      %swap3A_179 = tpu.vector_load %arg5[%swap3A_177, %swap3A_178] {strides = array<i32>} : memref<16x2048xf32, #tpu.memory_space<vmem>>, vector<16xf32>,
      tpu.vector_store %arg5[%swap3A_177, %swap3A_178], %broadcast_in_dim3A_1 {strides = array<i32>} : memref<16x2048xf32, #tpu.memory_space<vmem>>, vector<16xf32>,
      %swap3A_180 = arith.index_cast %scan3A_117 : i32 to index
      %swap3A_181 = arith.constant 336 : index
      %swap3A_182 = tpu.vector_load %arg5[%swap3A_180, %swap3A_181] {strides = array<i32>} : memref<16x2048xf32, #tpu.memory_space<vmem>>, vector<16xf32>,
      tpu.vector_store %arg5[%swap3A_180, %swap3A_181], %broadcast_in_dim3A_1 {strides = array<i32>} : memref<16x2048xf32, #tpu.memory_space<vmem>>, vector<16xf32>,
      %swap3A_183 = arith.index_cast %scan3A_117 : i32 to index
      %swap3A_184 = arith.constant 352 : index
      %swap3A_185 = tpu.vector_load %arg5[%swap3A_183, %swap3A_184] {strides = array<i32>} : memref<16x2048xf32, #tpu.memory_space<vmem>>, vector<16xf32>,
      tpu.vector_store %arg5[%swap3A_183, %swap3A_184], %broadcast_in_dim3A_1 {strides = array<i32>} : memref<16x2048xf32, #tpu.memory_space<vmem>>, vector<16xf32>,
      %swap3A_186 = arith.index_cast %scan3A_117 : i32 to index
      %swap3A_187 = arith.constant 368 : index
      %swap3A_188 = tpu.vector_load %arg5[%swap3A_186, %swap3A_187] {strides = array<i32>} : memref<16x2048xf32, #tpu.memory_space<vmem>>, vector<16xf32>,
      tpu.vector_store %arg5[%swap3A_186, %swap3A_187], %broadcast_in_dim3A_1 {strides = array<i32>} : memref<16x2048xf32, #tpu.memory_space<vmem>>, vector<16xf32>,
      %swap3A_189 = arith.index_cast %scan3A_117 : i32 to index
      %swap3A_190 = arith.constant 384 : index
      %swap3A_191 = tpu.vector_load %arg5[%swap3A_189, %swap3A_190] {strides = array<i32>} : memref<16x2048xf32, #tpu.memory_space<vmem>>, vector<16xf32>,
      tpu.vector_store %arg5[%swap3A_189, %swap3A_190], %broadcast_in_dim3A_1 {strides = array<i32>} : memref<16x2048xf32, #tpu.memory_space<vmem>>, vector<16xf32>,
      %swap3A_192 = arith.index_cast %scan3A_117 : i32 to index
      %swap3A_193 = arith.constant 400 : index
      %swap3A_194 = tpu.vector_load %arg5[%swap3A_192, %swap3A_193] {strides = array<i32>} : memref<16x2048xf32, #tpu.memory_space<vmem>>, vector<16xf32>,
      tpu.vector_store %arg5[%swap3A_192, %swap3A_193], %broadcast_in_dim3A_1 {strides = array<i32>} : memref<16x2048xf32, #tpu.memory_space<vmem>>, vector<16xf32>,
      %swap3A_195 = arith.index_cast %scan3A_117 : i32 to index
      %swap3A_196 = arith.constant 416 : index
      %swap3A_197 = tpu.vector_load %arg5[%swap3A_195, %swap3A_196] {strides = array<i32>} : memref<16x2048xf32, #tpu.memory_space<vmem>>, vector<16xf32>,
      tpu.vector_store %arg5[%swap3A_195, %swap3A_196], %broadcast_in_dim3A_1 {strides = array<i32>} : memref<16x2048xf32, #tpu.memory_space<vmem>>, vector<16xf32>,
      %swap3A_198 = arith.index_cast %scan3A_117 : i32 to index
      %swap3A_199 = arith.constant 432 : index
      %swap3A_200 = tpu.vector_load %arg5[%swap3A_198, %swap3A_199] {strides = array<i32>} : memref<16x2048xf32, #tpu.memory_space<vmem>>, vector<16xf32>,
      tpu.vector_store %arg5[%swap3A_198, %swap3A_199], %broadcast_in_dim3A_1 {strides = array<i32>} : memref<16x2048xf32, #tpu.memory_space<vmem>>, vector<16xf32>,
      %swap3A_201 = arith.index_cast %scan3A_117 : i32 to index
      %swap3A_202 = arith.constant 448 : index
      %swap3A_203 = tpu.vector_load %arg5[%swap3A_201, %swap3A_202] {strides = array<i32>} : memref<16x2048xf32, #tpu.memory_space<vmem>>, vector<16xf32>,
      tpu.vector_store %arg5[%swap3A_201, %swap3A_202], %broadcast_in_dim3A_1 {strides = array<i32>} : memref<16x2048xf32, #tpu.memory_space<vmem>>, vector<16xf32>,
      %swap3A_204 = arith.index_cast %scan3A_117 : i32 to index
      %swap3A_205 = arith.constant 464 : index
      %swap3A_206 = tpu.vector_load %arg5[%swap3A_204, %swap3A_205] {strides = array<i32>} : memref<16x2048xf32, #tpu.memory_space<vmem>>, vector<16xf32>,
      tpu.vector_store %arg5[%swap3A_204, %swap3A_205], %broadcast_in_dim3A_1 {strides = array<i32>} : memref<16x2048xf32, #tpu.memory_space<vmem>>, vector<16xf32>,
      %swap3A_207 = arith.index_cast %scan3A_117 : i32 to index
      %swap3A_208 = arith.constant 480 : index
      %swap3A_209 = tpu.vector_load %arg5[%swap3A_207, %swap3A_208] {strides = array<i32>} : memref<16x2048xf32, #tpu.memory_space<vmem>>, vector<16xf32>,
      tpu.vector_store %arg5[%swap3A_207, %swap3A_208], %broadcast_in_dim3A_1 {strides = array<i32>} : memref<16x2048xf32, #tpu.memory_space<vmem>>, vector<16xf32>,
      %swap3A_210 = arith.index_cast %scan3A_117 : i32 to index
      %swap3A_211 = arith.constant 496 : index
      %swap3A_212 = tpu.vector_load %arg5[%swap3A_210, %swap3A_211] {strides = array<i32>} : memref<16x2048xf32, #tpu.memory_space<vmem>>, vector<16xf32>,
      tpu.vector_store %arg5[%swap3A_210, %swap3A_211], %broadcast_in_dim3A_1 {strides = array<i32>} : memref<16x2048xf32, #tpu.memory_space<vmem>>, vector<16xf32>,
      %swap3A_213 = arith.index_cast %scan3A_117 : i32 to index
      %swap3A_214 = arith.constant 512 : index
      %swap3A_215 = tpu.vector_load %arg5[%swap3A_213, %swap3A_214] {strides = array<i32>} : memref<16x2048xf32, #tpu.memory_space<vmem>>, vector<16xf32>,
      tpu.vector_store %arg5[%swap3A_213, %swap3A_214], %broadcast_in_dim3A_1 {strides = array<i32>} : memref<16x2048xf32, #tpu.memory_space<vmem>>, vector<16xf32>,
      %swap3A_216 = arith.index_cast %scan3A_117 : i32 to index
      %swap3A_217 = arith.constant 528 : index
      %swap3A_218 = tpu.vector_load %arg5[%swap3A_216, %swap3A_217] {strides = array<i32>} : memref<16x2048xf32, #tpu.memory_space<vmem>>, vector<16xf32>,
      tpu.vector_store %arg5[%swap3A_216, %swap3A_217], %broadcast_in_dim3A_1 {strides = array<i32>} : memref<16x2048xf32, #tpu.memory_space<vmem>>, vector<16xf32>,
      %swap3A_219 = arith.index_cast %scan3A_117 : i32 to index
      %swap3A_220 = arith.constant 544 : index
      %swap3A_221 = tpu.vector_load %arg5[%swap3A_219, %swap3A_220] {strides = array<i32>} : memref<16x2048xf32, #tpu.memory_space<vmem>>, vector<16xf32>,
      tpu.vector_store %arg5[%swap3A_219, %swap3A_220], %broadcast_in_dim3A_1 {strides = array<i32>} : memref<16x2048xf32, #tpu.memory_space<vmem>>, vector<16xf32>,
      %swap3A_222 = arith.index_cast %scan3A_117 : i32 to index
      %swap3A_223 = arith.constant 560 : index
      %swap3A_224 = tpu.vector_load %arg5[%swap3A_222, %swap3A_223] {strides = array<i32>} : memref<16x2048xf32, #tpu.memory_space<vmem>>, vector<16xf32>,
      tpu.vector_store %arg5[%swap3A_222, %swap3A_223], %broadcast_in_dim3A_1 {strides = array<i32>} : memref<16x2048xf32, #tpu.memory_space<vmem>>, vector<16xf32>,
      %swap3A_225 = arith.index_cast %scan3A_117 : i32 to index
      %swap3A_226 = arith.constant 576 : index
      %swap3A_227 = tpu.vector_load %arg5[%swap3A_225, %swap3A_226] {strides = array<i32>} : memref<16x2048xf32, #tpu.memory_space<vmem>>, vector<16xf32>,
      tpu.vector_store %arg5[%swap3A_225, %swap3A_226], %broadcast_in_dim3A_1 {strides = array<i32>} : memref<16x2048xf32, #tpu.memory_space<vmem>>, vector<16xf32>,
      %swap3A_228 = arith.index_cast %scan3A_117 : i32 to index
      %swap3A_229 = arith.constant 592 : index
      %swap3A_230 = tpu.vector_load %arg5[%swap3A_228, %swap3A_229] {strides = array<i32>} : memref<16x2048xf32, #tpu.memory_space<vmem>>, vector<16xf32>,
      tpu.vector_store %arg5[%swap3A_228, %swap3A_229], %broadcast_in_dim3A_1 {strides = array<i32>} : memref<16x2048xf32, #tpu.memory_space<vmem>>, vector<16xf32>,
      %swap3A_231 = arith.index_cast %scan3A_117 : i32 to index
      %swap3A_232 = arith.constant 608 : index
      %swap3A_233 = tpu.vector_load %arg5[%swap3A_231, %swap3A_232] {strides = array<i32>} : memref<16x2048xf32, #tpu.memory_space<vmem>>, vector<16xf32>,
      tpu.vector_store %arg5[%swap3A_231, %swap3A_232], %broadcast_in_dim3A_1 {strides = array<i32>} : memref<16x2048xf32, #tpu.memory_space<vmem>>, vector<16xf32>,
      %swap3A_234 = arith.index_cast %scan3A_117 : i32 to index
      %swap3A_235 = arith.constant 624 : index
      %swap3A_236 = tpu.vector_load %arg5[%swap3A_234, %swap3A_235] {strides = array<i32>} : memref<16x2048xf32, #tpu.memory_space<vmem>>, vector<16xf32>,
      tpu.vector_store %arg5[%swap3A_234, %swap3A_235], %broadcast_in_dim3A_1 {strides = array<i32>} : memref<16x2048xf32, #tpu.memory_space<vmem>>, vector<16xf32>,
      %swap3A_237 = arith.index_cast %scan3A_117 : i32 to index
      %swap3A_238 = arith.constant 640 : index
      %swap3A_239 = tpu.vector_load %arg5[%swap3A_237, %swap3A_238] {strides = array<i32>} : memref<16x2048xf32, #tpu.memory_space<vmem>>, vector<16xf32>,
      tpu.vector_store %arg5[%swap3A_237, %swap3A_238], %broadcast_in_dim3A_1 {strides = array<i32>} : memref<16x2048xf32, #tpu.memory_space<vmem>>, vector<16xf32>,
      %swap3A_240 = arith.index_cast %scan3A_117 : i32 to index
      %swap3A_241 = arith.constant 656 : index
      %swap3A_242 = tpu.vector_load %arg5[%swap3A_240, %swap3A_241] {strides = array<i32>} : memref<16x2048xf32, #tpu.memory_space<vmem>>, vector<16xf32>,
      tpu.vector_store %arg5[%swap3A_240, %swap3A_241], %broadcast_in_dim3A_1 {strides = array<i32>} : memref<16x2048xf32, #tpu.memory_space<vmem>>, vector<16xf32>,
      %swap3A_243 = arith.index_cast %scan3A_117 : i32 to index
      %swap3A_244 = arith.constant 672 : index
      %swap3A_245 = tpu.vector_load %arg5[%swap3A_243, %swap3A_244] {strides = array<i32>} : memref<16x2048xf32, #tpu.memory_space<vmem>>, vector<16xf32>,
      tpu.vector_store %arg5[%swap3A_243, %swap3A_244], %broadcast_in_dim3A_1 {strides = array<i32>} : memref<16x2048xf32, #tpu.memory_space<vmem>>, vector<16xf32>,
      %swap3A_246 = arith.index_cast %scan3A_117 : i32 to index
      %swap3A_247 = arith.constant 688 : index
      %swap3A_248 = tpu.vector_load %arg5[%swap3A_246, %swap3A_247] {strides = array<i32>} : memref<16x2048xf32, #tpu.memory_space<vmem>>, vector<16xf32>,
      tpu.vector_store %arg5[%swap3A_246, %swap3A_247], %broadcast_in_dim3A_1 {strides = array<i32>} : memref<16x2048xf32, #tpu.memory_space<vmem>>, vector<16xf32>,
      %swap3A_249 = arith.index_cast %scan3A_117 : i32 to index
      %swap3A_250 = arith.constant 704 : index
      %swap3A_251 = tpu.vector_load %arg5[%swap3A_249, %swap3A_250] {strides = array<i32>} : memref<16x2048xf32, #tpu.memory_space<vmem>>, vector<16xf32>,
      tpu.vector_store %arg5[%swap3A_249, %swap3A_250], %broadcast_in_dim3A_1 {strides = array<i32>} : memref<16x2048xf32, #tpu.memory_space<vmem>>, vector<16xf32>,
      %swap3A_252 = arith.index_cast %scan3A_117 : i32 to index
      %swap3A_253 = arith.constant 720 : index
      %swap3A_254 = tpu.vector_load %arg5[%swap3A_252, %swap3A_253] {strides = array<i32>} : memref<16x2048xf32, #tpu.memory_space<vmem>>, vector<16xf32>,
      tpu.vector_store %arg5[%swap3A_252, %swap3A_253], %broadcast_in_dim3A_1 {strides = array<i32>} : memref<16x2048xf32, #tpu.memory_space<vmem>>, vector<16xf32>,
      %swap3A_255 = arith.index_cast %scan3A_117 : i32 to index
      %swap3A_256 = arith.constant 736 : index
      %swap3A_257 = tpu.vector_load %arg5[%swap3A_255, %swap3A_256] {strides = array<i32>} : memref<16x2048xf32, #tpu.memory_space<vmem>>, vector<16xf32>,
      tpu.vector_store %arg5[%swap3A_255, %swap3A_256], %broadcast_in_dim3A_1 {strides = array<i32>} : memref<16x2048xf32, #tpu.memory_space<vmem>>, vector<16xf32>,
      %swap3A_258 = arith.index_cast %scan3A_117 : i32 to index
      %swap3A_259 = arith.constant 752 : index
      %swap3A_260 = tpu.vector_load %arg5[%swap3A_258, %swap3A_259] {strides = array<i32>} : memref<16x2048xf32, #tpu.memory_space<vmem>>, vector<16xf32>,
      tpu.vector_store %arg5[%swap3A_258, %swap3A_259], %broadcast_in_dim3A_1 {strides = array<i32>} : memref<16x2048xf32, #tpu.memory_space<vmem>>, vector<16xf32>,
      %swap3A_261 = arith.index_cast %scan3A_117 : i32 to index
      %swap3A_262 = arith.constant 768 : index
      %swap3A_263 = tpu.vector_load %arg5[%swap3A_261, %swap3A_262] {strides = array<i32>} : memref<16x2048xf32, #tpu.memory_space<vmem>>, vector<16xf32>,
      tpu.vector_store %arg5[%swap3A_261, %swap3A_262], %broadcast_in_dim3A_1 {strides = array<i32>} : memref<16x2048xf32, #tpu.memory_space<vmem>>, vector<16xf32>,
      %swap3A_264 = arith.index_cast %scan3A_117 : i32 to index
      %swap3A_265 = arith.constant 784 : index
      %swap3A_266 = tpu.vector_load %arg5[%swap3A_264, %swap3A_265] {strides = array<i32>} : memref<16x2048xf32, #tpu.memory_space<vmem>>, vector<16xf32>,
      tpu.vector_store %arg5[%swap3A_264, %swap3A_265], %broadcast_in_dim3A_1 {strides = array<i32>} : memref<16x2048xf32, #tpu.memory_space<vmem>>, vector<16xf32>,
      %swap3A_267 = arith.index_cast %scan3A_117 : i32 to index
      %swap3A_268 = arith.constant 800 : index
      %swap3A_269 = tpu.vector_load %arg5[%swap3A_267, %swap3A_268] {strides = array<i32>} : memref<16x2048xf32, #tpu.memory_space<vmem>>, vector<16xf32>,
      tpu.vector_store %arg5[%swap3A_267, %swap3A_268], %broadcast_in_dim3A_1 {strides = array<i32>} : memref<16x2048xf32, #tpu.memory_space<vmem>>, vector<16xf32>,
      %swap3A_270 = arith.index_cast %scan3A_117 : i32 to index
      %swap3A_271 = arith.constant 816 : index
      %swap3A_272 = tpu.vector_load %arg5[%swap3A_270, %swap3A_271] {strides = array<i32>} : memref<16x2048xf32, #tpu.memory_space<vmem>>, vector<16xf32>,
      tpu.vector_store %arg5[%swap3A_270, %swap3A_271], %broadcast_in_dim3A_1 {strides = array<i32>} : memref<16x2048xf32, #tpu.memory_space<vmem>>, vector<16xf32>,
      %swap3A_273 = arith.index_cast %scan3A_117 : i32 to index
      %swap3A_274 = arith.constant 832 : index
      %swap3A_275 = tpu.vector_load %arg5[%swap3A_273, %swap3A_274] {strides = array<i32>} : memref<16x2048xf32, #tpu.memory_space<vmem>>, vector<16xf32>,
      tpu.vector_store %arg5[%swap3A_273, %swap3A_274], %broadcast_in_dim3A_1 {strides = array<i32>} : memref<16x2048xf32, #tpu.memory_space<vmem>>, vector<16xf32>,
      %swap3A_276 = arith.index_cast %scan3A_117 : i32 to index
      %swap3A_277 = arith.constant 848 : index
      %swap3A_278 = tpu.vector_load %arg5[%swap3A_276, %swap3A_277] {strides = array<i32>} : memref<16x2048xf32, #tpu.memory_space<vmem>>, vector<16xf32>,
      tpu.vector_store %arg5[%swap3A_276, %swap3A_277], %broadcast_in_dim3A_1 {strides = array<i32>} : memref<16x2048xf32, #tpu.memory_space<vmem>>, vector<16xf32>,
      %swap3A_279 = arith.index_cast %scan3A_117 : i32 to index
      %swap3A_280 = arith.constant 864 : index
      %swap3A_281 = tpu.vector_load %arg5[%swap3A_279, %swap3A_280] {strides = array<i32>} : memref<16x2048xf32, #tpu.memory_space<vmem>>, vector<16xf32>,
      tpu.vector_store %arg5[%swap3A_279, %swap3A_280], %broadcast_in_dim3A_1 {strides = array<i32>} : memref<16x2048xf32, #tpu.memory_space<vmem>>, vector<16xf32>,
      %swap3A_282 = arith.index_cast %scan3A_117 : i32 to index
      %swap3A_283 = arith.constant 880 : index
      %swap3A_284 = tpu.vector_load %arg5[%swap3A_282, %swap3A_283] {strides = array<i32>} : memref<16x2048xf32, #tpu.memory_space<vmem>>, vector<16xf32>,
      tpu.vector_store %arg5[%swap3A_282, %swap3A_283], %broadcast_in_dim3A_1 {strides = array<i32>} : memref<16x2048xf32, #tpu.memory_space<vmem>>, vector<16xf32>,
      %swap3A_285 = arith.index_cast %scan3A_117 : i32 to index
      %swap3A_286 = arith.constant 896 : index
      %swap3A_287 = tpu.vector_load %arg5[%swap3A_285, %swap3A_286] {strides = array<i32>} : memref<16x2048xf32, #tpu.memory_space<vmem>>, vector<16xf32>,
      tpu.vector_store %arg5[%swap3A_285, %swap3A_286], %broadcast_in_dim3A_1 {strides = array<i32>} : memref<16x2048xf32, #tpu.memory_space<vmem>>, vector<16xf32>,
      %swap3A_288 = arith.index_cast %scan3A_117 : i32 to index
      %swap3A_289 = arith.constant 912 : index
      %swap3A_290 = tpu.vector_load %arg5[%swap3A_288, %swap3A_289] {strides = array<i32>} : memref<16x2048xf32, #tpu.memory_space<vmem>>, vector<16xf32>,
      tpu.vector_store %arg5[%swap3A_288, %swap3A_289], %broadcast_in_dim3A_1 {strides = array<i32>} : memref<16x2048xf32, #tpu.memory_space<vmem>>, vector<16xf32>,
      %swap3A_291 = arith.index_cast %scan3A_117 : i32 to index
      %swap3A_292 = arith.constant 928 : index
      %swap3A_293 = tpu.vector_load %arg5[%swap3A_291, %swap3A_292] {strides = array<i32>} : memref<16x2048xf32, #tpu.memory_space<vmem>>, vector<16xf32>,
      tpu.vector_store %arg5[%swap3A_291, %swap3A_292], %broadcast_in_dim3A_1 {strides = array<i32>} : memref<16x2048xf32, #tpu.memory_space<vmem>>, vector<16xf32>,
      %swap3A_294 = arith.index_cast %scan3A_117 : i32 to index
      %swap3A_295 = arith.constant 944 : index
      %swap3A_296 = tpu.vector_load %arg5[%swap3A_294, %swap3A_295] {strides = array<i32>} : memref<16x2048xf32, #tpu.memory_space<vmem>>, vector<16xf32>,
      tpu.vector_store %arg5[%swap3A_294, %swap3A_295], %broadcast_in_dim3A_1 {strides = array<i32>} : memref<16x2048xf32, #tpu.memory_space<vmem>>, vector<16xf32>,
      %swap3A_297 = arith.index_cast %scan3A_117 : i32 to index
      %swap3A_298 = arith.constant 960 : index
      %swap3A_299 = tpu.vector_load %arg5[%swap3A_297, %swap3A_298] {strides = array<i32>} : memref<16x2048xf32, #tpu.memory_space<vmem>>, vector<16xf32>,
      tpu.vector_store %arg5[%swap3A_297, %swap3A_298], %broadcast_in_dim3A_1 {strides = array<i32>} : memref<16x2048xf32, #tpu.memory_space<vmem>>, vector<16xf32>,
      %swap3A_300 = arith.index_cast %scan3A_117 : i32 to index
      %swap3A_301 = arith.constant 976 : index
      %swap3A_302 = tpu.vector_load %arg5[%swap3A_300, %swap3A_301] {strides = array<i32>} : memref<16x2048xf32, #tpu.memory_space<vmem>>, vector<16xf32>,
      tpu.vector_store %arg5[%swap3A_300, %swap3A_301], %broadcast_in_dim3A_1 {strides = array<i32>} : memref<16x2048xf32, #tpu.memory_space<vmem>>, vector<16xf32>,
      %swap3A_303 = arith.index_cast %scan3A_117 : i32 to index
      %swap3A_304 = arith.constant 992 : index
      %swap3A_305 = tpu.vector_load %arg5[%swap3A_303, %swap3A_304] {strides = array<i32>} : memref<16x2048xf32, #tpu.memory_space<vmem>>, vector<16xf32>,
      tpu.vector_store %arg5[%swap3A_303, %swap3A_304], %broadcast_in_dim3A_1 {strides = array<i32>} : memref<16x2048xf32, #tpu.memory_space<vmem>>, vector<16xf32>,
      %swap3A_306 = arith.index_cast %scan3A_117 : i32 to index
      %swap3A_307 = arith.constant 1008 : index
      %swap3A_308 = tpu.vector_load %arg5[%swap3A_306, %swap3A_307] {strides = array<i32>} : memref<16x2048xf32, #tpu.memory_space<vmem>>, vector<16xf32>,
      tpu.vector_store %arg5[%swap3A_306, %swap3A_307], %broadcast_in_dim3A_1 {strides = array<i32>} : memref<16x2048xf32, #tpu.memory_space<vmem>>, vector<16xf32>,
      %swap3A_309 = arith.index_cast %scan3A_117 : i32 to index
      %swap3A_310 = arith.constant 1024 : index
      %swap3A_311 = tpu.vector_load %arg5[%swap3A_309, %swap3A_310] {strides = array<i32>} : memref<16x2048xf32, #tpu.memory_space<vmem>>, vector<16xf32>,
      tpu.vector_store %arg5[%swap3A_309, %swap3A_310], %broadcast_in_dim3A_1 {strides = array<i32>} : memref<16x2048xf32, #tpu.memory_space<vmem>>, vector<16xf32>,
      %swap3A_312 = arith.index_cast %scan3A_117 : i32 to index
      %swap3A_313 = arith.constant 1040 : index
      %swap3A_314 = tpu.vector_load %arg5[%swap3A_312, %swap3A_313] {strides = array<i32>} : memref<16x2048xf32, #tpu.memory_space<vmem>>, vector<16xf32>,
      tpu.vector_store %arg5[%swap3A_312, %swap3A_313], %broadcast_in_dim3A_1 {strides = array<i32>} : memref<16x2048xf32, #tpu.memory_space<vmem>>, vector<16xf32>,
      %swap3A_315 = arith.index_cast %scan3A_117 : i32 to index
      %swap3A_316 = arith.constant 1056 : index
      %swap3A_317 = tpu.vector_load %arg5[%swap3A_315, %swap3A_316] {strides = array<i32>} : memref<16x2048xf32, #tpu.memory_space<vmem>>, vector<16xf32>,
      tpu.vector_store %arg5[%swap3A_315, %swap3A_316], %broadcast_in_dim3A_1 {strides = array<i32>} : memref<16x2048xf32, #tpu.memory_space<vmem>>, vector<16xf32>,
      %swap3A_318 = arith.index_cast %scan3A_117 : i32 to index
      %swap3A_319 = arith.constant 1072 : index
      %swap3A_320 = tpu.vector_load %arg5[%swap3A_318, %swap3A_319] {strides = array<i32>} : memref<16x2048xf32, #tpu.memory_space<vmem>>, vector<16xf32>,
      tpu.vector_store %arg5[%swap3A_318, %swap3A_319], %broadcast_in_dim3A_1 {strides = array<i32>} : memref<16x2048xf32, #tpu.memory_space<vmem>>, vector<16xf32>,
      %swap3A_321 = arith.index_cast %scan3A_117 : i32 to index
      %swap3A_322 = arith.constant 1088 : index
      %swap3A_323 = tpu.vector_load %arg5[%swap3A_321, %swap3A_322] {strides = array<i32>} : memref<16x2048xf32, #tpu.memory_space<vmem>>, vector<16xf32>,
      tpu.vector_store %arg5[%swap3A_321, %swap3A_322], %broadcast_in_dim3A_1 {strides = array<i32>} : memref<16x2048xf32, #tpu.memory_space<vmem>>, vector<16xf32>,
      %swap3A_324 = arith.index_cast %scan3A_117 : i32 to index
      %swap3A_325 = arith.constant 1104 : index
      %swap3A_326 = tpu.vector_load %arg5[%swap3A_324, %swap3A_325] {strides = array<i32>} : memref<16x2048xf32, #tpu.memory_space<vmem>>, vector<16xf32>,
      tpu.vector_store %arg5[%swap3A_324, %swap3A_325], %broadcast_in_dim3A_1 {strides = array<i32>} : memref<16x2048xf32, #tpu.memory_space<vmem>>, vector<16xf32>,
      %swap3A_327 = arith.index_cast %scan3A_117 : i32 to index
      %swap3A_328 = arith.constant 1120 : index
      %swap3A_329 = tpu.vector_load %arg5[%swap3A_327, %swap3A_328] {strides = array<i32>} : memref<16x2048xf32, #tpu.memory_space<vmem>>, vector<16xf32>,
      tpu.vector_store %arg5[%swap3A_327, %swap3A_328], %broadcast_in_dim3A_1 {strides = array<i32>} : memref<16x2048xf32, #tpu.memory_space<vmem>>, vector<16xf32>,
      %swap3A_330 = arith.index_cast %scan3A_117 : i32 to index
      %swap3A_331 = arith.constant 1136 : index
      %swap3A_332 = tpu.vector_load %arg5[%swap3A_330, %swap3A_331] {strides = array<i32>} : memref<16x2048xf32, #tpu.memory_space<vmem>>, vector<16xf32>,
      tpu.vector_store %arg5[%swap3A_330, %swap3A_331], %broadcast_in_dim3A_1 {strides = array<i32>} : memref<16x2048xf32, #tpu.memory_space<vmem>>, vector<16xf32>,
      %swap3A_333 = arith.index_cast %scan3A_117 : i32 to index
      %swap3A_334 = arith.constant 1152 : index
      %swap3A_335 = tpu.vector_load %arg5[%swap3A_333, %swap3A_334] {strides = array<i32>} : memref<16x2048xf32, #tpu.memory_space<vmem>>, vector<16xf32>,
      tpu.vector_store %arg5[%swap3A_333, %swap3A_334], %broadcast_in_dim3A_1 {strides = array<i32>} : memref<16x2048xf32, #tpu.memory_space<vmem>>, vector<16xf32>,
      %swap3A_336 = arith.index_cast %scan3A_117 : i32 to index
      %swap3A_337 = arith.constant 1168 : index
      %swap3A_338 = tpu.vector_load %arg5[%swap3A_336, %swap3A_337] {strides = array<i32>} : memref<16x2048xf32, #tpu.memory_space<vmem>>, vector<16xf32>,
      tpu.vector_store %arg5[%swap3A_336, %swap3A_337], %broadcast_in_dim3A_1 {strides = array<i32>} : memref<16x2048xf32, #tpu.memory_space<vmem>>, vector<16xf32>,
      %swap3A_339 = arith.index_cast %scan3A_117 : i32 to index
      %swap3A_340 = arith.constant 1184 : index
      %swap3A_341 = tpu.vector_load %arg5[%swap3A_339, %swap3A_340] {strides = array<i32>} : memref<16x2048xf32, #tpu.memory_space<vmem>>, vector<16xf32>,
      tpu.vector_store %arg5[%swap3A_339, %swap3A_340], %broadcast_in_dim3A_1 {strides = array<i32>} : memref<16x2048xf32, #tpu.memory_space<vmem>>, vector<16xf32>,
      %swap3A_342 = arith.index_cast %scan3A_117 : i32 to index
      %swap3A_343 = arith.constant 1200 : index
      %swap3A_344 = tpu.vector_load %arg5[%swap3A_342, %swap3A_343] {strides = array<i32>} : memref<16x2048xf32, #tpu.memory_space<vmem>>, vector<16xf32>,
      tpu.vector_store %arg5[%swap3A_342, %swap3A_343], %broadcast_in_dim3A_1 {strides = array<i32>} : memref<16x2048xf32, #tpu.memory_space<vmem>>, vector<16xf32>,
      %swap3A_345 = arith.index_cast %scan3A_117 : i32 to index
      %swap3A_346 = arith.constant 1216 : index
      %swap3A_347 = tpu.vector_load %arg5[%swap3A_345, %swap3A_346] {strides = array<i32>} : memref<16x2048xf32, #tpu.memory_space<vmem>>, vector<16xf32>,
      tpu.vector_store %arg5[%swap3A_345, %swap3A_346], %broadcast_in_dim3A_1 {strides = array<i32>} : memref<16x2048xf32, #tpu.memory_space<vmem>>, vector<16xf32>,
      %swap3A_348 = arith.index_cast %scan3A_117 : i32 to index
      %swap3A_349 = arith.constant 1232 : index
      %swap3A_350 = tpu.vector_load %arg5[%swap3A_348, %swap3A_349] {strides = array<i32>} : memref<16x2048xf32, #tpu.memory_space<vmem>>, vector<16xf32>,
      tpu.vector_store %arg5[%swap3A_348, %swap3A_349], %broadcast_in_dim3A_1 {strides = array<i32>} : memref<16x2048xf32, #tpu.memory_space<vmem>>, vector<16xf32>,
      %swap3A_351 = arith.index_cast %scan3A_117 : i32 to index
      %swap3A_352 = arith.constant 1248 : index
      %swap3A_353 = tpu.vector_load %arg5[%swap3A_351, %swap3A_352] {strides = array<i32>} : memref<16x2048xf32, #tpu.memory_space<vmem>>, vector<16xf32>,
      tpu.vector_store %arg5[%swap3A_351, %swap3A_352], %broadcast_in_dim3A_1 {strides = array<i32>} : memref<16x2048xf32, #tpu.memory_space<vmem>>, vector<16xf32>,
      %swap3A_354 = arith.index_cast %scan3A_117 : i32 to index
      %swap3A_355 = arith.constant 1264 : index
      %swap3A_356 = tpu.vector_load %arg5[%swap3A_354, %swap3A_355] {strides = array<i32>} : memref<16x2048xf32, #tpu.memory_space<vmem>>, vector<16xf32>,
      tpu.vector_store %arg5[%swap3A_354, %swap3A_355], %broadcast_in_dim3A_1 {strides = array<i32>} : memref<16x2048xf32, #tpu.memory_space<vmem>>, vector<16xf32>,
      %swap3A_357 = arith.index_cast %scan3A_117 : i32 to index
      %swap3A_358 = arith.constant 1280 : index
      %swap3A_359 = tpu.vector_load %arg5[%swap3A_357, %swap3A_358] {strides = array<i32>} : memref<16x2048xf32, #tpu.memory_space<vmem>>, vector<16xf32>,
      tpu.vector_store %arg5[%swap3A_357, %swap3A_358], %broadcast_in_dim3A_1 {strides = array<i32>} : memref<16x2048xf32, #tpu.memory_space<vmem>>, vector<16xf32>,
      %swap3A_360 = arith.index_cast %scan3A_117 : i32 to index
      %swap3A_361 = arith.constant 1296 : index
      %swap3A_362 = tpu.vector_load %arg5[%swap3A_360, %swap3A_361] {strides = array<i32>} : memref<16x2048xf32, #tpu.memory_space<vmem>>, vector<16xf32>,
      tpu.vector_store %arg5[%swap3A_360, %swap3A_361], %broadcast_in_dim3A_1 {strides = array<i32>} : memref<16x2048xf32, #tpu.memory_space<vmem>>, vector<16xf32>,
      %swap3A_363 = arith.index_cast %scan3A_117 : i32 to index
      %swap3A_364 = arith.constant 1312 : index
      %swap3A_365 = tpu.vector_load %arg5[%swap3A_363, %swap3A_364] {strides = array<i32>} : memref<16x2048xf32, #tpu.memory_space<vmem>>, vector<16xf32>,
      tpu.vector_store %arg5[%swap3A_363, %swap3A_364], %broadcast_in_dim3A_1 {strides = array<i32>} : memref<16x2048xf32, #tpu.memory_space<vmem>>, vector<16xf32>,
      %swap3A_366 = arith.index_cast %scan3A_117 : i32 to index
      %swap3A_367 = arith.constant 1328 : index
      %swap3A_368 = tpu.vector_load %arg5[%swap3A_366, %swap3A_367] {strides = array<i32>} : memref<16x2048xf32, #tpu.memory_space<vmem>>, vector<16xf32>,
      tpu.vector_store %arg5[%swap3A_366, %swap3A_367], %broadcast_in_dim3A_1 {strides = array<i32>} : memref<16x2048xf32, #tpu.memory_space<vmem>>, vector<16xf32>,
      %swap3A_369 = arith.index_cast %scan3A_117 : i32 to index
      %swap3A_370 = arith.constant 1344 : index
      %swap3A_371 = tpu.vector_load %arg5[%swap3A_369, %swap3A_370] {strides = array<i32>} : memref<16x2048xf32, #tpu.memory_space<vmem>>, vector<16xf32>,
      tpu.vector_store %arg5[%swap3A_369, %swap3A_370], %broadcast_in_dim3A_1 {strides = array<i32>} : memref<16x2048xf32, #tpu.memory_space<vmem>>, vector<16xf32>,
      %swap3A_372 = arith.index_cast %scan3A_117 : i32 to index
      %swap3A_373 = arith.constant 1360 : index
      %swap3A_374 = tpu.vector_load %arg5[%swap3A_372, %swap3A_373] {strides = array<i32>} : memref<16x2048xf32, #tpu.memory_space<vmem>>, vector<16xf32>,
      tpu.vector_store %arg5[%swap3A_372, %swap3A_373], %broadcast_in_dim3A_1 {strides = array<i32>} : memref<16x2048xf32, #tpu.memory_space<vmem>>, vector<16xf32>,
      %swap3A_375 = arith.index_cast %scan3A_117 : i32 to index
      %swap3A_376 = arith.constant 1376 : index
      %swap3A_377 = tpu.vector_load %arg5[%swap3A_375, %swap3A_376] {strides = array<i32>} : memref<16x2048xf32, #tpu.memory_space<vmem>>, vector<16xf32>,
      tpu.vector_store %arg5[%swap3A_375, %swap3A_376], %broadcast_in_dim3A_1 {strides = array<i32>} : memref<16x2048xf32, #tpu.memory_space<vmem>>, vector<16xf32>,
      %swap3A_378 = arith.index_cast %scan3A_117 : i32 to index
      %swap3A_379 = arith.constant 1392 : index
      %swap3A_380 = tpu.vector_load %arg5[%swap3A_378, %swap3A_379] {strides = array<i32>} : memref<16x2048xf32, #tpu.memory_space<vmem>>, vector<16xf32>,
      tpu.vector_store %arg5[%swap3A_378, %swap3A_379], %broadcast_in_dim3A_1 {strides = array<i32>} : memref<16x2048xf32, #tpu.memory_space<vmem>>, vector<16xf32>,
      %swap3A_381 = arith.index_cast %scan3A_117 : i32 to index
      %swap3A_382 = arith.constant 1408 : index
      %swap3A_383 = tpu.vector_load %arg5[%swap3A_381, %swap3A_382] {strides = array<i32>} : memref<16x2048xf32, #tpu.memory_space<vmem>>, vector<16xf32>,
      tpu.vector_store %arg5[%swap3A_381, %swap3A_382], %broadcast_in_dim3A_1 {strides = array<i32>} : memref<16x2048xf32, #tpu.memory_space<vmem>>, vector<16xf32>,
      %swap3A_384 = arith.index_cast %scan3A_117 : i32 to index
      %swap3A_385 = arith.constant 1424 : index
      %swap3A_386 = tpu.vector_load %arg5[%swap3A_384, %swap3A_385] {strides = array<i32>} : memref<16x2048xf32, #tpu.memory_space<vmem>>, vector<16xf32>,
      tpu.vector_store %arg5[%swap3A_384, %swap3A_385], %broadcast_in_dim3A_1 {strides = array<i32>} : memref<16x2048xf32, #tpu.memory_space<vmem>>, vector<16xf32>,
      %swap3A_387 = arith.index_cast %scan3A_117 : i32 to index
      %swap3A_388 = arith.constant 1440 : index
      %swap3A_389 = tpu.vector_load %arg5[%swap3A_387, %swap3A_388] {strides = array<i32>} : memref<16x2048xf32, #tpu.memory_space<vmem>>, vector<16xf32>,
      tpu.vector_store %arg5[%swap3A_387, %swap3A_388], %broadcast_in_dim3A_1 {strides = array<i32>} : memref<16x2048xf32, #tpu.memory_space<vmem>>, vector<16xf32>,
      %swap3A_390 = arith.index_cast %scan3A_117 : i32 to index
      %swap3A_391 = arith.constant 1456 : index
      %swap3A_392 = tpu.vector_load %arg5[%swap3A_390, %swap3A_391] {strides = array<i32>} : memref<16x2048xf32, #tpu.memory_space<vmem>>, vector<16xf32>,
      tpu.vector_store %arg5[%swap3A_390, %swap3A_391], %broadcast_in_dim3A_1 {strides = array<i32>} : memref<16x2048xf32, #tpu.memory_space<vmem>>, vector<16xf32>,
      %swap3A_393 = arith.index_cast %scan3A_117 : i32 to index
      %swap3A_394 = arith.constant 1472 : index
      %swap3A_395 = tpu.vector_load %arg5[%swap3A_393, %swap3A_394] {strides = array<i32>} : memref<16x2048xf32, #tpu.memory_space<vmem>>, vector<16xf32>,
      tpu.vector_store %arg5[%swap3A_393, %swap3A_394], %broadcast_in_dim3A_1 {strides = array<i32>} : memref<16x2048xf32, #tpu.memory_space<vmem>>, vector<16xf32>,
      %swap3A_396 = arith.index_cast %scan3A_117 : i32 to index
      %swap3A_397 = arith.constant 1488 : index
      %swap3A_398 = tpu.vector_load %arg5[%swap3A_396, %swap3A_397] {strides = array<i32>} : memref<16x2048xf32, #tpu.memory_space<vmem>>, vector<16xf32>,
      tpu.vector_store %arg5[%swap3A_396, %swap3A_397], %broadcast_in_dim3A_1 {strides = array<i32>} : memref<16x2048xf32, #tpu.memory_space<vmem>>, vector<16xf32>,
      %swap3A_399 = arith.index_cast %scan3A_117 : i32 to index
      %swap3A_400 = arith.constant 1504 : index
      %swap3A_401 = tpu.vector_load %arg5[%swap3A_399, %swap3A_400] {strides = array<i32>} : memref<16x2048xf32, #tpu.memory_space<vmem>>, vector<16xf32>,
      tpu.vector_store %arg5[%swap3A_399, %swap3A_400], %broadcast_in_dim3A_1 {strides = array<i32>} : memref<16x2048xf32, #tpu.memory_space<vmem>>, vector<16xf32>,
      %swap3A_402 = arith.index_cast %scan3A_117 : i32 to index
      %swap3A_403 = arith.constant 1520 : index
      %swap3A_404 = tpu.vector_load %arg5[%swap3A_402, %swap3A_403] {strides = array<i32>} : memref<16x2048xf32, #tpu.memory_space<vmem>>, vector<16xf32>,
      tpu.vector_store %arg5[%swap3A_402, %swap3A_403], %broadcast_in_dim3A_1 {strides = array<i32>} : memref<16x2048xf32, #tpu.memory_space<vmem>>, vector<16xf32>,
      %swap3A_405 = arith.index_cast %scan3A_117 : i32 to index
      %swap3A_406 = arith.constant 1536 : index
      %swap3A_407 = tpu.vector_load %arg5[%swap3A_405, %swap3A_406] {strides = array<i32>} : memref<16x2048xf32, #tpu.memory_space<vmem>>, vector<16xf32>,
      tpu.vector_store %arg5[%swap3A_405, %swap3A_406], %broadcast_in_dim3A_1 {strides = array<i32>} : memref<16x2048xf32, #tpu.memory_space<vmem>>, vector<16xf32>,
      %swap3A_408 = arith.index_cast %scan3A_117 : i32 to index
      %swap3A_409 = arith.constant 1552 : index
      %swap3A_410 = tpu.vector_load %arg5[%swap3A_408, %swap3A_409] {strides = array<i32>} : memref<16x2048xf32, #tpu.memory_space<vmem>>, vector<16xf32>,
      tpu.vector_store %arg5[%swap3A_408, %swap3A_409], %broadcast_in_dim3A_1 {strides = array<i32>} : memref<16x2048xf32, #tpu.memory_space<vmem>>, vector<16xf32>,
      %swap3A_411 = arith.index_cast %scan3A_117 : i32 to index
      %swap3A_412 = arith.constant 1568 : index
      %swap3A_413 = tpu.vector_load %arg5[%swap3A_411, %swap3A_412] {strides = array<i32>} : memref<16x2048xf32, #tpu.memory_space<vmem>>, vector<16xf32>,
      tpu.vector_store %arg5[%swap3A_411, %swap3A_412], %broadcast_in_dim3A_1 {strides = array<i32>} : memref<16x2048xf32, #tpu.memory_space<vmem>>, vector<16xf32>,
      %swap3A_414 = arith.index_cast %scan3A_117 : i32 to index
      %swap3A_415 = arith.constant 1584 : index
      %swap3A_416 = tpu.vector_load %arg5[%swap3A_414, %swap3A_415] {strides = array<i32>} : memref<16x2048xf32, #tpu.memory_space<vmem>>, vector<16xf32>,
      tpu.vector_store %arg5[%swap3A_414, %swap3A_415], %broadcast_in_dim3A_1 {strides = array<i32>} : memref<16x2048xf32, #tpu.memory_space<vmem>>, vector<16xf32>,
      %swap3A_417 = arith.index_cast %scan3A_117 : i32 to index
      %swap3A_418 = arith.constant 1600 : index
      %swap3A_419 = tpu.vector_load %arg5[%swap3A_417, %swap3A_418] {strides = array<i32>} : memref<16x2048xf32, #tpu.memory_space<vmem>>, vector<16xf32>,
      tpu.vector_store %arg5[%swap3A_417, %swap3A_418], %broadcast_in_dim3A_1 {strides = array<i32>} : memref<16x2048xf32, #tpu.memory_space<vmem>>, vector<16xf32>,
      %swap3A_420 = arith.index_cast %scan3A_117 : i32 to index
      %swap3A_421 = arith.constant 1616 : index
      %swap3A_422 = tpu.vector_load %arg5[%swap3A_420, %swap3A_421] {strides = array<i32>} : memref<16x2048xf32, #tpu.memory_space<vmem>>, vector<16xf32>,
      tpu.vector_store %arg5[%swap3A_420, %swap3A_421], %broadcast_in_dim3A_1 {strides = array<i32>} : memref<16x2048xf32, #tpu.memory_space<vmem>>, vector<16xf32>,
      %swap3A_423 = arith.index_cast %scan3A_117 : i32 to index
      %swap3A_424 = arith.constant 1632 : index
      %swap3A_425 = tpu.vector_load %arg5[%swap3A_423, %swap3A_424] {strides = array<i32>} : memref<16x2048xf32, #tpu.memory_space<vmem>>, vector<16xf32>,
      tpu.vector_store %arg5[%swap3A_423, %swap3A_424], %broadcast_in_dim3A_1 {strides = array<i32>} : memref<16x2048xf32, #tpu.memory_space<vmem>>, vector<16xf32>,
      %swap3A_426 = arith.index_cast %scan3A_117 : i32 to index
      %swap3A_427 = arith.constant 1648 : index
      %swap3A_428 = tpu.vector_load %arg5[%swap3A_426, %swap3A_427] {strides = array<i32>} : memref<16x2048xf32, #tpu.memory_space<vmem>>, vector<16xf32>,
      tpu.vector_store %arg5[%swap3A_426, %swap3A_427], %broadcast_in_dim3A_1 {strides = array<i32>} : memref<16x2048xf32, #tpu.memory_space<vmem>>, vector<16xf32>,
      %swap3A_429 = arith.index_cast %scan3A_117 : i32 to index
      %swap3A_430 = arith.constant 1664 : index
      %swap3A_431 = tpu.vector_load %arg5[%swap3A_429, %swap3A_430] {strides = array<i32>} : memref<16x2048xf32, #tpu.memory_space<vmem>>, vector<16xf32>,
      tpu.vector_store %arg5[%swap3A_429, %swap3A_430], %broadcast_in_dim3A_1 {strides = array<i32>} : memref<16x2048xf32, #tpu.memory_space<vmem>>, vector<16xf32>,
      %swap3A_432 = arith.index_cast %scan3A_117 : i32 to index
      %swap3A_433 = arith.constant 1680 : index
      %swap3A_434 = tpu.vector_load %arg5[%swap3A_432, %swap3A_433] {strides = array<i32>} : memref<16x2048xf32, #tpu.memory_space<vmem>>, vector<16xf32>,
      tpu.vector_store %arg5[%swap3A_432, %swap3A_433], %broadcast_in_dim3A_1 {strides = array<i32>} : memref<16x2048xf32, #tpu.memory_space<vmem>>, vector<16xf32>,
      %swap3A_435 = arith.index_cast %scan3A_117 : i32 to index
      %swap3A_436 = arith.constant 1696 : index
      %swap3A_437 = tpu.vector_load %arg5[%swap3A_435, %swap3A_436] {strides = array<i32>} : memref<16x2048xf32, #tpu.memory_space<vmem>>, vector<16xf32>,
      tpu.vector_store %arg5[%swap3A_435, %swap3A_436], %broadcast_in_dim3A_1 {strides = array<i32>} : memref<16x2048xf32, #tpu.memory_space<vmem>>, vector<16xf32>,
      %swap3A_438 = arith.index_cast %scan3A_117 : i32 to index
      %swap3A_439 = arith.constant 1712 : index
      %swap3A_440 = tpu.vector_load %arg5[%swap3A_438, %swap3A_439] {strides = array<i32>} : memref<16x2048xf32, #tpu.memory_space<vmem>>, vector<16xf32>,
      tpu.vector_store %arg5[%swap3A_438, %swap3A_439], %broadcast_in_dim3A_1 {strides = array<i32>} : memref<16x2048xf32, #tpu.memory_space<vmem>>, vector<16xf32>,
      %swap3A_441 = arith.index_cast %scan3A_117 : i32 to index
      %swap3A_442 = arith.constant 1728 : index
      %swap3A_443 = tpu.vector_load %arg5[%swap3A_441, %swap3A_442] {strides = array<i32>} : memref<16x2048xf32, #tpu.memory_space<vmem>>, vector<16xf32>,
      tpu.vector_store %arg5[%swap3A_441, %swap3A_442], %broadcast_in_dim3A_1 {strides = array<i32>} : memref<16x2048xf32, #tpu.memory_space<vmem>>, vector<16xf32>,
      %swap3A_444 = arith.index_cast %scan3A_117 : i32 to index
      %swap3A_445 = arith.constant 1744 : index
      %swap3A_446 = tpu.vector_load %arg5[%swap3A_444, %swap3A_445] {strides = array<i32>} : memref<16x2048xf32, #tpu.memory_space<vmem>>, vector<16xf32>,
      tpu.vector_store %arg5[%swap3A_444, %swap3A_445], %broadcast_in_dim3A_1 {strides = array<i32>} : memref<16x2048xf32, #tpu.memory_space<vmem>>, vector<16xf32>,
      %swap3A_447 = arith.index_cast %scan3A_117 : i32 to index
      %swap3A_448 = arith.constant 1760 : index
      %swap3A_449 = tpu.vector_load %arg5[%swap3A_447, %swap3A_448] {strides = array<i32>} : memref<16x2048xf32, #tpu.memory_space<vmem>>, vector<16xf32>,
      tpu.vector_store %arg5[%swap3A_447, %swap3A_448], %broadcast_in_dim3A_1 {strides = array<i32>} : memref<16x2048xf32, #tpu.memory_space<vmem>>, vector<16xf32>,
      %swap3A_450 = arith.index_cast %scan3A_117 : i32 to index
      %swap3A_451 = arith.constant 1776 : index
      %swap3A_452 = tpu.vector_load %arg5[%swap3A_450, %swap3A_451] {strides = array<i32>} : memref<16x2048xf32, #tpu.memory_space<vmem>>, vector<16xf32>,
      tpu.vector_store %arg5[%swap3A_450, %swap3A_451], %broadcast_in_dim3A_1 {strides = array<i32>} : memref<16x2048xf32, #tpu.memory_space<vmem>>, vector<16xf32>,
      %swap3A_453 = arith.index_cast %scan3A_117 : i32 to index
      %swap3A_454 = arith.constant 1792 : index
      %swap3A_455 = tpu.vector_load %arg5[%swap3A_453, %swap3A_454] {strides = array<i32>} : memref<16x2048xf32, #tpu.memory_space<vmem>>, vector<16xf32>,
      tpu.vector_store %arg5[%swap3A_453, %swap3A_454], %broadcast_in_dim3A_1 {strides = array<i32>} : memref<16x2048xf32, #tpu.memory_space<vmem>>, vector<16xf32>,
      %swap3A_456 = arith.index_cast %scan3A_117 : i32 to index
      %swap3A_457 = arith.constant 1808 : index
      %swap3A_458 = tpu.vector_load %arg5[%swap3A_456, %swap3A_457] {strides = array<i32>} : memref<16x2048xf32, #tpu.memory_space<vmem>>, vector<16xf32>,
      tpu.vector_store %arg5[%swap3A_456, %swap3A_457], %broadcast_in_dim3A_1 {strides = array<i32>} : memref<16x2048xf32, #tpu.memory_space<vmem>>, vector<16xf32>,
      %swap3A_459 = arith.index_cast %scan3A_117 : i32 to index
      %swap3A_460 = arith.constant 1824 : index
      %swap3A_461 = tpu.vector_load %arg5[%swap3A_459, %swap3A_460] {strides = array<i32>} : memref<16x2048xf32, #tpu.memory_space<vmem>>, vector<16xf32>,
      tpu.vector_store %arg5[%swap3A_459, %swap3A_460], %broadcast_in_dim3A_1 {strides = array<i32>} : memref<16x2048xf32, #tpu.memory_space<vmem>>, vector<16xf32>,
      %swap3A_462 = arith.index_cast %scan3A_117 : i32 to index
      %swap3A_463 = arith.constant 1840 : index
      %swap3A_464 = tpu.vector_load %arg5[%swap3A_462, %swap3A_463] {strides = array<i32>} : memref<16x2048xf32, #tpu.memory_space<vmem>>, vector<16xf32>,
      tpu.vector_store %arg5[%swap3A_462, %swap3A_463], %broadcast_in_dim3A_1 {strides = array<i32>} : memref<16x2048xf32, #tpu.memory_space<vmem>>, vector<16xf32>,
      %swap3A_465 = arith.index_cast %scan3A_117 : i32 to index
      %swap3A_466 = arith.constant 1856 : index
      %swap3A_467 = tpu.vector_load %arg5[%swap3A_465, %swap3A_466] {strides = array<i32>} : memref<16x2048xf32, #tpu.memory_space<vmem>>, vector<16xf32>,
      tpu.vector_store %arg5[%swap3A_465, %swap3A_466], %broadcast_in_dim3A_1 {strides = array<i32>} : memref<16x2048xf32, #tpu.memory_space<vmem>>, vector<16xf32>,
      %swap3A_468 = arith.index_cast %scan3A_117 : i32 to index
      %swap3A_469 = arith.constant 1872 : index
      %swap3A_470 = tpu.vector_load %arg5[%swap3A_468, %swap3A_469] {strides = array<i32>} : memref<16x2048xf32, #tpu.memory_space<vmem>>, vector<16xf32>,
      tpu.vector_store %arg5[%swap3A_468, %swap3A_469], %broadcast_in_dim3A_1 {strides = array<i32>} : memref<16x2048xf32, #tpu.memory_space<vmem>>, vector<16xf32>,
      %swap3A_471 = arith.index_cast %scan3A_117 : i32 to index
      %swap3A_472 = arith.constant 1888 : index
      %swap3A_473 = tpu.vector_load %arg5[%swap3A_471, %swap3A_472] {strides = array<i32>} : memref<16x2048xf32, #tpu.memory_space<vmem>>, vector<16xf32>,
      tpu.vector_store %arg5[%swap3A_471, %swap3A_472], %broadcast_in_dim3A_1 {strides = array<i32>} : memref<16x2048xf32, #tpu.memory_space<vmem>>, vector<16xf32>,
      %swap3A_474 = arith.index_cast %scan3A_117 : i32 to index
      %swap3A_475 = arith.constant 1904 : index
      %swap3A_476 = tpu.vector_load %arg5[%swap3A_474, %swap3A_475] {strides = array<i32>} : memref<16x2048xf32, #tpu.memory_space<vmem>>, vector<16xf32>,
      tpu.vector_store %arg5[%swap3A_474, %swap3A_475], %broadcast_in_dim3A_1 {strides = array<i32>} : memref<16x2048xf32, #tpu.memory_space<vmem>>, vector<16xf32>,
      %swap3A_477 = arith.index_cast %scan3A_117 : i32 to index
      %swap3A_478 = arith.constant 1920 : index
      %swap3A_479 = tpu.vector_load %arg5[%swap3A_477, %swap3A_478] {strides = array<i32>} : memref<16x2048xf32, #tpu.memory_space<vmem>>, vector<16xf32>,
      tpu.vector_store %arg5[%swap3A_477, %swap3A_478], %broadcast_in_dim3A_1 {strides = array<i32>} : memref<16x2048xf32, #tpu.memory_space<vmem>>, vector<16xf32>,
      %swap3A_480 = arith.index_cast %scan3A_117 : i32 to index
      %swap3A_481 = arith.constant 1936 : index
      %swap3A_482 = tpu.vector_load %arg5[%swap3A_480, %swap3A_481] {strides = array<i32>} : memref<16x2048xf32, #tpu.memory_space<vmem>>, vector<16xf32>,
      tpu.vector_store %arg5[%swap3A_480, %swap3A_481], %broadcast_in_dim3A_1 {strides = array<i32>} : memref<16x2048xf32, #tpu.memory_space<vmem>>, vector<16xf32>,
      %swap3A_483 = arith.index_cast %scan3A_117 : i32 to index
      %swap3A_484 = arith.constant 1952 : index
      %swap3A_485 = tpu.vector_load %arg5[%swap3A_483, %swap3A_484] {strides = array<i32>} : memref<16x2048xf32, #tpu.memory_space<vmem>>, vector<16xf32>,
      tpu.vector_store %arg5[%swap3A_483, %swap3A_484], %broadcast_in_dim3A_1 {strides = array<i32>} : memref<16x2048xf32, #tpu.memory_space<vmem>>, vector<16xf32>,
      %swap3A_486 = arith.index_cast %scan3A_117 : i32 to index
      %swap3A_487 = arith.constant 1968 : index
      %swap3A_488 = tpu.vector_load %arg5[%swap3A_486, %swap3A_487] {strides = array<i32>} : memref<16x2048xf32, #tpu.memory_space<vmem>>, vector<16xf32>,
      tpu.vector_store %arg5[%swap3A_486, %swap3A_487], %broadcast_in_dim3A_1 {strides = array<i32>} : memref<16x2048xf32, #tpu.memory_space<vmem>>, vector<16xf32>,
      %swap3A_489 = arith.index_cast %scan3A_117 : i32 to index
      %swap3A_490 = arith.constant 1984 : index
      %swap3A_491 = tpu.vector_load %arg5[%swap3A_489, %swap3A_490] {strides = array<i32>} : memref<16x2048xf32, #tpu.memory_space<vmem>>, vector<16xf32>,
      tpu.vector_store %arg5[%swap3A_489, %swap3A_490], %broadcast_in_dim3A_1 {strides = array<i32>} : memref<16x2048xf32, #tpu.memory_space<vmem>>, vector<16xf32>,
      %swap3A_492 = arith.index_cast %scan3A_117 : i32 to index
      %swap3A_493 = arith.constant 2000 : index
      %swap3A_494 = tpu.vector_load %arg5[%swap3A_492, %swap3A_493] {strides = array<i32>} : memref<16x2048xf32, #tpu.memory_space<vmem>>, vector<16xf32>,
      tpu.vector_store %arg5[%swap3A_492, %swap3A_493], %broadcast_in_dim3A_1 {strides = array<i32>} : memref<16x2048xf32, #tpu.memory_space<vmem>>, vector<16xf32>,
      %swap3A_495 = arith.index_cast %scan3A_117 : i32 to index
      %swap3A_496 = arith.constant 2016 : index
      %swap3A_497 = tpu.vector_load %arg5[%swap3A_495, %swap3A_496] {strides = array<i32>} : memref<16x2048xf32, #tpu.memory_space<vmem>>, vector<16xf32>,
      tpu.vector_store %arg5[%swap3A_495, %swap3A_496], %broadcast_in_dim3A_1 {strides = array<i32>} : memref<16x2048xf32, #tpu.memory_space<vmem>>, vector<16xf32>,
      %swap3A_498 = arith.index_cast %scan3A_117 : i32 to index
      %swap3A_499 = arith.constant 2032 : index
      %swap3A_500 = tpu.vector_load %arg5[%swap3A_498, %swap3A_499] {strides = array<i32>} : memref<16x2048xf32, #tpu.memory_space<vmem>>, vector<16xf32>,
      tpu.vector_store %arg5[%swap3A_498, %swap3A_499], %broadcast_in_dim3A_1 {strides = array<i32>} : memref<16x2048xf32, #tpu.memory_space<vmem>>, vector<16xf32>,
    }
    %scan3A_12 = arith.constant 16 : i32
    %scan3A_13 = arith.constant 0 : i32
    %scan3A_14 = arith.constant 0 : i32
    %scan3A_15 = arith.constant 16 : i32
    %scan3A_16 = arith.addi %scan3A_14, %scan3A_15 : i32
    %scan3A_17 = arith.constant 1 : i32
    scf.for %scan3A_117 = %scan3A_14 to %scan3A_16 step %scan3A_17  : i32 {
      %broadcast_in_dim3A_118 = arith.constant 0 : i32
      %broadcast_in_dim3A_119 = vector.broadcast %broadcast_in_dim3A_118 : i32 to vector<16xi32>
      %add3A_120 = vector.broadcast %scan3A_117 : i32 to vector<16xi32>
      %add3A_121 = arith.addi %broadcast_in_dim3A_119, %add3A_120 : vector<16xi32>
      %scan3A_122 = arith.constant 0 : i32
      %scan3A_123 = arith.constant 0 : i32
      %scan3A_124 = arith.constant 8 : i32
      %scan3A_125 = arith.addi %scan3A_123, %scan3A_124 : i32
      %scan3A_126 = arith.constant 1 : i32
      scf.for %scan3A_128 = %scan3A_123 to %scan3A_125 step %scan3A_126  : i32 {
        %add3A_129 = arith.constant 0 : i32
        %add3A_130 = arith.addi %add3A_129, %scan3A_117 : i32
        %mul3A_131 = arith.constant 4 : i32
        %mul3A_132 = arith.muli %scan3A_128, %mul3A_131 : i32
        %add3A_133 = arith.constant 0 : i32
        %add3A_134 = arith.addi %mul3A_132, %add3A_133 : i32
        %mul3A_135 = arith.constant 16 : i32
        %mul3A_136 = arith.muli %add3A_134, %mul3A_135 : i32
        %get3A = arith.index_cast %add3A_130 : i32 to index
        %get3A_137 = arith.index_cast %mul3A_136 : i32 to index
        %get3A_138 = tpu.vector_load %arg4[%get3A, %get3A_137] {strides = array<i32>} : memref<64x512xi32, #tpu.memory_space<vmem>>, vector<16xi32>,
        tpu.vector_store_idx %arg5[%add3A_121, %get3A_138], %broadcast_in_dim3A_3 {add = true} : memref<16x2048xf32, #tpu.memory_space<vmem>>[vector<16xi32>, vector<16xi32>], vector<16xf32>,
        %add3A_139 = arith.constant 0 : i32
        %add3A_140 = arith.addi %add3A_139, %scan3A_117 : i32
        %mul3A_141 = arith.constant 4 : i32
        %mul3A_142 = arith.muli %scan3A_128, %mul3A_141 : i32
        %add3A_143 = arith.constant 1 : i32
        %add3A_144 = arith.addi %mul3A_142, %add3A_143 : i32
        %mul3A_145 = arith.constant 16 : i32
        %mul3A_146 = arith.muli %add3A_144, %mul3A_145 : i32
        %get3A_147 = arith.index_cast %add3A_140 : i32 to index
        %get3A_148 = arith.index_cast %mul3A_146 : i32 to index
        %get3A_149 = tpu.vector_load %arg4[%get3A_147, %get3A_148] {strides = array<i32>} : memref<64x512xi32, #tpu.memory_space<vmem>>, vector<16xi32>,
        tpu.vector_store_idx %arg5[%add3A_121, %get3A_149], %broadcast_in_dim3A_3 {add = true} : memref<16x2048xf32, #tpu.memory_space<vmem>>[vector<16xi32>, vector<16xi32>], vector<16xf32>,
        %add3A_150 = arith.constant 0 : i32
        %add3A_151 = arith.addi %add3A_150, %scan3A_117 : i32
        %mul3A_152 = arith.constant 4 : i32
        %mul3A_153 = arith.muli %scan3A_128, %mul3A_152 : i32
        %add3A_154 = arith.constant 2 : i32
        %add3A_155 = arith.addi %mul3A_153, %add3A_154 : i32
        %mul3A_156 = arith.constant 16 : i32
        %mul3A_157 = arith.muli %add3A_155, %mul3A_156 : i32
        %get3A_158 = arith.index_cast %add3A_151 : i32 to index
        %get3A_159 = arith.index_cast %mul3A_157 : i32 to index
        %get3A_160 = tpu.vector_load %arg4[%get3A_158, %get3A_159] {strides = array<i32>} : memref<64x512xi32, #tpu.memory_space<vmem>>, vector<16xi32>,
        tpu.vector_store_idx %arg5[%add3A_121, %get3A_160], %broadcast_in_dim3A_3 {add = true} : memref<16x2048xf32, #tpu.memory_space<vmem>>[vector<16xi32>, vector<16xi32>], vector<16xf32>,
        %add3A_161 = arith.constant 0 : i32
        %add3A_162 = arith.addi %add3A_161, %scan3A_117 : i32
        %mul3A_163 = arith.constant 4 : i32
        %mul3A_164 = arith.muli %scan3A_128, %mul3A_163 : i32
        %add3A_165 = arith.constant 3 : i32
        %add3A_166 = arith.addi %mul3A_164, %add3A_165 : i32
        %mul3A_167 = arith.constant 16 : i32
        %mul3A_168 = arith.muli %add3A_166, %mul3A_167 : i32
        %get3A_169 = arith.index_cast %add3A_162 : i32 to index
        %get3A_170 = arith.index_cast %mul3A_168 : i32 to index
        %get3A_171 = tpu.vector_load %arg4[%get3A_169, %get3A_170] {strides = array<i32>} : memref<64x512xi32, #tpu.memory_space<vmem>>, vector<16xi32>,
        tpu.vector_store_idx %arg5[%add3A_121, %get3A_171], %broadcast_in_dim3A_3 {add = true} : memref<16x2048xf32, #tpu.memory_space<vmem>>[vector<16xi32>, vector<16xi32>], vector<16xf32>,
      }
      %scan3A_127 = arith.constant 8 : i32
    }
    %scan3A_18 = arith.constant 16 : i32
    %add3A_19 = arith.constant 0 : i32
    %add3A_20 = arith.addi %mul3A_5, %add3A_19 : i32
    %mul3A_21 = arith.constant 16 : i32
    %mul3A_22 = arith.muli %add3A_20, %mul3A_21 : i32
    %dma_start3A = arith.constant 0 : i32
    %dma_start3A_23 = tpu.memref_slice %arg3[%mul3A_22, %dma_start3A] : memref<2048x2048xf32, #tpu.memory_space<hbm>> -> memref<16x2048xf32, #tpu.memory_space<hbm>>
    %dma_start3A_24 = arith.constant 0 : i32
    %dma_start3A_25 = tpu.memref_slice %arg3[%mul3A_22, %dma_start3A_24] : memref<2048x2048xf32, #tpu.memory_space<hbm>> -> memref<16x2048xf32, #tpu.memory_space<hbm>>
    tpu.enqueue_dma source(%arg5 : memref<16x2048xf32, #tpu.memory_space<vmem>>) target(%dma_start3A_25 : memref<16x2048xf32, #tpu.memory_space<hbm>>) target_semaphore(%arg7 : memref<!tpu.dma_semaphore, #tpu.memory_space<semaphore_mem>>)
    %scan3A_26 = arith.constant 0 : i32
    %scan3A_27 = arith.constant 0 : i32
    %scan3A_28 = arith.constant 16 : i32
    %scan3A_29 = arith.addi %scan3A_27, %scan3A_28 : i32
    %scan3A_30 = arith.constant 1 : i32
    scf.for %scan3A_117 = %scan3A_27 to %scan3A_29 step %scan3A_30  : i32 {
      %swap3A = arith.index_cast %scan3A_117 : i32 to index
      %swap3A_118 = arith.constant 0 : index
      %swap3A_119 = tpu.vector_load %arg6[%swap3A, %swap3A_118] {strides = array<i32>} : memref<16x2048xf32, #tpu.memory_space<vmem>>, vector<16xf32>,
      tpu.vector_store %arg6[%swap3A, %swap3A_118], %broadcast_in_dim3A_1 {strides = array<i32>} : memref<16x2048xf32, #tpu.memory_space<vmem>>, vector<16xf32>,
      %swap3A_120 = arith.index_cast %scan3A_117 : i32 to index
      %swap3A_121 = arith.constant 16 : index
      %swap3A_122 = tpu.vector_load %arg6[%swap3A_120, %swap3A_121] {strides = array<i32>} : memref<16x2048xf32, #tpu.memory_space<vmem>>, vector<16xf32>,
      tpu.vector_store %arg6[%swap3A_120, %swap3A_121], %broadcast_in_dim3A_1 {strides = array<i32>} : memref<16x2048xf32, #tpu.memory_space<vmem>>, vector<16xf32>,
      %swap3A_123 = arith.index_cast %scan3A_117 : i32 to index
      %swap3A_124 = arith.constant 32 : index
      %swap3A_125 = tpu.vector_load %arg6[%swap3A_123, %swap3A_124] {strides = array<i32>} : memref<16x2048xf32, #tpu.memory_space<vmem>>, vector<16xf32>,
      tpu.vector_store %arg6[%swap3A_123, %swap3A_124], %broadcast_in_dim3A_1 {strides = array<i32>} : memref<16x2048xf32, #tpu.memory_space<vmem>>, vector<16xf32>,
      %swap3A_126 = arith.index_cast %scan3A_117 : i32 to index
      %swap3A_127 = arith.constant 48 : index
      %swap3A_128 = tpu.vector_load %arg6[%swap3A_126, %swap3A_127] {strides = array<i32>} : memref<16x2048xf32, #tpu.memory_space<vmem>>, vector<16xf32>,
      tpu.vector_store %arg6[%swap3A_126, %swap3A_127], %broadcast_in_dim3A_1 {strides = array<i32>} : memref<16x2048xf32, #tpu.memory_space<vmem>>, vector<16xf32>,
      %swap3A_129 = arith.index_cast %scan3A_117 : i32 to index
      %swap3A_130 = arith.constant 64 : index
      %swap3A_131 = tpu.vector_load %arg6[%swap3A_129, %swap3A_130] {strides = array<i32>} : memref<16x2048xf32, #tpu.memory_space<vmem>>, vector<16xf32>,
      tpu.vector_store %arg6[%swap3A_129, %swap3A_130], %broadcast_in_dim3A_1 {strides = array<i32>} : memref<16x2048xf32, #tpu.memory_space<vmem>>, vector<16xf32>,
      %swap3A_132 = arith.index_cast %scan3A_117 : i32 to index
      %swap3A_133 = arith.constant 80 : index
      %swap3A_134 = tpu.vector_load %arg6[%swap3A_132, %swap3A_133] {strides = array<i32>} : memref<16x2048xf32, #tpu.memory_space<vmem>>, vector<16xf32>,
      tpu.vector_store %arg6[%swap3A_132, %swap3A_133], %broadcast_in_dim3A_1 {strides = array<i32>} : memref<16x2048xf32, #tpu.memory_space<vmem>>, vector<16xf32>,
      %swap3A_135 = arith.index_cast %scan3A_117 : i32 to index
      %swap3A_136 = arith.constant 96 : index
      %swap3A_137 = tpu.vector_load %arg6[%swap3A_135, %swap3A_136] {strides = array<i32>} : memref<16x2048xf32, #tpu.memory_space<vmem>>, vector<16xf32>,
      tpu.vector_store %arg6[%swap3A_135, %swap3A_136], %broadcast_in_dim3A_1 {strides = array<i32>} : memref<16x2048xf32, #tpu.memory_space<vmem>>, vector<16xf32>,
      %swap3A_138 = arith.index_cast %scan3A_117 : i32 to index
      %swap3A_139 = arith.constant 112 : index
      %swap3A_140 = tpu.vector_load %arg6[%swap3A_138, %swap3A_139] {strides = array<i32>} : memref<16x2048xf32, #tpu.memory_space<vmem>>, vector<16xf32>,
      tpu.vector_store %arg6[%swap3A_138, %swap3A_139], %broadcast_in_dim3A_1 {strides = array<i32>} : memref<16x2048xf32, #tpu.memory_space<vmem>>, vector<16xf32>,
      %swap3A_141 = arith.index_cast %scan3A_117 : i32 to index
      %swap3A_142 = arith.constant 128 : index
      %swap3A_143 = tpu.vector_load %arg6[%swap3A_141, %swap3A_142] {strides = array<i32>} : memref<16x2048xf32, #tpu.memory_space<vmem>>, vector<16xf32>,
      tpu.vector_store %arg6[%swap3A_141, %swap3A_142], %broadcast_in_dim3A_1 {strides = array<i32>} : memref<16x2048xf32, #tpu.memory_space<vmem>>, vector<16xf32>,
      %swap3A_144 = arith.index_cast %scan3A_117 : i32 to index
      %swap3A_145 = arith.constant 144 : index
      %swap3A_146 = tpu.vector_load %arg6[%swap3A_144, %swap3A_145] {strides = array<i32>} : memref<16x2048xf32, #tpu.memory_space<vmem>>, vector<16xf32>,
      tpu.vector_store %arg6[%swap3A_144, %swap3A_145], %broadcast_in_dim3A_1 {strides = array<i32>} : memref<16x2048xf32, #tpu.memory_space<vmem>>, vector<16xf32>,
      %swap3A_147 = arith.index_cast %scan3A_117 : i32 to index
      %swap3A_148 = arith.constant 160 : index
      %swap3A_149 = tpu.vector_load %arg6[%swap3A_147, %swap3A_148] {strides = array<i32>} : memref<16x2048xf32, #tpu.memory_space<vmem>>, vector<16xf32>,
      tpu.vector_store %arg6[%swap3A_147, %swap3A_148], %broadcast_in_dim3A_1 {strides = array<i32>} : memref<16x2048xf32, #tpu.memory_space<vmem>>, vector<16xf32>,
      %swap3A_150 = arith.index_cast %scan3A_117 : i32 to index
      %swap3A_151 = arith.constant 176 : index
      %swap3A_152 = tpu.vector_load %arg6[%swap3A_150, %swap3A_151] {strides = array<i32>} : memref<16x2048xf32, #tpu.memory_space<vmem>>, vector<16xf32>,
      tpu.vector_store %arg6[%swap3A_150, %swap3A_151], %broadcast_in_dim3A_1 {strides = array<i32>} : memref<16x2048xf32, #tpu.memory_space<vmem>>, vector<16xf32>,
      %swap3A_153 = arith.index_cast %scan3A_117 : i32 to index
      %swap3A_154 = arith.constant 192 : index
      %swap3A_155 = tpu.vector_load %arg6[%swap3A_153, %swap3A_154] {strides = array<i32>} : memref<16x2048xf32, #tpu.memory_space<vmem>>, vector<16xf32>,
      tpu.vector_store %arg6[%swap3A_153, %swap3A_154], %broadcast_in_dim3A_1 {strides = array<i32>} : memref<16x2048xf32, #tpu.memory_space<vmem>>, vector<16xf32>,
      %swap3A_156 = arith.index_cast %scan3A_117 : i32 to index
      %swap3A_157 = arith.constant 208 : index
      %swap3A_158 = tpu.vector_load %arg6[%swap3A_156, %swap3A_157] {strides = array<i32>} : memref<16x2048xf32, #tpu.memory_space<vmem>>, vector<16xf32>,
      tpu.vector_store %arg6[%swap3A_156, %swap3A_157], %broadcast_in_dim3A_1 {strides = array<i32>} : memref<16x2048xf32, #tpu.memory_space<vmem>>, vector<16xf32>,
      %swap3A_159 = arith.index_cast %scan3A_117 : i32 to index
      %swap3A_160 = arith.constant 224 : index
      %swap3A_161 = tpu.vector_load %arg6[%swap3A_159, %swap3A_160] {strides = array<i32>} : memref<16x2048xf32, #tpu.memory_space<vmem>>, vector<16xf32>,
      tpu.vector_store %arg6[%swap3A_159, %swap3A_160], %broadcast_in_dim3A_1 {strides = array<i32>} : memref<16x2048xf32, #tpu.memory_space<vmem>>, vector<16xf32>,
      %swap3A_162 = arith.index_cast %scan3A_117 : i32 to index
      %swap3A_163 = arith.constant 240 : index
      %swap3A_164 = tpu.vector_load %arg6[%swap3A_162, %swap3A_163] {strides = array<i32>} : memref<16x2048xf32, #tpu.memory_space<vmem>>, vector<16xf32>,
      tpu.vector_store %arg6[%swap3A_162, %swap3A_163], %broadcast_in_dim3A_1 {strides = array<i32>} : memref<16x2048xf32, #tpu.memory_space<vmem>>, vector<16xf32>,
      %swap3A_165 = arith.index_cast %scan3A_117 : i32 to index
      %swap3A_166 = arith.constant 256 : index
      %swap3A_167 = tpu.vector_load %arg6[%swap3A_165, %swap3A_166] {strides = array<i32>} : memref<16x2048xf32, #tpu.memory_space<vmem>>, vector<16xf32>,
      tpu.vector_store %arg6[%swap3A_165, %swap3A_166], %broadcast_in_dim3A_1 {strides = array<i32>} : memref<16x2048xf32, #tpu.memory_space<vmem>>, vector<16xf32>,
      %swap3A_168 = arith.index_cast %scan3A_117 : i32 to index
      %swap3A_169 = arith.constant 272 : index
      %swap3A_170 = tpu.vector_load %arg6[%swap3A_168, %swap3A_169] {strides = array<i32>} : memref<16x2048xf32, #tpu.memory_space<vmem>>, vector<16xf32>,
      tpu.vector_store %arg6[%swap3A_168, %swap3A_169], %broadcast_in_dim3A_1 {strides = array<i32>} : memref<16x2048xf32, #tpu.memory_space<vmem>>, vector<16xf32>,
      %swap3A_171 = arith.index_cast %scan3A_117 : i32 to index
      %swap3A_172 = arith.constant 288 : index
      %swap3A_173 = tpu.vector_load %arg6[%swap3A_171, %swap3A_172] {strides = array<i32>} : memref<16x2048xf32, #tpu.memory_space<vmem>>, vector<16xf32>,
      tpu.vector_store %arg6[%swap3A_171, %swap3A_172], %broadcast_in_dim3A_1 {strides = array<i32>} : memref<16x2048xf32, #tpu.memory_space<vmem>>, vector<16xf32>,
      %swap3A_174 = arith.index_cast %scan3A_117 : i32 to index
      %swap3A_175 = arith.constant 304 : index
      %swap3A_176 = tpu.vector_load %arg6[%swap3A_174, %swap3A_175] {strides = array<i32>} : memref<16x2048xf32, #tpu.memory_space<vmem>>, vector<16xf32>,
      tpu.vector_store %arg6[%swap3A_174, %swap3A_175], %broadcast_in_dim3A_1 {strides = array<i32>} : memref<16x2048xf32, #tpu.memory_space<vmem>>, vector<16xf32>,
      %swap3A_177 = arith.index_cast %scan3A_117 : i32 to index
      %swap3A_178 = arith.constant 320 : index
      %swap3A_179 = tpu.vector_load %arg6[%swap3A_177, %swap3A_178] {strides = array<i32>} : memref<16x2048xf32, #tpu.memory_space<vmem>>, vector<16xf32>,
      tpu.vector_store %arg6[%swap3A_177, %swap3A_178], %broadcast_in_dim3A_1 {strides = array<i32>} : memref<16x2048xf32, #tpu.memory_space<vmem>>, vector<16xf32>,
      %swap3A_180 = arith.index_cast %scan3A_117 : i32 to index
      %swap3A_181 = arith.constant 336 : index
      %swap3A_182 = tpu.vector_load %arg6[%swap3A_180, %swap3A_181] {strides = array<i32>} : memref<16x2048xf32, #tpu.memory_space<vmem>>, vector<16xf32>,
      tpu.vector_store %arg6[%swap3A_180, %swap3A_181], %broadcast_in_dim3A_1 {strides = array<i32>} : memref<16x2048xf32, #tpu.memory_space<vmem>>, vector<16xf32>,
      %swap3A_183 = arith.index_cast %scan3A_117 : i32 to index
      %swap3A_184 = arith.constant 352 : index
      %swap3A_185 = tpu.vector_load %arg6[%swap3A_183, %swap3A_184] {strides = array<i32>} : memref<16x2048xf32, #tpu.memory_space<vmem>>, vector<16xf32>,
      tpu.vector_store %arg6[%swap3A_183, %swap3A_184], %broadcast_in_dim3A_1 {strides = array<i32>} : memref<16x2048xf32, #tpu.memory_space<vmem>>, vector<16xf32>,
      %swap3A_186 = arith.index_cast %scan3A_117 : i32 to index
      %swap3A_187 = arith.constant 368 : index
      %swap3A_188 = tpu.vector_load %arg6[%swap3A_186, %swap3A_187] {strides = array<i32>} : memref<16x2048xf32, #tpu.memory_space<vmem>>, vector<16xf32>,
      tpu.vector_store %arg6[%swap3A_186, %swap3A_187], %broadcast_in_dim3A_1 {strides = array<i32>} : memref<16x2048xf32, #tpu.memory_space<vmem>>, vector<16xf32>,
      %swap3A_189 = arith.index_cast %scan3A_117 : i32 to index
      %swap3A_190 = arith.constant 384 : index
      %swap3A_191 = tpu.vector_load %arg6[%swap3A_189, %swap3A_190] {strides = array<i32>} : memref<16x2048xf32, #tpu.memory_space<vmem>>, vector<16xf32>,
      tpu.vector_store %arg6[%swap3A_189, %swap3A_190], %broadcast_in_dim3A_1 {strides = array<i32>} : memref<16x2048xf32, #tpu.memory_space<vmem>>, vector<16xf32>,
      %swap3A_192 = arith.index_cast %scan3A_117 : i32 to index
      %swap3A_193 = arith.constant 400 : index
      %swap3A_194 = tpu.vector_load %arg6[%swap3A_192, %swap3A_193] {strides = array<i32>} : memref<16x2048xf32, #tpu.memory_space<vmem>>, vector<16xf32>,
      tpu.vector_store %arg6[%swap3A_192, %swap3A_193], %broadcast_in_dim3A_1 {strides = array<i32>} : memref<16x2048xf32, #tpu.memory_space<vmem>>, vector<16xf32>,
      %swap3A_195 = arith.index_cast %scan3A_117 : i32 to index
      %swap3A_196 = arith.constant 416 : index
      %swap3A_197 = tpu.vector_load %arg6[%swap3A_195, %swap3A_196] {strides = array<i32>} : memref<16x2048xf32, #tpu.memory_space<vmem>>, vector<16xf32>,
      tpu.vector_store %arg6[%swap3A_195, %swap3A_196], %broadcast_in_dim3A_1 {strides = array<i32>} : memref<16x2048xf32, #tpu.memory_space<vmem>>, vector<16xf32>,
      %swap3A_198 = arith.index_cast %scan3A_117 : i32 to index
      %swap3A_199 = arith.constant 432 : index
      %swap3A_200 = tpu.vector_load %arg6[%swap3A_198, %swap3A_199] {strides = array<i32>} : memref<16x2048xf32, #tpu.memory_space<vmem>>, vector<16xf32>,
      tpu.vector_store %arg6[%swap3A_198, %swap3A_199], %broadcast_in_dim3A_1 {strides = array<i32>} : memref<16x2048xf32, #tpu.memory_space<vmem>>, vector<16xf32>,
      %swap3A_201 = arith.index_cast %scan3A_117 : i32 to index
      %swap3A_202 = arith.constant 448 : index
      %swap3A_203 = tpu.vector_load %arg6[%swap3A_201, %swap3A_202] {strides = array<i32>} : memref<16x2048xf32, #tpu.memory_space<vmem>>, vector<16xf32>,
      tpu.vector_store %arg6[%swap3A_201, %swap3A_202], %broadcast_in_dim3A_1 {strides = array<i32>} : memref<16x2048xf32, #tpu.memory_space<vmem>>, vector<16xf32>,
      %swap3A_204 = arith.index_cast %scan3A_117 : i32 to index
      %swap3A_205 = arith.constant 464 : index
      %swap3A_206 = tpu.vector_load %arg6[%swap3A_204, %swap3A_205] {strides = array<i32>} : memref<16x2048xf32, #tpu.memory_space<vmem>>, vector<16xf32>,
      tpu.vector_store %arg6[%swap3A_204, %swap3A_205], %broadcast_in_dim3A_1 {strides = array<i32>} : memref<16x2048xf32, #tpu.memory_space<vmem>>, vector<16xf32>,
      %swap3A_207 = arith.index_cast %scan3A_117 : i32 to index
      %swap3A_208 = arith.constant 480 : index
      %swap3A_209 = tpu.vector_load %arg6[%swap3A_207, %swap3A_208] {strides = array<i32>} : memref<16x2048xf32, #tpu.memory_space<vmem>>, vector<16xf32>,
      tpu.vector_store %arg6[%swap3A_207, %swap3A_208], %broadcast_in_dim3A_1 {strides = array<i32>} : memref<16x2048xf32, #tpu.memory_space<vmem>>, vector<16xf32>,
      %swap3A_210 = arith.index_cast %scan3A_117 : i32 to index
      %swap3A_211 = arith.constant 496 : index
      %swap3A_212 = tpu.vector_load %arg6[%swap3A_210, %swap3A_211] {strides = array<i32>} : memref<16x2048xf32, #tpu.memory_space<vmem>>, vector<16xf32>,
      tpu.vector_store %arg6[%swap3A_210, %swap3A_211], %broadcast_in_dim3A_1 {strides = array<i32>} : memref<16x2048xf32, #tpu.memory_space<vmem>>, vector<16xf32>,
      %swap3A_213 = arith.index_cast %scan3A_117 : i32 to index
      %swap3A_214 = arith.constant 512 : index
      %swap3A_215 = tpu.vector_load %arg6[%swap3A_213, %swap3A_214] {strides = array<i32>} : memref<16x2048xf32, #tpu.memory_space<vmem>>, vector<16xf32>,
      tpu.vector_store %arg6[%swap3A_213, %swap3A_214], %broadcast_in_dim3A_1 {strides = array<i32>} : memref<16x2048xf32, #tpu.memory_space<vmem>>, vector<16xf32>,
      %swap3A_216 = arith.index_cast %scan3A_117 : i32 to index
      %swap3A_217 = arith.constant 528 : index
      %swap3A_218 = tpu.vector_load %arg6[%swap3A_216, %swap3A_217] {strides = array<i32>} : memref<16x2048xf32, #tpu.memory_space<vmem>>, vector<16xf32>,
      tpu.vector_store %arg6[%swap3A_216, %swap3A_217], %broadcast_in_dim3A_1 {strides = array<i32>} : memref<16x2048xf32, #tpu.memory_space<vmem>>, vector<16xf32>,
      %swap3A_219 = arith.index_cast %scan3A_117 : i32 to index
      %swap3A_220 = arith.constant 544 : index
      %swap3A_221 = tpu.vector_load %arg6[%swap3A_219, %swap3A_220] {strides = array<i32>} : memref<16x2048xf32, #tpu.memory_space<vmem>>, vector<16xf32>,
      tpu.vector_store %arg6[%swap3A_219, %swap3A_220], %broadcast_in_dim3A_1 {strides = array<i32>} : memref<16x2048xf32, #tpu.memory_space<vmem>>, vector<16xf32>,
      %swap3A_222 = arith.index_cast %scan3A_117 : i32 to index
      %swap3A_223 = arith.constant 560 : index
      %swap3A_224 = tpu.vector_load %arg6[%swap3A_222, %swap3A_223] {strides = array<i32>} : memref<16x2048xf32, #tpu.memory_space<vmem>>, vector<16xf32>,
      tpu.vector_store %arg6[%swap3A_222, %swap3A_223], %broadcast_in_dim3A_1 {strides = array<i32>} : memref<16x2048xf32, #tpu.memory_space<vmem>>, vector<16xf32>,
      %swap3A_225 = arith.index_cast %scan3A_117 : i32 to index
      %swap3A_226 = arith.constant 576 : index
      %swap3A_227 = tpu.vector_load %arg6[%swap3A_225, %swap3A_226] {strides = array<i32>} : memref<16x2048xf32, #tpu.memory_space<vmem>>, vector<16xf32>,
      tpu.vector_store %arg6[%swap3A_225, %swap3A_226], %broadcast_in_dim3A_1 {strides = array<i32>} : memref<16x2048xf32, #tpu.memory_space<vmem>>, vector<16xf32>,
      %swap3A_228 = arith.index_cast %scan3A_117 : i32 to index
      %swap3A_229 = arith.constant 592 : index
      %swap3A_230 = tpu.vector_load %arg6[%swap3A_228, %swap3A_229] {strides = array<i32>} : memref<16x2048xf32, #tpu.memory_space<vmem>>, vector<16xf32>,
      tpu.vector_store %arg6[%swap3A_228, %swap3A_229], %broadcast_in_dim3A_1 {strides = array<i32>} : memref<16x2048xf32, #tpu.memory_space<vmem>>, vector<16xf32>,
      %swap3A_231 = arith.index_cast %scan3A_117 : i32 to index
      %swap3A_232 = arith.constant 608 : index
      %swap3A_233 = tpu.vector_load %arg6[%swap3A_231, %swap3A_232] {strides = array<i32>} : memref<16x2048xf32, #tpu.memory_space<vmem>>, vector<16xf32>,
      tpu.vector_store %arg6[%swap3A_231, %swap3A_232], %broadcast_in_dim3A_1 {strides = array<i32>} : memref<16x2048xf32, #tpu.memory_space<vmem>>, vector<16xf32>,
      %swap3A_234 = arith.index_cast %scan3A_117 : i32 to index
      %swap3A_235 = arith.constant 624 : index
      %swap3A_236 = tpu.vector_load %arg6[%swap3A_234, %swap3A_235] {strides = array<i32>} : memref<16x2048xf32, #tpu.memory_space<vmem>>, vector<16xf32>,
      tpu.vector_store %arg6[%swap3A_234, %swap3A_235], %broadcast_in_dim3A_1 {strides = array<i32>} : memref<16x2048xf32, #tpu.memory_space<vmem>>, vector<16xf32>,
      %swap3A_237 = arith.index_cast %scan3A_117 : i32 to index
      %swap3A_238 = arith.constant 640 : index
      %swap3A_239 = tpu.vector_load %arg6[%swap3A_237, %swap3A_238] {strides = array<i32>} : memref<16x2048xf32, #tpu.memory_space<vmem>>, vector<16xf32>,
      tpu.vector_store %arg6[%swap3A_237, %swap3A_238], %broadcast_in_dim3A_1 {strides = array<i32>} : memref<16x2048xf32, #tpu.memory_space<vmem>>, vector<16xf32>,
      %swap3A_240 = arith.index_cast %scan3A_117 : i32 to index
      %swap3A_241 = arith.constant 656 : index
      %swap3A_242 = tpu.vector_load %arg6[%swap3A_240, %swap3A_241] {strides = array<i32>} : memref<16x2048xf32, #tpu.memory_space<vmem>>, vector<16xf32>,
      tpu.vector_store %arg6[%swap3A_240, %swap3A_241], %broadcast_in_dim3A_1 {strides = array<i32>} : memref<16x2048xf32, #tpu.memory_space<vmem>>, vector<16xf32>,
      %swap3A_243 = arith.index_cast %scan3A_117 : i32 to index
      %swap3A_244 = arith.constant 672 : index
      %swap3A_245 = tpu.vector_load %arg6[%swap3A_243, %swap3A_244] {strides = array<i32>} : memref<16x2048xf32, #tpu.memory_space<vmem>>, vector<16xf32>,
      tpu.vector_store %arg6[%swap3A_243, %swap3A_244], %broadcast_in_dim3A_1 {strides = array<i32>} : memref<16x2048xf32, #tpu.memory_space<vmem>>, vector<16xf32>,
      %swap3A_246 = arith.index_cast %scan3A_117 : i32 to index
      %swap3A_247 = arith.constant 688 : index
      %swap3A_248 = tpu.vector_load %arg6[%swap3A_246, %swap3A_247] {strides = array<i32>} : memref<16x2048xf32, #tpu.memory_space<vmem>>, vector<16xf32>,
      tpu.vector_store %arg6[%swap3A_246, %swap3A_247], %broadcast_in_dim3A_1 {strides = array<i32>} : memref<16x2048xf32, #tpu.memory_space<vmem>>, vector<16xf32>,
      %swap3A_249 = arith.index_cast %scan3A_117 : i32 to index
      %swap3A_250 = arith.constant 704 : index
      %swap3A_251 = tpu.vector_load %arg6[%swap3A_249, %swap3A_250] {strides = array<i32>} : memref<16x2048xf32, #tpu.memory_space<vmem>>, vector<16xf32>,
      tpu.vector_store %arg6[%swap3A_249, %swap3A_250], %broadcast_in_dim3A_1 {strides = array<i32>} : memref<16x2048xf32, #tpu.memory_space<vmem>>, vector<16xf32>,
      %swap3A_252 = arith.index_cast %scan3A_117 : i32 to index
      %swap3A_253 = arith.constant 720 : index
      %swap3A_254 = tpu.vector_load %arg6[%swap3A_252, %swap3A_253] {strides = array<i32>} : memref<16x2048xf32, #tpu.memory_space<vmem>>, vector<16xf32>,
      tpu.vector_store %arg6[%swap3A_252, %swap3A_253], %broadcast_in_dim3A_1 {strides = array<i32>} : memref<16x2048xf32, #tpu.memory_space<vmem>>, vector<16xf32>,
      %swap3A_255 = arith.index_cast %scan3A_117 : i32 to index
      %swap3A_256 = arith.constant 736 : index
      %swap3A_257 = tpu.vector_load %arg6[%swap3A_255, %swap3A_256] {strides = array<i32>} : memref<16x2048xf32, #tpu.memory_space<vmem>>, vector<16xf32>,
      tpu.vector_store %arg6[%swap3A_255, %swap3A_256], %broadcast_in_dim3A_1 {strides = array<i32>} : memref<16x2048xf32, #tpu.memory_space<vmem>>, vector<16xf32>,
      %swap3A_258 = arith.index_cast %scan3A_117 : i32 to index
      %swap3A_259 = arith.constant 752 : index
      %swap3A_260 = tpu.vector_load %arg6[%swap3A_258, %swap3A_259] {strides = array<i32>} : memref<16x2048xf32, #tpu.memory_space<vmem>>, vector<16xf32>,
      tpu.vector_store %arg6[%swap3A_258, %swap3A_259], %broadcast_in_dim3A_1 {strides = array<i32>} : memref<16x2048xf32, #tpu.memory_space<vmem>>, vector<16xf32>,
      %swap3A_261 = arith.index_cast %scan3A_117 : i32 to index
      %swap3A_262 = arith.constant 768 : index
      %swap3A_263 = tpu.vector_load %arg6[%swap3A_261, %swap3A_262] {strides = array<i32>} : memref<16x2048xf32, #tpu.memory_space<vmem>>, vector<16xf32>,
      tpu.vector_store %arg6[%swap3A_261, %swap3A_262], %broadcast_in_dim3A_1 {strides = array<i32>} : memref<16x2048xf32, #tpu.memory_space<vmem>>, vector<16xf32>,
      %swap3A_264 = arith.index_cast %scan3A_117 : i32 to index
      %swap3A_265 = arith.constant 784 : index
      %swap3A_266 = tpu.vector_load %arg6[%swap3A_264, %swap3A_265] {strides = array<i32>} : memref<16x2048xf32, #tpu.memory_space<vmem>>, vector<16xf32>,
      tpu.vector_store %arg6[%swap3A_264, %swap3A_265], %broadcast_in_dim3A_1 {strides = array<i32>} : memref<16x2048xf32, #tpu.memory_space<vmem>>, vector<16xf32>,
      %swap3A_267 = arith.index_cast %scan3A_117 : i32 to index
      %swap3A_268 = arith.constant 800 : index
      %swap3A_269 = tpu.vector_load %arg6[%swap3A_267, %swap3A_268] {strides = array<i32>} : memref<16x2048xf32, #tpu.memory_space<vmem>>, vector<16xf32>,
      tpu.vector_store %arg6[%swap3A_267, %swap3A_268], %broadcast_in_dim3A_1 {strides = array<i32>} : memref<16x2048xf32, #tpu.memory_space<vmem>>, vector<16xf32>,
      %swap3A_270 = arith.index_cast %scan3A_117 : i32 to index
      %swap3A_271 = arith.constant 816 : index
      %swap3A_272 = tpu.vector_load %arg6[%swap3A_270, %swap3A_271] {strides = array<i32>} : memref<16x2048xf32, #tpu.memory_space<vmem>>, vector<16xf32>,
      tpu.vector_store %arg6[%swap3A_270, %swap3A_271], %broadcast_in_dim3A_1 {strides = array<i32>} : memref<16x2048xf32, #tpu.memory_space<vmem>>, vector<16xf32>,
      %swap3A_273 = arith.index_cast %scan3A_117 : i32 to index
      %swap3A_274 = arith.constant 832 : index
      %swap3A_275 = tpu.vector_load %arg6[%swap3A_273, %swap3A_274] {strides = array<i32>} : memref<16x2048xf32, #tpu.memory_space<vmem>>, vector<16xf32>,
      tpu.vector_store %arg6[%swap3A_273, %swap3A_274], %broadcast_in_dim3A_1 {strides = array<i32>} : memref<16x2048xf32, #tpu.memory_space<vmem>>, vector<16xf32>,
      %swap3A_276 = arith.index_cast %scan3A_117 : i32 to index
      %swap3A_277 = arith.constant 848 : index
      %swap3A_278 = tpu.vector_load %arg6[%swap3A_276, %swap3A_277] {strides = array<i32>} : memref<16x2048xf32, #tpu.memory_space<vmem>>, vector<16xf32>,
      tpu.vector_store %arg6[%swap3A_276, %swap3A_277], %broadcast_in_dim3A_1 {strides = array<i32>} : memref<16x2048xf32, #tpu.memory_space<vmem>>, vector<16xf32>,
      %swap3A_279 = arith.index_cast %scan3A_117 : i32 to index
      %swap3A_280 = arith.constant 864 : index
      %swap3A_281 = tpu.vector_load %arg6[%swap3A_279, %swap3A_280] {strides = array<i32>} : memref<16x2048xf32, #tpu.memory_space<vmem>>, vector<16xf32>,
      tpu.vector_store %arg6[%swap3A_279, %swap3A_280], %broadcast_in_dim3A_1 {strides = array<i32>} : memref<16x2048xf32, #tpu.memory_space<vmem>>, vector<16xf32>,
      %swap3A_282 = arith.index_cast %scan3A_117 : i32 to index
      %swap3A_283 = arith.constant 880 : index
      %swap3A_284 = tpu.vector_load %arg6[%swap3A_282, %swap3A_283] {strides = array<i32>} : memref<16x2048xf32, #tpu.memory_space<vmem>>, vector<16xf32>,
      tpu.vector_store %arg6[%swap3A_282, %swap3A_283], %broadcast_in_dim3A_1 {strides = array<i32>} : memref<16x2048xf32, #tpu.memory_space<vmem>>, vector<16xf32>,
      %swap3A_285 = arith.index_cast %scan3A_117 : i32 to index
      %swap3A_286 = arith.constant 896 : index
      %swap3A_287 = tpu.vector_load %arg6[%swap3A_285, %swap3A_286] {strides = array<i32>} : memref<16x2048xf32, #tpu.memory_space<vmem>>, vector<16xf32>,
      tpu.vector_store %arg6[%swap3A_285, %swap3A_286], %broadcast_in_dim3A_1 {strides = array<i32>} : memref<16x2048xf32, #tpu.memory_space<vmem>>, vector<16xf32>,
      %swap3A_288 = arith.index_cast %scan3A_117 : i32 to index
      %swap3A_289 = arith.constant 912 : index
      %swap3A_290 = tpu.vector_load %arg6[%swap3A_288, %swap3A_289] {strides = array<i32>} : memref<16x2048xf32, #tpu.memory_space<vmem>>, vector<16xf32>,
      tpu.vector_store %arg6[%swap3A_288, %swap3A_289], %broadcast_in_dim3A_1 {strides = array<i32>} : memref<16x2048xf32, #tpu.memory_space<vmem>>, vector<16xf32>,
      %swap3A_291 = arith.index_cast %scan3A_117 : i32 to index
      %swap3A_292 = arith.constant 928 : index
      %swap3A_293 = tpu.vector_load %arg6[%swap3A_291, %swap3A_292] {strides = array<i32>} : memref<16x2048xf32, #tpu.memory_space<vmem>>, vector<16xf32>,
      tpu.vector_store %arg6[%swap3A_291, %swap3A_292], %broadcast_in_dim3A_1 {strides = array<i32>} : memref<16x2048xf32, #tpu.memory_space<vmem>>, vector<16xf32>,
      %swap3A_294 = arith.index_cast %scan3A_117 : i32 to index
      %swap3A_295 = arith.constant 944 : index
      %swap3A_296 = tpu.vector_load %arg6[%swap3A_294, %swap3A_295] {strides = array<i32>} : memref<16x2048xf32, #tpu.memory_space<vmem>>, vector<16xf32>,
      tpu.vector_store %arg6[%swap3A_294, %swap3A_295], %broadcast_in_dim3A_1 {strides = array<i32>} : memref<16x2048xf32, #tpu.memory_space<vmem>>, vector<16xf32>,
      %swap3A_297 = arith.index_cast %scan3A_117 : i32 to index
      %swap3A_298 = arith.constant 960 : index
      %swap3A_299 = tpu.vector_load %arg6[%swap3A_297, %swap3A_298] {strides = array<i32>} : memref<16x2048xf32, #tpu.memory_space<vmem>>, vector<16xf32>,
      tpu.vector_store %arg6[%swap3A_297, %swap3A_298], %broadcast_in_dim3A_1 {strides = array<i32>} : memref<16x2048xf32, #tpu.memory_space<vmem>>, vector<16xf32>,
      %swap3A_300 = arith.index_cast %scan3A_117 : i32 to index
      %swap3A_301 = arith.constant 976 : index
      %swap3A_302 = tpu.vector_load %arg6[%swap3A_300, %swap3A_301] {strides = array<i32>} : memref<16x2048xf32, #tpu.memory_space<vmem>>, vector<16xf32>,
      tpu.vector_store %arg6[%swap3A_300, %swap3A_301], %broadcast_in_dim3A_1 {strides = array<i32>} : memref<16x2048xf32, #tpu.memory_space<vmem>>, vector<16xf32>,
      %swap3A_303 = arith.index_cast %scan3A_117 : i32 to index
      %swap3A_304 = arith.constant 992 : index
      %swap3A_305 = tpu.vector_load %arg6[%swap3A_303, %swap3A_304] {strides = array<i32>} : memref<16x2048xf32, #tpu.memory_space<vmem>>, vector<16xf32>,
      tpu.vector_store %arg6[%swap3A_303, %swap3A_304], %broadcast_in_dim3A_1 {strides = array<i32>} : memref<16x2048xf32, #tpu.memory_space<vmem>>, vector<16xf32>,
      %swap3A_306 = arith.index_cast %scan3A_117 : i32 to index
      %swap3A_307 = arith.constant 1008 : index
      %swap3A_308 = tpu.vector_load %arg6[%swap3A_306, %swap3A_307] {strides = array<i32>} : memref<16x2048xf32, #tpu.memory_space<vmem>>, vector<16xf32>,
      tpu.vector_store %arg6[%swap3A_306, %swap3A_307], %broadcast_in_dim3A_1 {strides = array<i32>} : memref<16x2048xf32, #tpu.memory_space<vmem>>, vector<16xf32>,
      %swap3A_309 = arith.index_cast %scan3A_117 : i32 to index
      %swap3A_310 = arith.constant 1024 : index
      %swap3A_311 = tpu.vector_load %arg6[%swap3A_309, %swap3A_310] {strides = array<i32>} : memref<16x2048xf32, #tpu.memory_space<vmem>>, vector<16xf32>,
      tpu.vector_store %arg6[%swap3A_309, %swap3A_310], %broadcast_in_dim3A_1 {strides = array<i32>} : memref<16x2048xf32, #tpu.memory_space<vmem>>, vector<16xf32>,
      %swap3A_312 = arith.index_cast %scan3A_117 : i32 to index
      %swap3A_313 = arith.constant 1040 : index
      %swap3A_314 = tpu.vector_load %arg6[%swap3A_312, %swap3A_313] {strides = array<i32>} : memref<16x2048xf32, #tpu.memory_space<vmem>>, vector<16xf32>,
      tpu.vector_store %arg6[%swap3A_312, %swap3A_313], %broadcast_in_dim3A_1 {strides = array<i32>} : memref<16x2048xf32, #tpu.memory_space<vmem>>, vector<16xf32>,
      %swap3A_315 = arith.index_cast %scan3A_117 : i32 to index
      %swap3A_316 = arith.constant 1056 : index
      %swap3A_317 = tpu.vector_load %arg6[%swap3A_315, %swap3A_316] {strides = array<i32>} : memref<16x2048xf32, #tpu.memory_space<vmem>>, vector<16xf32>,
      tpu.vector_store %arg6[%swap3A_315, %swap3A_316], %broadcast_in_dim3A_1 {strides = array<i32>} : memref<16x2048xf32, #tpu.memory_space<vmem>>, vector<16xf32>,
      %swap3A_318 = arith.index_cast %scan3A_117 : i32 to index
      %swap3A_319 = arith.constant 1072 : index
      %swap3A_320 = tpu.vector_load %arg6[%swap3A_318, %swap3A_319] {strides = array<i32>} : memref<16x2048xf32, #tpu.memory_space<vmem>>, vector<16xf32>,
      tpu.vector_store %arg6[%swap3A_318, %swap3A_319], %broadcast_in_dim3A_1 {strides = array<i32>} : memref<16x2048xf32, #tpu.memory_space<vmem>>, vector<16xf32>,
      %swap3A_321 = arith.index_cast %scan3A_117 : i32 to index
      %swap3A_322 = arith.constant 1088 : index
      %swap3A_323 = tpu.vector_load %arg6[%swap3A_321, %swap3A_322] {strides = array<i32>} : memref<16x2048xf32, #tpu.memory_space<vmem>>, vector<16xf32>,
      tpu.vector_store %arg6[%swap3A_321, %swap3A_322], %broadcast_in_dim3A_1 {strides = array<i32>} : memref<16x2048xf32, #tpu.memory_space<vmem>>, vector<16xf32>,
      %swap3A_324 = arith.index_cast %scan3A_117 : i32 to index
      %swap3A_325 = arith.constant 1104 : index
      %swap3A_326 = tpu.vector_load %arg6[%swap3A_324, %swap3A_325] {strides = array<i32>} : memref<16x2048xf32, #tpu.memory_space<vmem>>, vector<16xf32>,
      tpu.vector_store %arg6[%swap3A_324, %swap3A_325], %broadcast_in_dim3A_1 {strides = array<i32>} : memref<16x2048xf32, #tpu.memory_space<vmem>>, vector<16xf32>,
      %swap3A_327 = arith.index_cast %scan3A_117 : i32 to index
      %swap3A_328 = arith.constant 1120 : index
      %swap3A_329 = tpu.vector_load %arg6[%swap3A_327, %swap3A_328] {strides = array<i32>} : memref<16x2048xf32, #tpu.memory_space<vmem>>, vector<16xf32>,
      tpu.vector_store %arg6[%swap3A_327, %swap3A_328], %broadcast_in_dim3A_1 {strides = array<i32>} : memref<16x2048xf32, #tpu.memory_space<vmem>>, vector<16xf32>,
      %swap3A_330 = arith.index_cast %scan3A_117 : i32 to index
      %swap3A_331 = arith.constant 1136 : index
      %swap3A_332 = tpu.vector_load %arg6[%swap3A_330, %swap3A_331] {strides = array<i32>} : memref<16x2048xf32, #tpu.memory_space<vmem>>, vector<16xf32>,
      tpu.vector_store %arg6[%swap3A_330, %swap3A_331], %broadcast_in_dim3A_1 {strides = array<i32>} : memref<16x2048xf32, #tpu.memory_space<vmem>>, vector<16xf32>,
      %swap3A_333 = arith.index_cast %scan3A_117 : i32 to index
      %swap3A_334 = arith.constant 1152 : index
      %swap3A_335 = tpu.vector_load %arg6[%swap3A_333, %swap3A_334] {strides = array<i32>} : memref<16x2048xf32, #tpu.memory_space<vmem>>, vector<16xf32>,
      tpu.vector_store %arg6[%swap3A_333, %swap3A_334], %broadcast_in_dim3A_1 {strides = array<i32>} : memref<16x2048xf32, #tpu.memory_space<vmem>>, vector<16xf32>,
      %swap3A_336 = arith.index_cast %scan3A_117 : i32 to index
      %swap3A_337 = arith.constant 1168 : index
      %swap3A_338 = tpu.vector_load %arg6[%swap3A_336, %swap3A_337] {strides = array<i32>} : memref<16x2048xf32, #tpu.memory_space<vmem>>, vector<16xf32>,
      tpu.vector_store %arg6[%swap3A_336, %swap3A_337], %broadcast_in_dim3A_1 {strides = array<i32>} : memref<16x2048xf32, #tpu.memory_space<vmem>>, vector<16xf32>,
      %swap3A_339 = arith.index_cast %scan3A_117 : i32 to index
      %swap3A_340 = arith.constant 1184 : index
      %swap3A_341 = tpu.vector_load %arg6[%swap3A_339, %swap3A_340] {strides = array<i32>} : memref<16x2048xf32, #tpu.memory_space<vmem>>, vector<16xf32>,
      tpu.vector_store %arg6[%swap3A_339, %swap3A_340], %broadcast_in_dim3A_1 {strides = array<i32>} : memref<16x2048xf32, #tpu.memory_space<vmem>>, vector<16xf32>,
      %swap3A_342 = arith.index_cast %scan3A_117 : i32 to index
      %swap3A_343 = arith.constant 1200 : index
      %swap3A_344 = tpu.vector_load %arg6[%swap3A_342, %swap3A_343] {strides = array<i32>} : memref<16x2048xf32, #tpu.memory_space<vmem>>, vector<16xf32>,
      tpu.vector_store %arg6[%swap3A_342, %swap3A_343], %broadcast_in_dim3A_1 {strides = array<i32>} : memref<16x2048xf32, #tpu.memory_space<vmem>>, vector<16xf32>,
      %swap3A_345 = arith.index_cast %scan3A_117 : i32 to index
      %swap3A_346 = arith.constant 1216 : index
      %swap3A_347 = tpu.vector_load %arg6[%swap3A_345, %swap3A_346] {strides = array<i32>} : memref<16x2048xf32, #tpu.memory_space<vmem>>, vector<16xf32>,
      tpu.vector_store %arg6[%swap3A_345, %swap3A_346], %broadcast_in_dim3A_1 {strides = array<i32>} : memref<16x2048xf32, #tpu.memory_space<vmem>>, vector<16xf32>,
      %swap3A_348 = arith.index_cast %scan3A_117 : i32 to index
      %swap3A_349 = arith.constant 1232 : index
      %swap3A_350 = tpu.vector_load %arg6[%swap3A_348, %swap3A_349] {strides = array<i32>} : memref<16x2048xf32, #tpu.memory_space<vmem>>, vector<16xf32>,
      tpu.vector_store %arg6[%swap3A_348, %swap3A_349], %broadcast_in_dim3A_1 {strides = array<i32>} : memref<16x2048xf32, #tpu.memory_space<vmem>>, vector<16xf32>,
      %swap3A_351 = arith.index_cast %scan3A_117 : i32 to index
      %swap3A_352 = arith.constant 1248 : index
      %swap3A_353 = tpu.vector_load %arg6[%swap3A_351, %swap3A_352] {strides = array<i32>} : memref<16x2048xf32, #tpu.memory_space<vmem>>, vector<16xf32>,
      tpu.vector_store %arg6[%swap3A_351, %swap3A_352], %broadcast_in_dim3A_1 {strides = array<i32>} : memref<16x2048xf32, #tpu.memory_space<vmem>>, vector<16xf32>,
      %swap3A_354 = arith.index_cast %scan3A_117 : i32 to index
      %swap3A_355 = arith.constant 1264 : index
      %swap3A_356 = tpu.vector_load %arg6[%swap3A_354, %swap3A_355] {strides = array<i32>} : memref<16x2048xf32, #tpu.memory_space<vmem>>, vector<16xf32>,
      tpu.vector_store %arg6[%swap3A_354, %swap3A_355], %broadcast_in_dim3A_1 {strides = array<i32>} : memref<16x2048xf32, #tpu.memory_space<vmem>>, vector<16xf32>,
      %swap3A_357 = arith.index_cast %scan3A_117 : i32 to index
      %swap3A_358 = arith.constant 1280 : index
      %swap3A_359 = tpu.vector_load %arg6[%swap3A_357, %swap3A_358] {strides = array<i32>} : memref<16x2048xf32, #tpu.memory_space<vmem>>, vector<16xf32>,
      tpu.vector_store %arg6[%swap3A_357, %swap3A_358], %broadcast_in_dim3A_1 {strides = array<i32>} : memref<16x2048xf32, #tpu.memory_space<vmem>>, vector<16xf32>,
      %swap3A_360 = arith.index_cast %scan3A_117 : i32 to index
      %swap3A_361 = arith.constant 1296 : index
      %swap3A_362 = tpu.vector_load %arg6[%swap3A_360, %swap3A_361] {strides = array<i32>} : memref<16x2048xf32, #tpu.memory_space<vmem>>, vector<16xf32>,
      tpu.vector_store %arg6[%swap3A_360, %swap3A_361], %broadcast_in_dim3A_1 {strides = array<i32>} : memref<16x2048xf32, #tpu.memory_space<vmem>>, vector<16xf32>,
      %swap3A_363 = arith.index_cast %scan3A_117 : i32 to index
      %swap3A_364 = arith.constant 1312 : index
      %swap3A_365 = tpu.vector_load %arg6[%swap3A_363, %swap3A_364] {strides = array<i32>} : memref<16x2048xf32, #tpu.memory_space<vmem>>, vector<16xf32>,
      tpu.vector_store %arg6[%swap3A_363, %swap3A_364], %broadcast_in_dim3A_1 {strides = array<i32>} : memref<16x2048xf32, #tpu.memory_space<vmem>>, vector<16xf32>,
      %swap3A_366 = arith.index_cast %scan3A_117 : i32 to index
      %swap3A_367 = arith.constant 1328 : index
      %swap3A_368 = tpu.vector_load %arg6[%swap3A_366, %swap3A_367] {strides = array<i32>} : memref<16x2048xf32, #tpu.memory_space<vmem>>, vector<16xf32>,
      tpu.vector_store %arg6[%swap3A_366, %swap3A_367], %broadcast_in_dim3A_1 {strides = array<i32>} : memref<16x2048xf32, #tpu.memory_space<vmem>>, vector<16xf32>,
      %swap3A_369 = arith.index_cast %scan3A_117 : i32 to index
      %swap3A_370 = arith.constant 1344 : index
      %swap3A_371 = tpu.vector_load %arg6[%swap3A_369, %swap3A_370] {strides = array<i32>} : memref<16x2048xf32, #tpu.memory_space<vmem>>, vector<16xf32>,
      tpu.vector_store %arg6[%swap3A_369, %swap3A_370], %broadcast_in_dim3A_1 {strides = array<i32>} : memref<16x2048xf32, #tpu.memory_space<vmem>>, vector<16xf32>,
      %swap3A_372 = arith.index_cast %scan3A_117 : i32 to index
      %swap3A_373 = arith.constant 1360 : index
      %swap3A_374 = tpu.vector_load %arg6[%swap3A_372, %swap3A_373] {strides = array<i32>} : memref<16x2048xf32, #tpu.memory_space<vmem>>, vector<16xf32>,
      tpu.vector_store %arg6[%swap3A_372, %swap3A_373], %broadcast_in_dim3A_1 {strides = array<i32>} : memref<16x2048xf32, #tpu.memory_space<vmem>>, vector<16xf32>,
      %swap3A_375 = arith.index_cast %scan3A_117 : i32 to index
      %swap3A_376 = arith.constant 1376 : index
      %swap3A_377 = tpu.vector_load %arg6[%swap3A_375, %swap3A_376] {strides = array<i32>} : memref<16x2048xf32, #tpu.memory_space<vmem>>, vector<16xf32>,
      tpu.vector_store %arg6[%swap3A_375, %swap3A_376], %broadcast_in_dim3A_1 {strides = array<i32>} : memref<16x2048xf32, #tpu.memory_space<vmem>>, vector<16xf32>,
      %swap3A_378 = arith.index_cast %scan3A_117 : i32 to index
      %swap3A_379 = arith.constant 1392 : index
      %swap3A_380 = tpu.vector_load %arg6[%swap3A_378, %swap3A_379] {strides = array<i32>} : memref<16x2048xf32, #tpu.memory_space<vmem>>, vector<16xf32>,
      tpu.vector_store %arg6[%swap3A_378, %swap3A_379], %broadcast_in_dim3A_1 {strides = array<i32>} : memref<16x2048xf32, #tpu.memory_space<vmem>>, vector<16xf32>,
      %swap3A_381 = arith.index_cast %scan3A_117 : i32 to index
      %swap3A_382 = arith.constant 1408 : index
      %swap3A_383 = tpu.vector_load %arg6[%swap3A_381, %swap3A_382] {strides = array<i32>} : memref<16x2048xf32, #tpu.memory_space<vmem>>, vector<16xf32>,
      tpu.vector_store %arg6[%swap3A_381, %swap3A_382], %broadcast_in_dim3A_1 {strides = array<i32>} : memref<16x2048xf32, #tpu.memory_space<vmem>>, vector<16xf32>,
      %swap3A_384 = arith.index_cast %scan3A_117 : i32 to index
      %swap3A_385 = arith.constant 1424 : index
      %swap3A_386 = tpu.vector_load %arg6[%swap3A_384, %swap3A_385] {strides = array<i32>} : memref<16x2048xf32, #tpu.memory_space<vmem>>, vector<16xf32>,
      tpu.vector_store %arg6[%swap3A_384, %swap3A_385], %broadcast_in_dim3A_1 {strides = array<i32>} : memref<16x2048xf32, #tpu.memory_space<vmem>>, vector<16xf32>,
      %swap3A_387 = arith.index_cast %scan3A_117 : i32 to index
      %swap3A_388 = arith.constant 1440 : index
      %swap3A_389 = tpu.vector_load %arg6[%swap3A_387, %swap3A_388] {strides = array<i32>} : memref<16x2048xf32, #tpu.memory_space<vmem>>, vector<16xf32>,
      tpu.vector_store %arg6[%swap3A_387, %swap3A_388], %broadcast_in_dim3A_1 {strides = array<i32>} : memref<16x2048xf32, #tpu.memory_space<vmem>>, vector<16xf32>,
      %swap3A_390 = arith.index_cast %scan3A_117 : i32 to index
      %swap3A_391 = arith.constant 1456 : index
      %swap3A_392 = tpu.vector_load %arg6[%swap3A_390, %swap3A_391] {strides = array<i32>} : memref<16x2048xf32, #tpu.memory_space<vmem>>, vector<16xf32>,
      tpu.vector_store %arg6[%swap3A_390, %swap3A_391], %broadcast_in_dim3A_1 {strides = array<i32>} : memref<16x2048xf32, #tpu.memory_space<vmem>>, vector<16xf32>,
      %swap3A_393 = arith.index_cast %scan3A_117 : i32 to index
      %swap3A_394 = arith.constant 1472 : index
      %swap3A_395 = tpu.vector_load %arg6[%swap3A_393, %swap3A_394] {strides = array<i32>} : memref<16x2048xf32, #tpu.memory_space<vmem>>, vector<16xf32>,
      tpu.vector_store %arg6[%swap3A_393, %swap3A_394], %broadcast_in_dim3A_1 {strides = array<i32>} : memref<16x2048xf32, #tpu.memory_space<vmem>>, vector<16xf32>,
      %swap3A_396 = arith.index_cast %scan3A_117 : i32 to index
      %swap3A_397 = arith.constant 1488 : index
      %swap3A_398 = tpu.vector_load %arg6[%swap3A_396, %swap3A_397] {strides = array<i32>} : memref<16x2048xf32, #tpu.memory_space<vmem>>, vector<16xf32>,
      tpu.vector_store %arg6[%swap3A_396, %swap3A_397], %broadcast_in_dim3A_1 {strides = array<i32>} : memref<16x2048xf32, #tpu.memory_space<vmem>>, vector<16xf32>,
      %swap3A_399 = arith.index_cast %scan3A_117 : i32 to index
      %swap3A_400 = arith.constant 1504 : index
      %swap3A_401 = tpu.vector_load %arg6[%swap3A_399, %swap3A_400] {strides = array<i32>} : memref<16x2048xf32, #tpu.memory_space<vmem>>, vector<16xf32>,
      tpu.vector_store %arg6[%swap3A_399, %swap3A_400], %broadcast_in_dim3A_1 {strides = array<i32>} : memref<16x2048xf32, #tpu.memory_space<vmem>>, vector<16xf32>,
      %swap3A_402 = arith.index_cast %scan3A_117 : i32 to index
      %swap3A_403 = arith.constant 1520 : index
      %swap3A_404 = tpu.vector_load %arg6[%swap3A_402, %swap3A_403] {strides = array<i32>} : memref<16x2048xf32, #tpu.memory_space<vmem>>, vector<16xf32>,
      tpu.vector_store %arg6[%swap3A_402, %swap3A_403], %broadcast_in_dim3A_1 {strides = array<i32>} : memref<16x2048xf32, #tpu.memory_space<vmem>>, vector<16xf32>,
      %swap3A_405 = arith.index_cast %scan3A_117 : i32 to index
      %swap3A_406 = arith.constant 1536 : index
      %swap3A_407 = tpu.vector_load %arg6[%swap3A_405, %swap3A_406] {strides = array<i32>} : memref<16x2048xf32, #tpu.memory_space<vmem>>, vector<16xf32>,
      tpu.vector_store %arg6[%swap3A_405, %swap3A_406], %broadcast_in_dim3A_1 {strides = array<i32>} : memref<16x2048xf32, #tpu.memory_space<vmem>>, vector<16xf32>,
      %swap3A_408 = arith.index_cast %scan3A_117 : i32 to index
      %swap3A_409 = arith.constant 1552 : index
      %swap3A_410 = tpu.vector_load %arg6[%swap3A_408, %swap3A_409] {strides = array<i32>} : memref<16x2048xf32, #tpu.memory_space<vmem>>, vector<16xf32>,
      tpu.vector_store %arg6[%swap3A_408, %swap3A_409], %broadcast_in_dim3A_1 {strides = array<i32>} : memref<16x2048xf32, #tpu.memory_space<vmem>>, vector<16xf32>,
      %swap3A_411 = arith.index_cast %scan3A_117 : i32 to index
      %swap3A_412 = arith.constant 1568 : index
      %swap3A_413 = tpu.vector_load %arg6[%swap3A_411, %swap3A_412] {strides = array<i32>} : memref<16x2048xf32, #tpu.memory_space<vmem>>, vector<16xf32>,
      tpu.vector_store %arg6[%swap3A_411, %swap3A_412], %broadcast_in_dim3A_1 {strides = array<i32>} : memref<16x2048xf32, #tpu.memory_space<vmem>>, vector<16xf32>,
      %swap3A_414 = arith.index_cast %scan3A_117 : i32 to index
      %swap3A_415 = arith.constant 1584 : index
      %swap3A_416 = tpu.vector_load %arg6[%swap3A_414, %swap3A_415] {strides = array<i32>} : memref<16x2048xf32, #tpu.memory_space<vmem>>, vector<16xf32>,
      tpu.vector_store %arg6[%swap3A_414, %swap3A_415], %broadcast_in_dim3A_1 {strides = array<i32>} : memref<16x2048xf32, #tpu.memory_space<vmem>>, vector<16xf32>,
      %swap3A_417 = arith.index_cast %scan3A_117 : i32 to index
      %swap3A_418 = arith.constant 1600 : index
      %swap3A_419 = tpu.vector_load %arg6[%swap3A_417, %swap3A_418] {strides = array<i32>} : memref<16x2048xf32, #tpu.memory_space<vmem>>, vector<16xf32>,
      tpu.vector_store %arg6[%swap3A_417, %swap3A_418], %broadcast_in_dim3A_1 {strides = array<i32>} : memref<16x2048xf32, #tpu.memory_space<vmem>>, vector<16xf32>,
      %swap3A_420 = arith.index_cast %scan3A_117 : i32 to index
      %swap3A_421 = arith.constant 1616 : index
      %swap3A_422 = tpu.vector_load %arg6[%swap3A_420, %swap3A_421] {strides = array<i32>} : memref<16x2048xf32, #tpu.memory_space<vmem>>, vector<16xf32>,
      tpu.vector_store %arg6[%swap3A_420, %swap3A_421], %broadcast_in_dim3A_1 {strides = array<i32>} : memref<16x2048xf32, #tpu.memory_space<vmem>>, vector<16xf32>,
      %swap3A_423 = arith.index_cast %scan3A_117 : i32 to index
      %swap3A_424 = arith.constant 1632 : index
      %swap3A_425 = tpu.vector_load %arg6[%swap3A_423, %swap3A_424] {strides = array<i32>} : memref<16x2048xf32, #tpu.memory_space<vmem>>, vector<16xf32>,
      tpu.vector_store %arg6[%swap3A_423, %swap3A_424], %broadcast_in_dim3A_1 {strides = array<i32>} : memref<16x2048xf32, #tpu.memory_space<vmem>>, vector<16xf32>,
      %swap3A_426 = arith.index_cast %scan3A_117 : i32 to index
      %swap3A_427 = arith.constant 1648 : index
      %swap3A_428 = tpu.vector_load %arg6[%swap3A_426, %swap3A_427] {strides = array<i32>} : memref<16x2048xf32, #tpu.memory_space<vmem>>, vector<16xf32>,
      tpu.vector_store %arg6[%swap3A_426, %swap3A_427], %broadcast_in_dim3A_1 {strides = array<i32>} : memref<16x2048xf32, #tpu.memory_space<vmem>>, vector<16xf32>,
      %swap3A_429 = arith.index_cast %scan3A_117 : i32 to index
      %swap3A_430 = arith.constant 1664 : index
      %swap3A_431 = tpu.vector_load %arg6[%swap3A_429, %swap3A_430] {strides = array<i32>} : memref<16x2048xf32, #tpu.memory_space<vmem>>, vector<16xf32>,
      tpu.vector_store %arg6[%swap3A_429, %swap3A_430], %broadcast_in_dim3A_1 {strides = array<i32>} : memref<16x2048xf32, #tpu.memory_space<vmem>>, vector<16xf32>,
      %swap3A_432 = arith.index_cast %scan3A_117 : i32 to index
      %swap3A_433 = arith.constant 1680 : index
      %swap3A_434 = tpu.vector_load %arg6[%swap3A_432, %swap3A_433] {strides = array<i32>} : memref<16x2048xf32, #tpu.memory_space<vmem>>, vector<16xf32>,
      tpu.vector_store %arg6[%swap3A_432, %swap3A_433], %broadcast_in_dim3A_1 {strides = array<i32>} : memref<16x2048xf32, #tpu.memory_space<vmem>>, vector<16xf32>,
      %swap3A_435 = arith.index_cast %scan3A_117 : i32 to index
      %swap3A_436 = arith.constant 1696 : index
      %swap3A_437 = tpu.vector_load %arg6[%swap3A_435, %swap3A_436] {strides = array<i32>} : memref<16x2048xf32, #tpu.memory_space<vmem>>, vector<16xf32>,
      tpu.vector_store %arg6[%swap3A_435, %swap3A_436], %broadcast_in_dim3A_1 {strides = array<i32>} : memref<16x2048xf32, #tpu.memory_space<vmem>>, vector<16xf32>,
      %swap3A_438 = arith.index_cast %scan3A_117 : i32 to index
      %swap3A_439 = arith.constant 1712 : index
      %swap3A_440 = tpu.vector_load %arg6[%swap3A_438, %swap3A_439] {strides = array<i32>} : memref<16x2048xf32, #tpu.memory_space<vmem>>, vector<16xf32>,
      tpu.vector_store %arg6[%swap3A_438, %swap3A_439], %broadcast_in_dim3A_1 {strides = array<i32>} : memref<16x2048xf32, #tpu.memory_space<vmem>>, vector<16xf32>,
      %swap3A_441 = arith.index_cast %scan3A_117 : i32 to index
      %swap3A_442 = arith.constant 1728 : index
      %swap3A_443 = tpu.vector_load %arg6[%swap3A_441, %swap3A_442] {strides = array<i32>} : memref<16x2048xf32, #tpu.memory_space<vmem>>, vector<16xf32>,
      tpu.vector_store %arg6[%swap3A_441, %swap3A_442], %broadcast_in_dim3A_1 {strides = array<i32>} : memref<16x2048xf32, #tpu.memory_space<vmem>>, vector<16xf32>,
      %swap3A_444 = arith.index_cast %scan3A_117 : i32 to index
      %swap3A_445 = arith.constant 1744 : index
      %swap3A_446 = tpu.vector_load %arg6[%swap3A_444, %swap3A_445] {strides = array<i32>} : memref<16x2048xf32, #tpu.memory_space<vmem>>, vector<16xf32>,
      tpu.vector_store %arg6[%swap3A_444, %swap3A_445], %broadcast_in_dim3A_1 {strides = array<i32>} : memref<16x2048xf32, #tpu.memory_space<vmem>>, vector<16xf32>,
      %swap3A_447 = arith.index_cast %scan3A_117 : i32 to index
      %swap3A_448 = arith.constant 1760 : index
      %swap3A_449 = tpu.vector_load %arg6[%swap3A_447, %swap3A_448] {strides = array<i32>} : memref<16x2048xf32, #tpu.memory_space<vmem>>, vector<16xf32>,
      tpu.vector_store %arg6[%swap3A_447, %swap3A_448], %broadcast_in_dim3A_1 {strides = array<i32>} : memref<16x2048xf32, #tpu.memory_space<vmem>>, vector<16xf32>,
      %swap3A_450 = arith.index_cast %scan3A_117 : i32 to index
      %swap3A_451 = arith.constant 1776 : index
      %swap3A_452 = tpu.vector_load %arg6[%swap3A_450, %swap3A_451] {strides = array<i32>} : memref<16x2048xf32, #tpu.memory_space<vmem>>, vector<16xf32>,
      tpu.vector_store %arg6[%swap3A_450, %swap3A_451], %broadcast_in_dim3A_1 {strides = array<i32>} : memref<16x2048xf32, #tpu.memory_space<vmem>>, vector<16xf32>,
      %swap3A_453 = arith.index_cast %scan3A_117 : i32 to index
      %swap3A_454 = arith.constant 1792 : index
      %swap3A_455 = tpu.vector_load %arg6[%swap3A_453, %swap3A_454] {strides = array<i32>} : memref<16x2048xf32, #tpu.memory_space<vmem>>, vector<16xf32>,
      tpu.vector_store %arg6[%swap3A_453, %swap3A_454], %broadcast_in_dim3A_1 {strides = array<i32>} : memref<16x2048xf32, #tpu.memory_space<vmem>>, vector<16xf32>,
      %swap3A_456 = arith.index_cast %scan3A_117 : i32 to index
      %swap3A_457 = arith.constant 1808 : index
      %swap3A_458 = tpu.vector_load %arg6[%swap3A_456, %swap3A_457] {strides = array<i32>} : memref<16x2048xf32, #tpu.memory_space<vmem>>, vector<16xf32>,
      tpu.vector_store %arg6[%swap3A_456, %swap3A_457], %broadcast_in_dim3A_1 {strides = array<i32>} : memref<16x2048xf32, #tpu.memory_space<vmem>>, vector<16xf32>,
      %swap3A_459 = arith.index_cast %scan3A_117 : i32 to index
      %swap3A_460 = arith.constant 1824 : index
      %swap3A_461 = tpu.vector_load %arg6[%swap3A_459, %swap3A_460] {strides = array<i32>} : memref<16x2048xf32, #tpu.memory_space<vmem>>, vector<16xf32>,
      tpu.vector_store %arg6[%swap3A_459, %swap3A_460], %broadcast_in_dim3A_1 {strides = array<i32>} : memref<16x2048xf32, #tpu.memory_space<vmem>>, vector<16xf32>,
      %swap3A_462 = arith.index_cast %scan3A_117 : i32 to index
      %swap3A_463 = arith.constant 1840 : index
      %swap3A_464 = tpu.vector_load %arg6[%swap3A_462, %swap3A_463] {strides = array<i32>} : memref<16x2048xf32, #tpu.memory_space<vmem>>, vector<16xf32>,
      tpu.vector_store %arg6[%swap3A_462, %swap3A_463], %broadcast_in_dim3A_1 {strides = array<i32>} : memref<16x2048xf32, #tpu.memory_space<vmem>>, vector<16xf32>,
      %swap3A_465 = arith.index_cast %scan3A_117 : i32 to index
      %swap3A_466 = arith.constant 1856 : index
      %swap3A_467 = tpu.vector_load %arg6[%swap3A_465, %swap3A_466] {strides = array<i32>} : memref<16x2048xf32, #tpu.memory_space<vmem>>, vector<16xf32>,
      tpu.vector_store %arg6[%swap3A_465, %swap3A_466], %broadcast_in_dim3A_1 {strides = array<i32>} : memref<16x2048xf32, #tpu.memory_space<vmem>>, vector<16xf32>,
      %swap3A_468 = arith.index_cast %scan3A_117 : i32 to index
      %swap3A_469 = arith.constant 1872 : index
      %swap3A_470 = tpu.vector_load %arg6[%swap3A_468, %swap3A_469] {strides = array<i32>} : memref<16x2048xf32, #tpu.memory_space<vmem>>, vector<16xf32>,
      tpu.vector_store %arg6[%swap3A_468, %swap3A_469], %broadcast_in_dim3A_1 {strides = array<i32>} : memref<16x2048xf32, #tpu.memory_space<vmem>>, vector<16xf32>,
      %swap3A_471 = arith.index_cast %scan3A_117 : i32 to index
      %swap3A_472 = arith.constant 1888 : index
      %swap3A_473 = tpu.vector_load %arg6[%swap3A_471, %swap3A_472] {strides = array<i32>} : memref<16x2048xf32, #tpu.memory_space<vmem>>, vector<16xf32>,
      tpu.vector_store %arg6[%swap3A_471, %swap3A_472], %broadcast_in_dim3A_1 {strides = array<i32>} : memref<16x2048xf32, #tpu.memory_space<vmem>>, vector<16xf32>,
      %swap3A_474 = arith.index_cast %scan3A_117 : i32 to index
      %swap3A_475 = arith.constant 1904 : index
      %swap3A_476 = tpu.vector_load %arg6[%swap3A_474, %swap3A_475] {strides = array<i32>} : memref<16x2048xf32, #tpu.memory_space<vmem>>, vector<16xf32>,
      tpu.vector_store %arg6[%swap3A_474, %swap3A_475], %broadcast_in_dim3A_1 {strides = array<i32>} : memref<16x2048xf32, #tpu.memory_space<vmem>>, vector<16xf32>,
      %swap3A_477 = arith.index_cast %scan3A_117 : i32 to index
      %swap3A_478 = arith.constant 1920 : index
      %swap3A_479 = tpu.vector_load %arg6[%swap3A_477, %swap3A_478] {strides = array<i32>} : memref<16x2048xf32, #tpu.memory_space<vmem>>, vector<16xf32>,
      tpu.vector_store %arg6[%swap3A_477, %swap3A_478], %broadcast_in_dim3A_1 {strides = array<i32>} : memref<16x2048xf32, #tpu.memory_space<vmem>>, vector<16xf32>,
      %swap3A_480 = arith.index_cast %scan3A_117 : i32 to index
      %swap3A_481 = arith.constant 1936 : index
      %swap3A_482 = tpu.vector_load %arg6[%swap3A_480, %swap3A_481] {strides = array<i32>} : memref<16x2048xf32, #tpu.memory_space<vmem>>, vector<16xf32>,
      tpu.vector_store %arg6[%swap3A_480, %swap3A_481], %broadcast_in_dim3A_1 {strides = array<i32>} : memref<16x2048xf32, #tpu.memory_space<vmem>>, vector<16xf32>,
      %swap3A_483 = arith.index_cast %scan3A_117 : i32 to index
      %swap3A_484 = arith.constant 1952 : index
      %swap3A_485 = tpu.vector_load %arg6[%swap3A_483, %swap3A_484] {strides = array<i32>} : memref<16x2048xf32, #tpu.memory_space<vmem>>, vector<16xf32>,
      tpu.vector_store %arg6[%swap3A_483, %swap3A_484], %broadcast_in_dim3A_1 {strides = array<i32>} : memref<16x2048xf32, #tpu.memory_space<vmem>>, vector<16xf32>,
      %swap3A_486 = arith.index_cast %scan3A_117 : i32 to index
      %swap3A_487 = arith.constant 1968 : index
      %swap3A_488 = tpu.vector_load %arg6[%swap3A_486, %swap3A_487] {strides = array<i32>} : memref<16x2048xf32, #tpu.memory_space<vmem>>, vector<16xf32>,
      tpu.vector_store %arg6[%swap3A_486, %swap3A_487], %broadcast_in_dim3A_1 {strides = array<i32>} : memref<16x2048xf32, #tpu.memory_space<vmem>>, vector<16xf32>,
      %swap3A_489 = arith.index_cast %scan3A_117 : i32 to index
      %swap3A_490 = arith.constant 1984 : index
      %swap3A_491 = tpu.vector_load %arg6[%swap3A_489, %swap3A_490] {strides = array<i32>} : memref<16x2048xf32, #tpu.memory_space<vmem>>, vector<16xf32>,
      tpu.vector_store %arg6[%swap3A_489, %swap3A_490], %broadcast_in_dim3A_1 {strides = array<i32>} : memref<16x2048xf32, #tpu.memory_space<vmem>>, vector<16xf32>,
      %swap3A_492 = arith.index_cast %scan3A_117 : i32 to index
      %swap3A_493 = arith.constant 2000 : index
      %swap3A_494 = tpu.vector_load %arg6[%swap3A_492, %swap3A_493] {strides = array<i32>} : memref<16x2048xf32, #tpu.memory_space<vmem>>, vector<16xf32>,
      tpu.vector_store %arg6[%swap3A_492, %swap3A_493], %broadcast_in_dim3A_1 {strides = array<i32>} : memref<16x2048xf32, #tpu.memory_space<vmem>>, vector<16xf32>,
      %swap3A_495 = arith.index_cast %scan3A_117 : i32 to index
      %swap3A_496 = arith.constant 2016 : index
      %swap3A_497 = tpu.vector_load %arg6[%swap3A_495, %swap3A_496] {strides = array<i32>} : memref<16x2048xf32, #tpu.memory_space<vmem>>, vector<16xf32>,
      tpu.vector_store %arg6[%swap3A_495, %swap3A_496], %broadcast_in_dim3A_1 {strides = array<i32>} : memref<16x2048xf32, #tpu.memory_space<vmem>>, vector<16xf32>,
      %swap3A_498 = arith.index_cast %scan3A_117 : i32 to index
      %swap3A_499 = arith.constant 2032 : index
      %swap3A_500 = tpu.vector_load %arg6[%swap3A_498, %swap3A_499] {strides = array<i32>} : memref<16x2048xf32, #tpu.memory_space<vmem>>, vector<16xf32>,
      tpu.vector_store %arg6[%swap3A_498, %swap3A_499], %broadcast_in_dim3A_1 {strides = array<i32>} : memref<16x2048xf32, #tpu.memory_space<vmem>>, vector<16xf32>,
    }
    %scan3A_31 = arith.constant 16 : i32
    %scan3A_32 = arith.constant 0 : i32
    %scan3A_33 = arith.constant 0 : i32
    %scan3A_34 = arith.constant 16 : i32
    %scan3A_35 = arith.addi %scan3A_33, %scan3A_34 : i32
    %scan3A_36 = arith.constant 1 : i32
    scf.for %scan3A_117 = %scan3A_33 to %scan3A_35 step %scan3A_36  : i32 {
      %broadcast_in_dim3A_118 = arith.constant 0 : i32
      %broadcast_in_dim3A_119 = vector.broadcast %broadcast_in_dim3A_118 : i32 to vector<16xi32>
      %add3A_120 = vector.broadcast %scan3A_117 : i32 to vector<16xi32>
      %add3A_121 = arith.addi %broadcast_in_dim3A_119, %add3A_120 : vector<16xi32>
      %scan3A_122 = arith.constant 0 : i32
      %scan3A_123 = arith.constant 0 : i32
      %scan3A_124 = arith.constant 8 : i32
      %scan3A_125 = arith.addi %scan3A_123, %scan3A_124 : i32
      %scan3A_126 = arith.constant 1 : i32
      scf.for %scan3A_128 = %scan3A_123 to %scan3A_125 step %scan3A_126  : i32 {
        %add3A_129 = arith.constant 16 : i32
        %add3A_130 = arith.addi %add3A_129, %scan3A_117 : i32
        %mul3A_131 = arith.constant 4 : i32
        %mul3A_132 = arith.muli %scan3A_128, %mul3A_131 : i32
        %add3A_133 = arith.constant 0 : i32
        %add3A_134 = arith.addi %mul3A_132, %add3A_133 : i32
        %mul3A_135 = arith.constant 16 : i32
        %mul3A_136 = arith.muli %add3A_134, %mul3A_135 : i32
        %get3A = arith.index_cast %add3A_130 : i32 to index
        %get3A_137 = arith.index_cast %mul3A_136 : i32 to index
        %get3A_138 = tpu.vector_load %arg4[%get3A, %get3A_137] {strides = array<i32>} : memref<64x512xi32, #tpu.memory_space<vmem>>, vector<16xi32>,
        tpu.vector_store_idx %arg6[%add3A_121, %get3A_138], %broadcast_in_dim3A_3 {add = true} : memref<16x2048xf32, #tpu.memory_space<vmem>>[vector<16xi32>, vector<16xi32>], vector<16xf32>,
        %add3A_139 = arith.constant 16 : i32
        %add3A_140 = arith.addi %add3A_139, %scan3A_117 : i32
        %mul3A_141 = arith.constant 4 : i32
        %mul3A_142 = arith.muli %scan3A_128, %mul3A_141 : i32
        %add3A_143 = arith.constant 1 : i32
        %add3A_144 = arith.addi %mul3A_142, %add3A_143 : i32
        %mul3A_145 = arith.constant 16 : i32
        %mul3A_146 = arith.muli %add3A_144, %mul3A_145 : i32
        %get3A_147 = arith.index_cast %add3A_140 : i32 to index
        %get3A_148 = arith.index_cast %mul3A_146 : i32 to index
        %get3A_149 = tpu.vector_load %arg4[%get3A_147, %get3A_148] {strides = array<i32>} : memref<64x512xi32, #tpu.memory_space<vmem>>, vector<16xi32>,
        tpu.vector_store_idx %arg6[%add3A_121, %get3A_149], %broadcast_in_dim3A_3 {add = true} : memref<16x2048xf32, #tpu.memory_space<vmem>>[vector<16xi32>, vector<16xi32>], vector<16xf32>,
        %add3A_150 = arith.constant 16 : i32
        %add3A_151 = arith.addi %add3A_150, %scan3A_117 : i32
        %mul3A_152 = arith.constant 4 : i32
        %mul3A_153 = arith.muli %scan3A_128, %mul3A_152 : i32
        %add3A_154 = arith.constant 2 : i32
        %add3A_155 = arith.addi %mul3A_153, %add3A_154 : i32
        %mul3A_156 = arith.constant 16 : i32
        %mul3A_157 = arith.muli %add3A_155, %mul3A_156 : i32
        %get3A_158 = arith.index_cast %add3A_151 : i32 to index
        %get3A_159 = arith.index_cast %mul3A_157 : i32 to index
        %get3A_160 = tpu.vector_load %arg4[%get3A_158, %get3A_159] {strides = array<i32>} : memref<64x512xi32, #tpu.memory_space<vmem>>, vector<16xi32>,
        tpu.vector_store_idx %arg6[%add3A_121, %get3A_160], %broadcast_in_dim3A_3 {add = true} : memref<16x2048xf32, #tpu.memory_space<vmem>>[vector<16xi32>, vector<16xi32>], vector<16xf32>,
        %add3A_161 = arith.constant 16 : i32
        %add3A_162 = arith.addi %add3A_161, %scan3A_117 : i32
        %mul3A_163 = arith.constant 4 : i32
        %mul3A_164 = arith.muli %scan3A_128, %mul3A_163 : i32
        %add3A_165 = arith.constant 3 : i32
        %add3A_166 = arith.addi %mul3A_164, %add3A_165 : i32
        %mul3A_167 = arith.constant 16 : i32
        %mul3A_168 = arith.muli %add3A_166, %mul3A_167 : i32
        %get3A_169 = arith.index_cast %add3A_162 : i32 to index
        %get3A_170 = arith.index_cast %mul3A_168 : i32 to index
        %get3A_171 = tpu.vector_load %arg4[%get3A_169, %get3A_170] {strides = array<i32>} : memref<64x512xi32, #tpu.memory_space<vmem>>, vector<16xi32>,
        tpu.vector_store_idx %arg6[%add3A_121, %get3A_171], %broadcast_in_dim3A_3 {add = true} : memref<16x2048xf32, #tpu.memory_space<vmem>>[vector<16xi32>, vector<16xi32>], vector<16xf32>,
      }
      %scan3A_127 = arith.constant 8 : i32
    }
    %scan3A_37 = arith.constant 16 : i32
    %add3A_38 = arith.constant 1 : i32
    %add3A_39 = arith.addi %mul3A_5, %add3A_38 : i32
    %mul3A_40 = arith.constant 16 : i32
    %mul3A_41 = arith.muli %add3A_39, %mul3A_40 : i32
    %dma_start3A_42 = arith.constant 0 : i32
    %dma_start3A_43 = tpu.memref_slice %arg3[%mul3A_41, %dma_start3A_42] : memref<2048x2048xf32, #tpu.memory_space<hbm>> -> memref<16x2048xf32, #tpu.memory_space<hbm>>
    %dma_start3A_44 = arith.constant 0 : i32
    %dma_start3A_45 = tpu.memref_slice %arg3[%mul3A_41, %dma_start3A_44] : memref<2048x2048xf32, #tpu.memory_space<hbm>> -> memref<16x2048xf32, #tpu.memory_space<hbm>>
    tpu.enqueue_dma source(%arg6 : memref<16x2048xf32, #tpu.memory_space<vmem>>) target(%dma_start3A_45 : memref<16x2048xf32, #tpu.memory_space<hbm>>) target_semaphore(%arg8 : memref<!tpu.dma_semaphore, #tpu.memory_space<semaphore_mem>>)
    %add3A_46 = arith.constant 0 : i32
    %add3A_47 = arith.addi %mul3A_5, %add3A_46 : i32
    %mul3A_48 = arith.constant 16 : i32
    %mul3A_49 = arith.muli %add3A_47, %mul3A_48 : i32
    %dma_wait3A = arith.constant 0 : i32
    %dma_wait3A_50 = tpu.memref_slice %arg3[%mul3A_49, %dma_wait3A] : memref<2048x2048xf32, #tpu.memory_space<hbm>> -> memref<16x2048xf32, #tpu.memory_space<hbm>>
    %dma_wait3A_51 = arith.constant 0 : i32
    %dma_wait3A_52 = tpu.memref_slice %arg3[%mul3A_49, %dma_wait3A_51] : memref<2048x2048xf32, #tpu.memory_space<hbm>> -> memref<16x2048xf32, #tpu.memory_space<hbm>>
    tpu.wait_dma2 semaphore(%arg7 : memref<!tpu.dma_semaphore, #tpu.memory_space<semaphore_mem>>) src(%arg5 : memref<16x2048xf32, #tpu.memory_space<vmem>>) dst(%dma_wait3A_52 : memref<16x2048xf32, #tpu.memory_space<hbm>>)
    %scan3A_53 = arith.constant 0 : i32
    %scan3A_54 = arith.constant 0 : i32
    %scan3A_55 = arith.constant 16 : i32
    %scan3A_56 = arith.addi %scan3A_54, %scan3A_55 : i32
    %scan3A_57 = arith.constant 1 : i32
    scf.for %scan3A_117 = %scan3A_54 to %scan3A_56 step %scan3A_57  : i32 {
      %swap3A = arith.index_cast %scan3A_117 : i32 to index
      %swap3A_118 = arith.constant 0 : index
      %swap3A_119 = tpu.vector_load %arg5[%swap3A, %swap3A_118] {strides = array<i32>} : memref<16x2048xf32, #tpu.memory_space<vmem>>, vector<16xf32>,
      tpu.vector_store %arg5[%swap3A, %swap3A_118], %broadcast_in_dim3A_1 {strides = array<i32>} : memref<16x2048xf32, #tpu.memory_space<vmem>>, vector<16xf32>,
      %swap3A_120 = arith.index_cast %scan3A_117 : i32 to index
      %swap3A_121 = arith.constant 16 : index
      %swap3A_122 = tpu.vector_load %arg5[%swap3A_120, %swap3A_121] {strides = array<i32>} : memref<16x2048xf32, #tpu.memory_space<vmem>>, vector<16xf32>,
      tpu.vector_store %arg5[%swap3A_120, %swap3A_121], %broadcast_in_dim3A_1 {strides = array<i32>} : memref<16x2048xf32, #tpu.memory_space<vmem>>, vector<16xf32>,
      %swap3A_123 = arith.index_cast %scan3A_117 : i32 to index
      %swap3A_124 = arith.constant 32 : index
      %swap3A_125 = tpu.vector_load %arg5[%swap3A_123, %swap3A_124] {strides = array<i32>} : memref<16x2048xf32, #tpu.memory_space<vmem>>, vector<16xf32>,
      tpu.vector_store %arg5[%swap3A_123, %swap3A_124], %broadcast_in_dim3A_1 {strides = array<i32>} : memref<16x2048xf32, #tpu.memory_space<vmem>>, vector<16xf32>,
      %swap3A_126 = arith.index_cast %scan3A_117 : i32 to index
      %swap3A_127 = arith.constant 48 : index
      %swap3A_128 = tpu.vector_load %arg5[%swap3A_126, %swap3A_127] {strides = array<i32>} : memref<16x2048xf32, #tpu.memory_space<vmem>>, vector<16xf32>,
      tpu.vector_store %arg5[%swap3A_126, %swap3A_127], %broadcast_in_dim3A_1 {strides = array<i32>} : memref<16x2048xf32, #tpu.memory_space<vmem>>, vector<16xf32>,
      %swap3A_129 = arith.index_cast %scan3A_117 : i32 to index
      %swap3A_130 = arith.constant 64 : index
      %swap3A_131 = tpu.vector_load %arg5[%swap3A_129, %swap3A_130] {strides = array<i32>} : memref<16x2048xf32, #tpu.memory_space<vmem>>, vector<16xf32>,
      tpu.vector_store %arg5[%swap3A_129, %swap3A_130], %broadcast_in_dim3A_1 {strides = array<i32>} : memref<16x2048xf32, #tpu.memory_space<vmem>>, vector<16xf32>,
      %swap3A_132 = arith.index_cast %scan3A_117 : i32 to index
      %swap3A_133 = arith.constant 80 : index
      %swap3A_134 = tpu.vector_load %arg5[%swap3A_132, %swap3A_133] {strides = array<i32>} : memref<16x2048xf32, #tpu.memory_space<vmem>>, vector<16xf32>,
      tpu.vector_store %arg5[%swap3A_132, %swap3A_133], %broadcast_in_dim3A_1 {strides = array<i32>} : memref<16x2048xf32, #tpu.memory_space<vmem>>, vector<16xf32>,
      %swap3A_135 = arith.index_cast %scan3A_117 : i32 to index
      %swap3A_136 = arith.constant 96 : index
      %swap3A_137 = tpu.vector_load %arg5[%swap3A_135, %swap3A_136] {strides = array<i32>} : memref<16x2048xf32, #tpu.memory_space<vmem>>, vector<16xf32>,
      tpu.vector_store %arg5[%swap3A_135, %swap3A_136], %broadcast_in_dim3A_1 {strides = array<i32>} : memref<16x2048xf32, #tpu.memory_space<vmem>>, vector<16xf32>,
      %swap3A_138 = arith.index_cast %scan3A_117 : i32 to index
      %swap3A_139 = arith.constant 112 : index
      %swap3A_140 = tpu.vector_load %arg5[%swap3A_138, %swap3A_139] {strides = array<i32>} : memref<16x2048xf32, #tpu.memory_space<vmem>>, vector<16xf32>,
      tpu.vector_store %arg5[%swap3A_138, %swap3A_139], %broadcast_in_dim3A_1 {strides = array<i32>} : memref<16x2048xf32, #tpu.memory_space<vmem>>, vector<16xf32>,
      %swap3A_141 = arith.index_cast %scan3A_117 : i32 to index
      %swap3A_142 = arith.constant 128 : index
      %swap3A_143 = tpu.vector_load %arg5[%swap3A_141, %swap3A_142] {strides = array<i32>} : memref<16x2048xf32, #tpu.memory_space<vmem>>, vector<16xf32>,
      tpu.vector_store %arg5[%swap3A_141, %swap3A_142], %broadcast_in_dim3A_1 {strides = array<i32>} : memref<16x2048xf32, #tpu.memory_space<vmem>>, vector<16xf32>,
      %swap3A_144 = arith.index_cast %scan3A_117 : i32 to index
      %swap3A_145 = arith.constant 144 : index
      %swap3A_146 = tpu.vector_load %arg5[%swap3A_144, %swap3A_145] {strides = array<i32>} : memref<16x2048xf32, #tpu.memory_space<vmem>>, vector<16xf32>,
      tpu.vector_store %arg5[%swap3A_144, %swap3A_145], %broadcast_in_dim3A_1 {strides = array<i32>} : memref<16x2048xf32, #tpu.memory_space<vmem>>, vector<16xf32>,
      %swap3A_147 = arith.index_cast %scan3A_117 : i32 to index
      %swap3A_148 = arith.constant 160 : index
      %swap3A_149 = tpu.vector_load %arg5[%swap3A_147, %swap3A_148] {strides = array<i32>} : memref<16x2048xf32, #tpu.memory_space<vmem>>, vector<16xf32>,
      tpu.vector_store %arg5[%swap3A_147, %swap3A_148], %broadcast_in_dim3A_1 {strides = array<i32>} : memref<16x2048xf32, #tpu.memory_space<vmem>>, vector<16xf32>,
      %swap3A_150 = arith.index_cast %scan3A_117 : i32 to index
      %swap3A_151 = arith.constant 176 : index
      %swap3A_152 = tpu.vector_load %arg5[%swap3A_150, %swap3A_151] {strides = array<i32>} : memref<16x2048xf32, #tpu.memory_space<vmem>>, vector<16xf32>,
      tpu.vector_store %arg5[%swap3A_150, %swap3A_151], %broadcast_in_dim3A_1 {strides = array<i32>} : memref<16x2048xf32, #tpu.memory_space<vmem>>, vector<16xf32>,
      %swap3A_153 = arith.index_cast %scan3A_117 : i32 to index
      %swap3A_154 = arith.constant 192 : index
      %swap3A_155 = tpu.vector_load %arg5[%swap3A_153, %swap3A_154] {strides = array<i32>} : memref<16x2048xf32, #tpu.memory_space<vmem>>, vector<16xf32>,
      tpu.vector_store %arg5[%swap3A_153, %swap3A_154], %broadcast_in_dim3A_1 {strides = array<i32>} : memref<16x2048xf32, #tpu.memory_space<vmem>>, vector<16xf32>,
      %swap3A_156 = arith.index_cast %scan3A_117 : i32 to index
      %swap3A_157 = arith.constant 208 : index
      %swap3A_158 = tpu.vector_load %arg5[%swap3A_156, %swap3A_157] {strides = array<i32>} : memref<16x2048xf32, #tpu.memory_space<vmem>>, vector<16xf32>,
      tpu.vector_store %arg5[%swap3A_156, %swap3A_157], %broadcast_in_dim3A_1 {strides = array<i32>} : memref<16x2048xf32, #tpu.memory_space<vmem>>, vector<16xf32>,
      %swap3A_159 = arith.index_cast %scan3A_117 : i32 to index
      %swap3A_160 = arith.constant 224 : index
      %swap3A_161 = tpu.vector_load %arg5[%swap3A_159, %swap3A_160] {strides = array<i32>} : memref<16x2048xf32, #tpu.memory_space<vmem>>, vector<16xf32>,
      tpu.vector_store %arg5[%swap3A_159, %swap3A_160], %broadcast_in_dim3A_1 {strides = array<i32>} : memref<16x2048xf32, #tpu.memory_space<vmem>>, vector<16xf32>,
      %swap3A_162 = arith.index_cast %scan3A_117 : i32 to index
      %swap3A_163 = arith.constant 240 : index
      %swap3A_164 = tpu.vector_load %arg5[%swap3A_162, %swap3A_163] {strides = array<i32>} : memref<16x2048xf32, #tpu.memory_space<vmem>>, vector<16xf32>,
      tpu.vector_store %arg5[%swap3A_162, %swap3A_163], %broadcast_in_dim3A_1 {strides = array<i32>} : memref<16x2048xf32, #tpu.memory_space<vmem>>, vector<16xf32>,
      %swap3A_165 = arith.index_cast %scan3A_117 : i32 to index
      %swap3A_166 = arith.constant 256 : index
      %swap3A_167 = tpu.vector_load %arg5[%swap3A_165, %swap3A_166] {strides = array<i32>} : memref<16x2048xf32, #tpu.memory_space<vmem>>, vector<16xf32>,
      tpu.vector_store %arg5[%swap3A_165, %swap3A_166], %broadcast_in_dim3A_1 {strides = array<i32>} : memref<16x2048xf32, #tpu.memory_space<vmem>>, vector<16xf32>,
      %swap3A_168 = arith.index_cast %scan3A_117 : i32 to index
      %swap3A_169 = arith.constant 272 : index
      %swap3A_170 = tpu.vector_load %arg5[%swap3A_168, %swap3A_169] {strides = array<i32>} : memref<16x2048xf32, #tpu.memory_space<vmem>>, vector<16xf32>,
      tpu.vector_store %arg5[%swap3A_168, %swap3A_169], %broadcast_in_dim3A_1 {strides = array<i32>} : memref<16x2048xf32, #tpu.memory_space<vmem>>, vector<16xf32>,
      %swap3A_171 = arith.index_cast %scan3A_117 : i32 to index
      %swap3A_172 = arith.constant 288 : index
      %swap3A_173 = tpu.vector_load %arg5[%swap3A_171, %swap3A_172] {strides = array<i32>} : memref<16x2048xf32, #tpu.memory_space<vmem>>, vector<16xf32>,
      tpu.vector_store %arg5[%swap3A_171, %swap3A_172], %broadcast_in_dim3A_1 {strides = array<i32>} : memref<16x2048xf32, #tpu.memory_space<vmem>>, vector<16xf32>,
      %swap3A_174 = arith.index_cast %scan3A_117 : i32 to index
      %swap3A_175 = arith.constant 304 : index
      %swap3A_176 = tpu.vector_load %arg5[%swap3A_174, %swap3A_175] {strides = array<i32>} : memref<16x2048xf32, #tpu.memory_space<vmem>>, vector<16xf32>,
      tpu.vector_store %arg5[%swap3A_174, %swap3A_175], %broadcast_in_dim3A_1 {strides = array<i32>} : memref<16x2048xf32, #tpu.memory_space<vmem>>, vector<16xf32>,
      %swap3A_177 = arith.index_cast %scan3A_117 : i32 to index
      %swap3A_178 = arith.constant 320 : index
      %swap3A_179 = tpu.vector_load %arg5[%swap3A_177, %swap3A_178] {strides = array<i32>} : memref<16x2048xf32, #tpu.memory_space<vmem>>, vector<16xf32>,
      tpu.vector_store %arg5[%swap3A_177, %swap3A_178], %broadcast_in_dim3A_1 {strides = array<i32>} : memref<16x2048xf32, #tpu.memory_space<vmem>>, vector<16xf32>,
      %swap3A_180 = arith.index_cast %scan3A_117 : i32 to index
      %swap3A_181 = arith.constant 336 : index
      %swap3A_182 = tpu.vector_load %arg5[%swap3A_180, %swap3A_181] {strides = array<i32>} : memref<16x2048xf32, #tpu.memory_space<vmem>>, vector<16xf32>,
      tpu.vector_store %arg5[%swap3A_180, %swap3A_181], %broadcast_in_dim3A_1 {strides = array<i32>} : memref<16x2048xf32, #tpu.memory_space<vmem>>, vector<16xf32>,
      %swap3A_183 = arith.index_cast %scan3A_117 : i32 to index
      %swap3A_184 = arith.constant 352 : index
      %swap3A_185 = tpu.vector_load %arg5[%swap3A_183, %swap3A_184] {strides = array<i32>} : memref<16x2048xf32, #tpu.memory_space<vmem>>, vector<16xf32>,
      tpu.vector_store %arg5[%swap3A_183, %swap3A_184], %broadcast_in_dim3A_1 {strides = array<i32>} : memref<16x2048xf32, #tpu.memory_space<vmem>>, vector<16xf32>,
      %swap3A_186 = arith.index_cast %scan3A_117 : i32 to index
      %swap3A_187 = arith.constant 368 : index
      %swap3A_188 = tpu.vector_load %arg5[%swap3A_186, %swap3A_187] {strides = array<i32>} : memref<16x2048xf32, #tpu.memory_space<vmem>>, vector<16xf32>,
      tpu.vector_store %arg5[%swap3A_186, %swap3A_187], %broadcast_in_dim3A_1 {strides = array<i32>} : memref<16x2048xf32, #tpu.memory_space<vmem>>, vector<16xf32>,
      %swap3A_189 = arith.index_cast %scan3A_117 : i32 to index
      %swap3A_190 = arith.constant 384 : index
      %swap3A_191 = tpu.vector_load %arg5[%swap3A_189, %swap3A_190] {strides = array<i32>} : memref<16x2048xf32, #tpu.memory_space<vmem>>, vector<16xf32>,
      tpu.vector_store %arg5[%swap3A_189, %swap3A_190], %broadcast_in_dim3A_1 {strides = array<i32>} : memref<16x2048xf32, #tpu.memory_space<vmem>>, vector<16xf32>,
      %swap3A_192 = arith.index_cast %scan3A_117 : i32 to index
      %swap3A_193 = arith.constant 400 : index
      %swap3A_194 = tpu.vector_load %arg5[%swap3A_192, %swap3A_193] {strides = array<i32>} : memref<16x2048xf32, #tpu.memory_space<vmem>>, vector<16xf32>,
      tpu.vector_store %arg5[%swap3A_192, %swap3A_193], %broadcast_in_dim3A_1 {strides = array<i32>} : memref<16x2048xf32, #tpu.memory_space<vmem>>, vector<16xf32>,
      %swap3A_195 = arith.index_cast %scan3A_117 : i32 to index
      %swap3A_196 = arith.constant 416 : index
      %swap3A_197 = tpu.vector_load %arg5[%swap3A_195, %swap3A_196] {strides = array<i32>} : memref<16x2048xf32, #tpu.memory_space<vmem>>, vector<16xf32>,
      tpu.vector_store %arg5[%swap3A_195, %swap3A_196], %broadcast_in_dim3A_1 {strides = array<i32>} : memref<16x2048xf32, #tpu.memory_space<vmem>>, vector<16xf32>,
      %swap3A_198 = arith.index_cast %scan3A_117 : i32 to index
      %swap3A_199 = arith.constant 432 : index
      %swap3A_200 = tpu.vector_load %arg5[%swap3A_198, %swap3A_199] {strides = array<i32>} : memref<16x2048xf32, #tpu.memory_space<vmem>>, vector<16xf32>,
      tpu.vector_store %arg5[%swap3A_198, %swap3A_199], %broadcast_in_dim3A_1 {strides = array<i32>} : memref<16x2048xf32, #tpu.memory_space<vmem>>, vector<16xf32>,
      %swap3A_201 = arith.index_cast %scan3A_117 : i32 to index
      %swap3A_202 = arith.constant 448 : index
      %swap3A_203 = tpu.vector_load %arg5[%swap3A_201, %swap3A_202] {strides = array<i32>} : memref<16x2048xf32, #tpu.memory_space<vmem>>, vector<16xf32>,
      tpu.vector_store %arg5[%swap3A_201, %swap3A_202], %broadcast_in_dim3A_1 {strides = array<i32>} : memref<16x2048xf32, #tpu.memory_space<vmem>>, vector<16xf32>,
      %swap3A_204 = arith.index_cast %scan3A_117 : i32 to index
      %swap3A_205 = arith.constant 464 : index
      %swap3A_206 = tpu.vector_load %arg5[%swap3A_204, %swap3A_205] {strides = array<i32>} : memref<16x2048xf32, #tpu.memory_space<vmem>>, vector<16xf32>,
      tpu.vector_store %arg5[%swap3A_204, %swap3A_205], %broadcast_in_dim3A_1 {strides = array<i32>} : memref<16x2048xf32, #tpu.memory_space<vmem>>, vector<16xf32>,
      %swap3A_207 = arith.index_cast %scan3A_117 : i32 to index
      %swap3A_208 = arith.constant 480 : index
      %swap3A_209 = tpu.vector_load %arg5[%swap3A_207, %swap3A_208] {strides = array<i32>} : memref<16x2048xf32, #tpu.memory_space<vmem>>, vector<16xf32>,
      tpu.vector_store %arg5[%swap3A_207, %swap3A_208], %broadcast_in_dim3A_1 {strides = array<i32>} : memref<16x2048xf32, #tpu.memory_space<vmem>>, vector<16xf32>,
      %swap3A_210 = arith.index_cast %scan3A_117 : i32 to index
      %swap3A_211 = arith.constant 496 : index
      %swap3A_212 = tpu.vector_load %arg5[%swap3A_210, %swap3A_211] {strides = array<i32>} : memref<16x2048xf32, #tpu.memory_space<vmem>>, vector<16xf32>,
      tpu.vector_store %arg5[%swap3A_210, %swap3A_211], %broadcast_in_dim3A_1 {strides = array<i32>} : memref<16x2048xf32, #tpu.memory_space<vmem>>, vector<16xf32>,
      %swap3A_213 = arith.index_cast %scan3A_117 : i32 to index
      %swap3A_214 = arith.constant 512 : index
      %swap3A_215 = tpu.vector_load %arg5[%swap3A_213, %swap3A_214] {strides = array<i32>} : memref<16x2048xf32, #tpu.memory_space<vmem>>, vector<16xf32>,
      tpu.vector_store %arg5[%swap3A_213, %swap3A_214], %broadcast_in_dim3A_1 {strides = array<i32>} : memref<16x2048xf32, #tpu.memory_space<vmem>>, vector<16xf32>,
      %swap3A_216 = arith.index_cast %scan3A_117 : i32 to index
      %swap3A_217 = arith.constant 528 : index
      %swap3A_218 = tpu.vector_load %arg5[%swap3A_216, %swap3A_217] {strides = array<i32>} : memref<16x2048xf32, #tpu.memory_space<vmem>>, vector<16xf32>,
      tpu.vector_store %arg5[%swap3A_216, %swap3A_217], %broadcast_in_dim3A_1 {strides = array<i32>} : memref<16x2048xf32, #tpu.memory_space<vmem>>, vector<16xf32>,
      %swap3A_219 = arith.index_cast %scan3A_117 : i32 to index
      %swap3A_220 = arith.constant 544 : index
      %swap3A_221 = tpu.vector_load %arg5[%swap3A_219, %swap3A_220] {strides = array<i32>} : memref<16x2048xf32, #tpu.memory_space<vmem>>, vector<16xf32>,
      tpu.vector_store %arg5[%swap3A_219, %swap3A_220], %broadcast_in_dim3A_1 {strides = array<i32>} : memref<16x2048xf32, #tpu.memory_space<vmem>>, vector<16xf32>,
      %swap3A_222 = arith.index_cast %scan3A_117 : i32 to index
      %swap3A_223 = arith.constant 560 : index
      %swap3A_224 = tpu.vector_load %arg5[%swap3A_222, %swap3A_223] {strides = array<i32>} : memref<16x2048xf32, #tpu.memory_space<vmem>>, vector<16xf32>,
      tpu.vector_store %arg5[%swap3A_222, %swap3A_223], %broadcast_in_dim3A_1 {strides = array<i32>} : memref<16x2048xf32, #tpu.memory_space<vmem>>, vector<16xf32>,
      %swap3A_225 = arith.index_cast %scan3A_117 : i32 to index
      %swap3A_226 = arith.constant 576 : index
      %swap3A_227 = tpu.vector_load %arg5[%swap3A_225, %swap3A_226] {strides = array<i32>} : memref<16x2048xf32, #tpu.memory_space<vmem>>, vector<16xf32>,
      tpu.vector_store %arg5[%swap3A_225, %swap3A_226], %broadcast_in_dim3A_1 {strides = array<i32>} : memref<16x2048xf32, #tpu.memory_space<vmem>>, vector<16xf32>,
      %swap3A_228 = arith.index_cast %scan3A_117 : i32 to index
      %swap3A_229 = arith.constant 592 : index
      %swap3A_230 = tpu.vector_load %arg5[%swap3A_228, %swap3A_229] {strides = array<i32>} : memref<16x2048xf32, #tpu.memory_space<vmem>>, vector<16xf32>,
      tpu.vector_store %arg5[%swap3A_228, %swap3A_229], %broadcast_in_dim3A_1 {strides = array<i32>} : memref<16x2048xf32, #tpu.memory_space<vmem>>, vector<16xf32>,
      %swap3A_231 = arith.index_cast %scan3A_117 : i32 to index
      %swap3A_232 = arith.constant 608 : index
      %swap3A_233 = tpu.vector_load %arg5[%swap3A_231, %swap3A_232] {strides = array<i32>} : memref<16x2048xf32, #tpu.memory_space<vmem>>, vector<16xf32>,
      tpu.vector_store %arg5[%swap3A_231, %swap3A_232], %broadcast_in_dim3A_1 {strides = array<i32>} : memref<16x2048xf32, #tpu.memory_space<vmem>>, vector<16xf32>,
      %swap3A_234 = arith.index_cast %scan3A_117 : i32 to index
      %swap3A_235 = arith.constant 624 : index
      %swap3A_236 = tpu.vector_load %arg5[%swap3A_234, %swap3A_235] {strides = array<i32>} : memref<16x2048xf32, #tpu.memory_space<vmem>>, vector<16xf32>,
      tpu.vector_store %arg5[%swap3A_234, %swap3A_235], %broadcast_in_dim3A_1 {strides = array<i32>} : memref<16x2048xf32, #tpu.memory_space<vmem>>, vector<16xf32>,
      %swap3A_237 = arith.index_cast %scan3A_117 : i32 to index
      %swap3A_238 = arith.constant 640 : index
      %swap3A_239 = tpu.vector_load %arg5[%swap3A_237, %swap3A_238] {strides = array<i32>} : memref<16x2048xf32, #tpu.memory_space<vmem>>, vector<16xf32>,
      tpu.vector_store %arg5[%swap3A_237, %swap3A_238], %broadcast_in_dim3A_1 {strides = array<i32>} : memref<16x2048xf32, #tpu.memory_space<vmem>>, vector<16xf32>,
      %swap3A_240 = arith.index_cast %scan3A_117 : i32 to index
      %swap3A_241 = arith.constant 656 : index
      %swap3A_242 = tpu.vector_load %arg5[%swap3A_240, %swap3A_241] {strides = array<i32>} : memref<16x2048xf32, #tpu.memory_space<vmem>>, vector<16xf32>,
      tpu.vector_store %arg5[%swap3A_240, %swap3A_241], %broadcast_in_dim3A_1 {strides = array<i32>} : memref<16x2048xf32, #tpu.memory_space<vmem>>, vector<16xf32>,
      %swap3A_243 = arith.index_cast %scan3A_117 : i32 to index
      %swap3A_244 = arith.constant 672 : index
      %swap3A_245 = tpu.vector_load %arg5[%swap3A_243, %swap3A_244] {strides = array<i32>} : memref<16x2048xf32, #tpu.memory_space<vmem>>, vector<16xf32>,
      tpu.vector_store %arg5[%swap3A_243, %swap3A_244], %broadcast_in_dim3A_1 {strides = array<i32>} : memref<16x2048xf32, #tpu.memory_space<vmem>>, vector<16xf32>,
      %swap3A_246 = arith.index_cast %scan3A_117 : i32 to index
      %swap3A_247 = arith.constant 688 : index
      %swap3A_248 = tpu.vector_load %arg5[%swap3A_246, %swap3A_247] {strides = array<i32>} : memref<16x2048xf32, #tpu.memory_space<vmem>>, vector<16xf32>,
      tpu.vector_store %arg5[%swap3A_246, %swap3A_247], %broadcast_in_dim3A_1 {strides = array<i32>} : memref<16x2048xf32, #tpu.memory_space<vmem>>, vector<16xf32>,
      %swap3A_249 = arith.index_cast %scan3A_117 : i32 to index
      %swap3A_250 = arith.constant 704 : index
      %swap3A_251 = tpu.vector_load %arg5[%swap3A_249, %swap3A_250] {strides = array<i32>} : memref<16x2048xf32, #tpu.memory_space<vmem>>, vector<16xf32>,
      tpu.vector_store %arg5[%swap3A_249, %swap3A_250], %broadcast_in_dim3A_1 {strides = array<i32>} : memref<16x2048xf32, #tpu.memory_space<vmem>>, vector<16xf32>,
      %swap3A_252 = arith.index_cast %scan3A_117 : i32 to index
      %swap3A_253 = arith.constant 720 : index
      %swap3A_254 = tpu.vector_load %arg5[%swap3A_252, %swap3A_253] {strides = array<i32>} : memref<16x2048xf32, #tpu.memory_space<vmem>>, vector<16xf32>,
      tpu.vector_store %arg5[%swap3A_252, %swap3A_253], %broadcast_in_dim3A_1 {strides = array<i32>} : memref<16x2048xf32, #tpu.memory_space<vmem>>, vector<16xf32>,
      %swap3A_255 = arith.index_cast %scan3A_117 : i32 to index
      %swap3A_256 = arith.constant 736 : index
      %swap3A_257 = tpu.vector_load %arg5[%swap3A_255, %swap3A_256] {strides = array<i32>} : memref<16x2048xf32, #tpu.memory_space<vmem>>, vector<16xf32>,
      tpu.vector_store %arg5[%swap3A_255, %swap3A_256], %broadcast_in_dim3A_1 {strides = array<i32>} : memref<16x2048xf32, #tpu.memory_space<vmem>>, vector<16xf32>,
      %swap3A_258 = arith.index_cast %scan3A_117 : i32 to index
      %swap3A_259 = arith.constant 752 : index
      %swap3A_260 = tpu.vector_load %arg5[%swap3A_258, %swap3A_259] {strides = array<i32>} : memref<16x2048xf32, #tpu.memory_space<vmem>>, vector<16xf32>,
      tpu.vector_store %arg5[%swap3A_258, %swap3A_259], %broadcast_in_dim3A_1 {strides = array<i32>} : memref<16x2048xf32, #tpu.memory_space<vmem>>, vector<16xf32>,
      %swap3A_261 = arith.index_cast %scan3A_117 : i32 to index
      %swap3A_262 = arith.constant 768 : index
      %swap3A_263 = tpu.vector_load %arg5[%swap3A_261, %swap3A_262] {strides = array<i32>} : memref<16x2048xf32, #tpu.memory_space<vmem>>, vector<16xf32>,
      tpu.vector_store %arg5[%swap3A_261, %swap3A_262], %broadcast_in_dim3A_1 {strides = array<i32>} : memref<16x2048xf32, #tpu.memory_space<vmem>>, vector<16xf32>,
      %swap3A_264 = arith.index_cast %scan3A_117 : i32 to index
      %swap3A_265 = arith.constant 784 : index
      %swap3A_266 = tpu.vector_load %arg5[%swap3A_264, %swap3A_265] {strides = array<i32>} : memref<16x2048xf32, #tpu.memory_space<vmem>>, vector<16xf32>,
      tpu.vector_store %arg5[%swap3A_264, %swap3A_265], %broadcast_in_dim3A_1 {strides = array<i32>} : memref<16x2048xf32, #tpu.memory_space<vmem>>, vector<16xf32>,
      %swap3A_267 = arith.index_cast %scan3A_117 : i32 to index
      %swap3A_268 = arith.constant 800 : index
      %swap3A_269 = tpu.vector_load %arg5[%swap3A_267, %swap3A_268] {strides = array<i32>} : memref<16x2048xf32, #tpu.memory_space<vmem>>, vector<16xf32>,
      tpu.vector_store %arg5[%swap3A_267, %swap3A_268], %broadcast_in_dim3A_1 {strides = array<i32>} : memref<16x2048xf32, #tpu.memory_space<vmem>>, vector<16xf32>,
      %swap3A_270 = arith.index_cast %scan3A_117 : i32 to index
      %swap3A_271 = arith.constant 816 : index
      %swap3A_272 = tpu.vector_load %arg5[%swap3A_270, %swap3A_271] {strides = array<i32>} : memref<16x2048xf32, #tpu.memory_space<vmem>>, vector<16xf32>,
      tpu.vector_store %arg5[%swap3A_270, %swap3A_271], %broadcast_in_dim3A_1 {strides = array<i32>} : memref<16x2048xf32, #tpu.memory_space<vmem>>, vector<16xf32>,
      %swap3A_273 = arith.index_cast %scan3A_117 : i32 to index
      %swap3A_274 = arith.constant 832 : index
      %swap3A_275 = tpu.vector_load %arg5[%swap3A_273, %swap3A_274] {strides = array<i32>} : memref<16x2048xf32, #tpu.memory_space<vmem>>, vector<16xf32>,
      tpu.vector_store %arg5[%swap3A_273, %swap3A_274], %broadcast_in_dim3A_1 {strides = array<i32>} : memref<16x2048xf32, #tpu.memory_space<vmem>>, vector<16xf32>,
      %swap3A_276 = arith.index_cast %scan3A_117 : i32 to index
      %swap3A_277 = arith.constant 848 : index
      %swap3A_278 = tpu.vector_load %arg5[%swap3A_276, %swap3A_277] {strides = array<i32>} : memref<16x2048xf32, #tpu.memory_space<vmem>>, vector<16xf32>,
      tpu.vector_store %arg5[%swap3A_276, %swap3A_277], %broadcast_in_dim3A_1 {strides = array<i32>} : memref<16x2048xf32, #tpu.memory_space<vmem>>, vector<16xf32>,
      %swap3A_279 = arith.index_cast %scan3A_117 : i32 to index
      %swap3A_280 = arith.constant 864 : index
      %swap3A_281 = tpu.vector_load %arg5[%swap3A_279, %swap3A_280] {strides = array<i32>} : memref<16x2048xf32, #tpu.memory_space<vmem>>, vector<16xf32>,
      tpu.vector_store %arg5[%swap3A_279, %swap3A_280], %broadcast_in_dim3A_1 {strides = array<i32>} : memref<16x2048xf32, #tpu.memory_space<vmem>>, vector<16xf32>,
      %swap3A_282 = arith.index_cast %scan3A_117 : i32 to index
      %swap3A_283 = arith.constant 880 : index
      %swap3A_284 = tpu.vector_load %arg5[%swap3A_282, %swap3A_283] {strides = array<i32>} : memref<16x2048xf32, #tpu.memory_space<vmem>>, vector<16xf32>,
      tpu.vector_store %arg5[%swap3A_282, %swap3A_283], %broadcast_in_dim3A_1 {strides = array<i32>} : memref<16x2048xf32, #tpu.memory_space<vmem>>, vector<16xf32>,
      %swap3A_285 = arith.index_cast %scan3A_117 : i32 to index
      %swap3A_286 = arith.constant 896 : index
      %swap3A_287 = tpu.vector_load %arg5[%swap3A_285, %swap3A_286] {strides = array<i32>} : memref<16x2048xf32, #tpu.memory_space<vmem>>, vector<16xf32>,
      tpu.vector_store %arg5[%swap3A_285, %swap3A_286], %broadcast_in_dim3A_1 {strides = array<i32>} : memref<16x2048xf32, #tpu.memory_space<vmem>>, vector<16xf32>,
      %swap3A_288 = arith.index_cast %scan3A_117 : i32 to index
      %swap3A_289 = arith.constant 912 : index
      %swap3A_290 = tpu.vector_load %arg5[%swap3A_288, %swap3A_289] {strides = array<i32>} : memref<16x2048xf32, #tpu.memory_space<vmem>>, vector<16xf32>,
      tpu.vector_store %arg5[%swap3A_288, %swap3A_289], %broadcast_in_dim3A_1 {strides = array<i32>} : memref<16x2048xf32, #tpu.memory_space<vmem>>, vector<16xf32>,
      %swap3A_291 = arith.index_cast %scan3A_117 : i32 to index
      %swap3A_292 = arith.constant 928 : index
      %swap3A_293 = tpu.vector_load %arg5[%swap3A_291, %swap3A_292] {strides = array<i32>} : memref<16x2048xf32, #tpu.memory_space<vmem>>, vector<16xf32>,
      tpu.vector_store %arg5[%swap3A_291, %swap3A_292], %broadcast_in_dim3A_1 {strides = array<i32>} : memref<16x2048xf32, #tpu.memory_space<vmem>>, vector<16xf32>,
      %swap3A_294 = arith.index_cast %scan3A_117 : i32 to index
      %swap3A_295 = arith.constant 944 : index
      %swap3A_296 = tpu.vector_load %arg5[%swap3A_294, %swap3A_295] {strides = array<i32>} : memref<16x2048xf32, #tpu.memory_space<vmem>>, vector<16xf32>,
      tpu.vector_store %arg5[%swap3A_294, %swap3A_295], %broadcast_in_dim3A_1 {strides = array<i32>} : memref<16x2048xf32, #tpu.memory_space<vmem>>, vector<16xf32>,
      %swap3A_297 = arith.index_cast %scan3A_117 : i32 to index
      %swap3A_298 = arith.constant 960 : index
      %swap3A_299 = tpu.vector_load %arg5[%swap3A_297, %swap3A_298] {strides = array<i32>} : memref<16x2048xf32, #tpu.memory_space<vmem>>, vector<16xf32>,
      tpu.vector_store %arg5[%swap3A_297, %swap3A_298], %broadcast_in_dim3A_1 {strides = array<i32>} : memref<16x2048xf32, #tpu.memory_space<vmem>>, vector<16xf32>,
      %swap3A_300 = arith.index_cast %scan3A_117 : i32 to index
      %swap3A_301 = arith.constant 976 : index
      %swap3A_302 = tpu.vector_load %arg5[%swap3A_300, %swap3A_301] {strides = array<i32>} : memref<16x2048xf32, #tpu.memory_space<vmem>>, vector<16xf32>,
      tpu.vector_store %arg5[%swap3A_300, %swap3A_301], %broadcast_in_dim3A_1 {strides = array<i32>} : memref<16x2048xf32, #tpu.memory_space<vmem>>, vector<16xf32>,
      %swap3A_303 = arith.index_cast %scan3A_117 : i32 to index
      %swap3A_304 = arith.constant 992 : index
      %swap3A_305 = tpu.vector_load %arg5[%swap3A_303, %swap3A_304] {strides = array<i32>} : memref<16x2048xf32, #tpu.memory_space<vmem>>, vector<16xf32>,
      tpu.vector_store %arg5[%swap3A_303, %swap3A_304], %broadcast_in_dim3A_1 {strides = array<i32>} : memref<16x2048xf32, #tpu.memory_space<vmem>>, vector<16xf32>,
      %swap3A_306 = arith.index_cast %scan3A_117 : i32 to index
      %swap3A_307 = arith.constant 1008 : index
      %swap3A_308 = tpu.vector_load %arg5[%swap3A_306, %swap3A_307] {strides = array<i32>} : memref<16x2048xf32, #tpu.memory_space<vmem>>, vector<16xf32>,
      tpu.vector_store %arg5[%swap3A_306, %swap3A_307], %broadcast_in_dim3A_1 {strides = array<i32>} : memref<16x2048xf32, #tpu.memory_space<vmem>>, vector<16xf32>,
      %swap3A_309 = arith.index_cast %scan3A_117 : i32 to index
      %swap3A_310 = arith.constant 1024 : index
      %swap3A_311 = tpu.vector_load %arg5[%swap3A_309, %swap3A_310] {strides = array<i32>} : memref<16x2048xf32, #tpu.memory_space<vmem>>, vector<16xf32>,
      tpu.vector_store %arg5[%swap3A_309, %swap3A_310], %broadcast_in_dim3A_1 {strides = array<i32>} : memref<16x2048xf32, #tpu.memory_space<vmem>>, vector<16xf32>,
      %swap3A_312 = arith.index_cast %scan3A_117 : i32 to index
      %swap3A_313 = arith.constant 1040 : index
      %swap3A_314 = tpu.vector_load %arg5[%swap3A_312, %swap3A_313] {strides = array<i32>} : memref<16x2048xf32, #tpu.memory_space<vmem>>, vector<16xf32>,
      tpu.vector_store %arg5[%swap3A_312, %swap3A_313], %broadcast_in_dim3A_1 {strides = array<i32>} : memref<16x2048xf32, #tpu.memory_space<vmem>>, vector<16xf32>,
      %swap3A_315 = arith.index_cast %scan3A_117 : i32 to index
      %swap3A_316 = arith.constant 1056 : index
      %swap3A_317 = tpu.vector_load %arg5[%swap3A_315, %swap3A_316] {strides = array<i32>} : memref<16x2048xf32, #tpu.memory_space<vmem>>, vector<16xf32>,
      tpu.vector_store %arg5[%swap3A_315, %swap3A_316], %broadcast_in_dim3A_1 {strides = array<i32>} : memref<16x2048xf32, #tpu.memory_space<vmem>>, vector<16xf32>,
      %swap3A_318 = arith.index_cast %scan3A_117 : i32 to index
      %swap3A_319 = arith.constant 1072 : index
      %swap3A_320 = tpu.vector_load %arg5[%swap3A_318, %swap3A_319] {strides = array<i32>} : memref<16x2048xf32, #tpu.memory_space<vmem>>, vector<16xf32>,
      tpu.vector_store %arg5[%swap3A_318, %swap3A_319], %broadcast_in_dim3A_1 {strides = array<i32>} : memref<16x2048xf32, #tpu.memory_space<vmem>>, vector<16xf32>,
      %swap3A_321 = arith.index_cast %scan3A_117 : i32 to index
      %swap3A_322 = arith.constant 1088 : index
      %swap3A_323 = tpu.vector_load %arg5[%swap3A_321, %swap3A_322] {strides = array<i32>} : memref<16x2048xf32, #tpu.memory_space<vmem>>, vector<16xf32>,
      tpu.vector_store %arg5[%swap3A_321, %swap3A_322], %broadcast_in_dim3A_1 {strides = array<i32>} : memref<16x2048xf32, #tpu.memory_space<vmem>>, vector<16xf32>,
      %swap3A_324 = arith.index_cast %scan3A_117 : i32 to index
      %swap3A_325 = arith.constant 1104 : index
      %swap3A_326 = tpu.vector_load %arg5[%swap3A_324, %swap3A_325] {strides = array<i32>} : memref<16x2048xf32, #tpu.memory_space<vmem>>, vector<16xf32>,
      tpu.vector_store %arg5[%swap3A_324, %swap3A_325], %broadcast_in_dim3A_1 {strides = array<i32>} : memref<16x2048xf32, #tpu.memory_space<vmem>>, vector<16xf32>,
      %swap3A_327 = arith.index_cast %scan3A_117 : i32 to index
      %swap3A_328 = arith.constant 1120 : index
      %swap3A_329 = tpu.vector_load %arg5[%swap3A_327, %swap3A_328] {strides = array<i32>} : memref<16x2048xf32, #tpu.memory_space<vmem>>, vector<16xf32>,
      tpu.vector_store %arg5[%swap3A_327, %swap3A_328], %broadcast_in_dim3A_1 {strides = array<i32>} : memref<16x2048xf32, #tpu.memory_space<vmem>>, vector<16xf32>,
      %swap3A_330 = arith.index_cast %scan3A_117 : i32 to index
      %swap3A_331 = arith.constant 1136 : index
      %swap3A_332 = tpu.vector_load %arg5[%swap3A_330, %swap3A_331] {strides = array<i32>} : memref<16x2048xf32, #tpu.memory_space<vmem>>, vector<16xf32>,
      tpu.vector_store %arg5[%swap3A_330, %swap3A_331], %broadcast_in_dim3A_1 {strides = array<i32>} : memref<16x2048xf32, #tpu.memory_space<vmem>>, vector<16xf32>,
      %swap3A_333 = arith.index_cast %scan3A_117 : i32 to index
      %swap3A_334 = arith.constant 1152 : index
      %swap3A_335 = tpu.vector_load %arg5[%swap3A_333, %swap3A_334] {strides = array<i32>} : memref<16x2048xf32, #tpu.memory_space<vmem>>, vector<16xf32>,
      tpu.vector_store %arg5[%swap3A_333, %swap3A_334], %broadcast_in_dim3A_1 {strides = array<i32>} : memref<16x2048xf32, #tpu.memory_space<vmem>>, vector<16xf32>,
      %swap3A_336 = arith.index_cast %scan3A_117 : i32 to index
      %swap3A_337 = arith.constant 1168 : index
      %swap3A_338 = tpu.vector_load %arg5[%swap3A_336, %swap3A_337] {strides = array<i32>} : memref<16x2048xf32, #tpu.memory_space<vmem>>, vector<16xf32>,
      tpu.vector_store %arg5[%swap3A_336, %swap3A_337], %broadcast_in_dim3A_1 {strides = array<i32>} : memref<16x2048xf32, #tpu.memory_space<vmem>>, vector<16xf32>,
      %swap3A_339 = arith.index_cast %scan3A_117 : i32 to index
      %swap3A_340 = arith.constant 1184 : index
      %swap3A_341 = tpu.vector_load %arg5[%swap3A_339, %swap3A_340] {strides = array<i32>} : memref<16x2048xf32, #tpu.memory_space<vmem>>, vector<16xf32>,
      tpu.vector_store %arg5[%swap3A_339, %swap3A_340], %broadcast_in_dim3A_1 {strides = array<i32>} : memref<16x2048xf32, #tpu.memory_space<vmem>>, vector<16xf32>,
      %swap3A_342 = arith.index_cast %scan3A_117 : i32 to index
      %swap3A_343 = arith.constant 1200 : index
      %swap3A_344 = tpu.vector_load %arg5[%swap3A_342, %swap3A_343] {strides = array<i32>} : memref<16x2048xf32, #tpu.memory_space<vmem>>, vector<16xf32>,
      tpu.vector_store %arg5[%swap3A_342, %swap3A_343], %broadcast_in_dim3A_1 {strides = array<i32>} : memref<16x2048xf32, #tpu.memory_space<vmem>>, vector<16xf32>,
      %swap3A_345 = arith.index_cast %scan3A_117 : i32 to index
      %swap3A_346 = arith.constant 1216 : index
      %swap3A_347 = tpu.vector_load %arg5[%swap3A_345, %swap3A_346] {strides = array<i32>} : memref<16x2048xf32, #tpu.memory_space<vmem>>, vector<16xf32>,
      tpu.vector_store %arg5[%swap3A_345, %swap3A_346], %broadcast_in_dim3A_1 {strides = array<i32>} : memref<16x2048xf32, #tpu.memory_space<vmem>>, vector<16xf32>,
      %swap3A_348 = arith.index_cast %scan3A_117 : i32 to index
      %swap3A_349 = arith.constant 1232 : index
      %swap3A_350 = tpu.vector_load %arg5[%swap3A_348, %swap3A_349] {strides = array<i32>} : memref<16x2048xf32, #tpu.memory_space<vmem>>, vector<16xf32>,
      tpu.vector_store %arg5[%swap3A_348, %swap3A_349], %broadcast_in_dim3A_1 {strides = array<i32>} : memref<16x2048xf32, #tpu.memory_space<vmem>>, vector<16xf32>,
      %swap3A_351 = arith.index_cast %scan3A_117 : i32 to index
      %swap3A_352 = arith.constant 1248 : index
      %swap3A_353 = tpu.vector_load %arg5[%swap3A_351, %swap3A_352] {strides = array<i32>} : memref<16x2048xf32, #tpu.memory_space<vmem>>, vector<16xf32>,
      tpu.vector_store %arg5[%swap3A_351, %swap3A_352], %broadcast_in_dim3A_1 {strides = array<i32>} : memref<16x2048xf32, #tpu.memory_space<vmem>>, vector<16xf32>,
      %swap3A_354 = arith.index_cast %scan3A_117 : i32 to index
      %swap3A_355 = arith.constant 1264 : index
      %swap3A_356 = tpu.vector_load %arg5[%swap3A_354, %swap3A_355] {strides = array<i32>} : memref<16x2048xf32, #tpu.memory_space<vmem>>, vector<16xf32>,
      tpu.vector_store %arg5[%swap3A_354, %swap3A_355], %broadcast_in_dim3A_1 {strides = array<i32>} : memref<16x2048xf32, #tpu.memory_space<vmem>>, vector<16xf32>,
      %swap3A_357 = arith.index_cast %scan3A_117 : i32 to index
      %swap3A_358 = arith.constant 1280 : index
      %swap3A_359 = tpu.vector_load %arg5[%swap3A_357, %swap3A_358] {strides = array<i32>} : memref<16x2048xf32, #tpu.memory_space<vmem>>, vector<16xf32>,
      tpu.vector_store %arg5[%swap3A_357, %swap3A_358], %broadcast_in_dim3A_1 {strides = array<i32>} : memref<16x2048xf32, #tpu.memory_space<vmem>>, vector<16xf32>,
      %swap3A_360 = arith.index_cast %scan3A_117 : i32 to index
      %swap3A_361 = arith.constant 1296 : index
      %swap3A_362 = tpu.vector_load %arg5[%swap3A_360, %swap3A_361] {strides = array<i32>} : memref<16x2048xf32, #tpu.memory_space<vmem>>, vector<16xf32>,
      tpu.vector_store %arg5[%swap3A_360, %swap3A_361], %broadcast_in_dim3A_1 {strides = array<i32>} : memref<16x2048xf32, #tpu.memory_space<vmem>>, vector<16xf32>,
      %swap3A_363 = arith.index_cast %scan3A_117 : i32 to index
      %swap3A_364 = arith.constant 1312 : index
      %swap3A_365 = tpu.vector_load %arg5[%swap3A_363, %swap3A_364] {strides = array<i32>} : memref<16x2048xf32, #tpu.memory_space<vmem>>, vector<16xf32>,
      tpu.vector_store %arg5[%swap3A_363, %swap3A_364], %broadcast_in_dim3A_1 {strides = array<i32>} : memref<16x2048xf32, #tpu.memory_space<vmem>>, vector<16xf32>,
      %swap3A_366 = arith.index_cast %scan3A_117 : i32 to index
      %swap3A_367 = arith.constant 1328 : index
      %swap3A_368 = tpu.vector_load %arg5[%swap3A_366, %swap3A_367] {strides = array<i32>} : memref<16x2048xf32, #tpu.memory_space<vmem>>, vector<16xf32>,
      tpu.vector_store %arg5[%swap3A_366, %swap3A_367], %broadcast_in_dim3A_1 {strides = array<i32>} : memref<16x2048xf32, #tpu.memory_space<vmem>>, vector<16xf32>,
      %swap3A_369 = arith.index_cast %scan3A_117 : i32 to index
      %swap3A_370 = arith.constant 1344 : index
      %swap3A_371 = tpu.vector_load %arg5[%swap3A_369, %swap3A_370] {strides = array<i32>} : memref<16x2048xf32, #tpu.memory_space<vmem>>, vector<16xf32>,
      tpu.vector_store %arg5[%swap3A_369, %swap3A_370], %broadcast_in_dim3A_1 {strides = array<i32>} : memref<16x2048xf32, #tpu.memory_space<vmem>>, vector<16xf32>,
      %swap3A_372 = arith.index_cast %scan3A_117 : i32 to index
      %swap3A_373 = arith.constant 1360 : index
      %swap3A_374 = tpu.vector_load %arg5[%swap3A_372, %swap3A_373] {strides = array<i32>} : memref<16x2048xf32, #tpu.memory_space<vmem>>, vector<16xf32>,
      tpu.vector_store %arg5[%swap3A_372, %swap3A_373], %broadcast_in_dim3A_1 {strides = array<i32>} : memref<16x2048xf32, #tpu.memory_space<vmem>>, vector<16xf32>,
      %swap3A_375 = arith.index_cast %scan3A_117 : i32 to index
      %swap3A_376 = arith.constant 1376 : index
      %swap3A_377 = tpu.vector_load %arg5[%swap3A_375, %swap3A_376] {strides = array<i32>} : memref<16x2048xf32, #tpu.memory_space<vmem>>, vector<16xf32>,
      tpu.vector_store %arg5[%swap3A_375, %swap3A_376], %broadcast_in_dim3A_1 {strides = array<i32>} : memref<16x2048xf32, #tpu.memory_space<vmem>>, vector<16xf32>,
      %swap3A_378 = arith.index_cast %scan3A_117 : i32 to index
      %swap3A_379 = arith.constant 1392 : index
      %swap3A_380 = tpu.vector_load %arg5[%swap3A_378, %swap3A_379] {strides = array<i32>} : memref<16x2048xf32, #tpu.memory_space<vmem>>, vector<16xf32>,
      tpu.vector_store %arg5[%swap3A_378, %swap3A_379], %broadcast_in_dim3A_1 {strides = array<i32>} : memref<16x2048xf32, #tpu.memory_space<vmem>>, vector<16xf32>,
      %swap3A_381 = arith.index_cast %scan3A_117 : i32 to index
      %swap3A_382 = arith.constant 1408 : index
      %swap3A_383 = tpu.vector_load %arg5[%swap3A_381, %swap3A_382] {strides = array<i32>} : memref<16x2048xf32, #tpu.memory_space<vmem>>, vector<16xf32>,
      tpu.vector_store %arg5[%swap3A_381, %swap3A_382], %broadcast_in_dim3A_1 {strides = array<i32>} : memref<16x2048xf32, #tpu.memory_space<vmem>>, vector<16xf32>,
      %swap3A_384 = arith.index_cast %scan3A_117 : i32 to index
      %swap3A_385 = arith.constant 1424 : index
      %swap3A_386 = tpu.vector_load %arg5[%swap3A_384, %swap3A_385] {strides = array<i32>} : memref<16x2048xf32, #tpu.memory_space<vmem>>, vector<16xf32>,
      tpu.vector_store %arg5[%swap3A_384, %swap3A_385], %broadcast_in_dim3A_1 {strides = array<i32>} : memref<16x2048xf32, #tpu.memory_space<vmem>>, vector<16xf32>,
      %swap3A_387 = arith.index_cast %scan3A_117 : i32 to index
      %swap3A_388 = arith.constant 1440 : index
      %swap3A_389 = tpu.vector_load %arg5[%swap3A_387, %swap3A_388] {strides = array<i32>} : memref<16x2048xf32, #tpu.memory_space<vmem>>, vector<16xf32>,
      tpu.vector_store %arg5[%swap3A_387, %swap3A_388], %broadcast_in_dim3A_1 {strides = array<i32>} : memref<16x2048xf32, #tpu.memory_space<vmem>>, vector<16xf32>,
      %swap3A_390 = arith.index_cast %scan3A_117 : i32 to index
      %swap3A_391 = arith.constant 1456 : index
      %swap3A_392 = tpu.vector_load %arg5[%swap3A_390, %swap3A_391] {strides = array<i32>} : memref<16x2048xf32, #tpu.memory_space<vmem>>, vector<16xf32>,
      tpu.vector_store %arg5[%swap3A_390, %swap3A_391], %broadcast_in_dim3A_1 {strides = array<i32>} : memref<16x2048xf32, #tpu.memory_space<vmem>>, vector<16xf32>,
      %swap3A_393 = arith.index_cast %scan3A_117 : i32 to index
      %swap3A_394 = arith.constant 1472 : index
      %swap3A_395 = tpu.vector_load %arg5[%swap3A_393, %swap3A_394] {strides = array<i32>} : memref<16x2048xf32, #tpu.memory_space<vmem>>, vector<16xf32>,
      tpu.vector_store %arg5[%swap3A_393, %swap3A_394], %broadcast_in_dim3A_1 {strides = array<i32>} : memref<16x2048xf32, #tpu.memory_space<vmem>>, vector<16xf32>,
      %swap3A_396 = arith.index_cast %scan3A_117 : i32 to index
      %swap3A_397 = arith.constant 1488 : index
      %swap3A_398 = tpu.vector_load %arg5[%swap3A_396, %swap3A_397] {strides = array<i32>} : memref<16x2048xf32, #tpu.memory_space<vmem>>, vector<16xf32>,
      tpu.vector_store %arg5[%swap3A_396, %swap3A_397], %broadcast_in_dim3A_1 {strides = array<i32>} : memref<16x2048xf32, #tpu.memory_space<vmem>>, vector<16xf32>,
      %swap3A_399 = arith.index_cast %scan3A_117 : i32 to index
      %swap3A_400 = arith.constant 1504 : index
      %swap3A_401 = tpu.vector_load %arg5[%swap3A_399, %swap3A_400] {strides = array<i32>} : memref<16x2048xf32, #tpu.memory_space<vmem>>, vector<16xf32>,
      tpu.vector_store %arg5[%swap3A_399, %swap3A_400], %broadcast_in_dim3A_1 {strides = array<i32>} : memref<16x2048xf32, #tpu.memory_space<vmem>>, vector<16xf32>,
      %swap3A_402 = arith.index_cast %scan3A_117 : i32 to index
      %swap3A_403 = arith.constant 1520 : index
      %swap3A_404 = tpu.vector_load %arg5[%swap3A_402, %swap3A_403] {strides = array<i32>} : memref<16x2048xf32, #tpu.memory_space<vmem>>, vector<16xf32>,
      tpu.vector_store %arg5[%swap3A_402, %swap3A_403], %broadcast_in_dim3A_1 {strides = array<i32>} : memref<16x2048xf32, #tpu.memory_space<vmem>>, vector<16xf32>,
      %swap3A_405 = arith.index_cast %scan3A_117 : i32 to index
      %swap3A_406 = arith.constant 1536 : index
      %swap3A_407 = tpu.vector_load %arg5[%swap3A_405, %swap3A_406] {strides = array<i32>} : memref<16x2048xf32, #tpu.memory_space<vmem>>, vector<16xf32>,
      tpu.vector_store %arg5[%swap3A_405, %swap3A_406], %broadcast_in_dim3A_1 {strides = array<i32>} : memref<16x2048xf32, #tpu.memory_space<vmem>>, vector<16xf32>,
      %swap3A_408 = arith.index_cast %scan3A_117 : i32 to index
      %swap3A_409 = arith.constant 1552 : index
      %swap3A_410 = tpu.vector_load %arg5[%swap3A_408, %swap3A_409] {strides = array<i32>} : memref<16x2048xf32, #tpu.memory_space<vmem>>, vector<16xf32>,
      tpu.vector_store %arg5[%swap3A_408, %swap3A_409], %broadcast_in_dim3A_1 {strides = array<i32>} : memref<16x2048xf32, #tpu.memory_space<vmem>>, vector<16xf32>,
      %swap3A_411 = arith.index_cast %scan3A_117 : i32 to index
      %swap3A_412 = arith.constant 1568 : index
      %swap3A_413 = tpu.vector_load %arg5[%swap3A_411, %swap3A_412] {strides = array<i32>} : memref<16x2048xf32, #tpu.memory_space<vmem>>, vector<16xf32>,
      tpu.vector_store %arg5[%swap3A_411, %swap3A_412], %broadcast_in_dim3A_1 {strides = array<i32>} : memref<16x2048xf32, #tpu.memory_space<vmem>>, vector<16xf32>,
      %swap3A_414 = arith.index_cast %scan3A_117 : i32 to index
      %swap3A_415 = arith.constant 1584 : index
      %swap3A_416 = tpu.vector_load %arg5[%swap3A_414, %swap3A_415] {strides = array<i32>} : memref<16x2048xf32, #tpu.memory_space<vmem>>, vector<16xf32>,
      tpu.vector_store %arg5[%swap3A_414, %swap3A_415], %broadcast_in_dim3A_1 {strides = array<i32>} : memref<16x2048xf32, #tpu.memory_space<vmem>>, vector<16xf32>,
      %swap3A_417 = arith.index_cast %scan3A_117 : i32 to index
      %swap3A_418 = arith.constant 1600 : index
      %swap3A_419 = tpu.vector_load %arg5[%swap3A_417, %swap3A_418] {strides = array<i32>} : memref<16x2048xf32, #tpu.memory_space<vmem>>, vector<16xf32>,
      tpu.vector_store %arg5[%swap3A_417, %swap3A_418], %broadcast_in_dim3A_1 {strides = array<i32>} : memref<16x2048xf32, #tpu.memory_space<vmem>>, vector<16xf32>,
      %swap3A_420 = arith.index_cast %scan3A_117 : i32 to index
      %swap3A_421 = arith.constant 1616 : index
      %swap3A_422 = tpu.vector_load %arg5[%swap3A_420, %swap3A_421] {strides = array<i32>} : memref<16x2048xf32, #tpu.memory_space<vmem>>, vector<16xf32>,
      tpu.vector_store %arg5[%swap3A_420, %swap3A_421], %broadcast_in_dim3A_1 {strides = array<i32>} : memref<16x2048xf32, #tpu.memory_space<vmem>>, vector<16xf32>,
      %swap3A_423 = arith.index_cast %scan3A_117 : i32 to index
      %swap3A_424 = arith.constant 1632 : index
      %swap3A_425 = tpu.vector_load %arg5[%swap3A_423, %swap3A_424] {strides = array<i32>} : memref<16x2048xf32, #tpu.memory_space<vmem>>, vector<16xf32>,
      tpu.vector_store %arg5[%swap3A_423, %swap3A_424], %broadcast_in_dim3A_1 {strides = array<i32>} : memref<16x2048xf32, #tpu.memory_space<vmem>>, vector<16xf32>,
      %swap3A_426 = arith.index_cast %scan3A_117 : i32 to index
      %swap3A_427 = arith.constant 1648 : index
      %swap3A_428 = tpu.vector_load %arg5[%swap3A_426, %swap3A_427] {strides = array<i32>} : memref<16x2048xf32, #tpu.memory_space<vmem>>, vector<16xf32>,
      tpu.vector_store %arg5[%swap3A_426, %swap3A_427], %broadcast_in_dim3A_1 {strides = array<i32>} : memref<16x2048xf32, #tpu.memory_space<vmem>>, vector<16xf32>,
      %swap3A_429 = arith.index_cast %scan3A_117 : i32 to index
      %swap3A_430 = arith.constant 1664 : index
      %swap3A_431 = tpu.vector_load %arg5[%swap3A_429, %swap3A_430] {strides = array<i32>} : memref<16x2048xf32, #tpu.memory_space<vmem>>, vector<16xf32>,
      tpu.vector_store %arg5[%swap3A_429, %swap3A_430], %broadcast_in_dim3A_1 {strides = array<i32>} : memref<16x2048xf32, #tpu.memory_space<vmem>>, vector<16xf32>,
      %swap3A_432 = arith.index_cast %scan3A_117 : i32 to index
      %swap3A_433 = arith.constant 1680 : index
      %swap3A_434 = tpu.vector_load %arg5[%swap3A_432, %swap3A_433] {strides = array<i32>} : memref<16x2048xf32, #tpu.memory_space<vmem>>, vector<16xf32>,
      tpu.vector_store %arg5[%swap3A_432, %swap3A_433], %broadcast_in_dim3A_1 {strides = array<i32>} : memref<16x2048xf32, #tpu.memory_space<vmem>>, vector<16xf32>,
      %swap3A_435 = arith.index_cast %scan3A_117 : i32 to index
      %swap3A_436 = arith.constant 1696 : index
      %swap3A_437 = tpu.vector_load %arg5[%swap3A_435, %swap3A_436] {strides = array<i32>} : memref<16x2048xf32, #tpu.memory_space<vmem>>, vector<16xf32>,
      tpu.vector_store %arg5[%swap3A_435, %swap3A_436], %broadcast_in_dim3A_1 {strides = array<i32>} : memref<16x2048xf32, #tpu.memory_space<vmem>>, vector<16xf32>,
      %swap3A_438 = arith.index_cast %scan3A_117 : i32 to index
      %swap3A_439 = arith.constant 1712 : index
      %swap3A_440 = tpu.vector_load %arg5[%swap3A_438, %swap3A_439] {strides = array<i32>} : memref<16x2048xf32, #tpu.memory_space<vmem>>, vector<16xf32>,
      tpu.vector_store %arg5[%swap3A_438, %swap3A_439], %broadcast_in_dim3A_1 {strides = array<i32>} : memref<16x2048xf32, #tpu.memory_space<vmem>>, vector<16xf32>,
      %swap3A_441 = arith.index_cast %scan3A_117 : i32 to index
      %swap3A_442 = arith.constant 1728 : index
      %swap3A_443 = tpu.vector_load %arg5[%swap3A_441, %swap3A_442] {strides = array<i32>} : memref<16x2048xf32, #tpu.memory_space<vmem>>, vector<16xf32>,
      tpu.vector_store %arg5[%swap3A_441, %swap3A_442], %broadcast_in_dim3A_1 {strides = array<i32>} : memref<16x2048xf32, #tpu.memory_space<vmem>>, vector<16xf32>,
      %swap3A_444 = arith.index_cast %scan3A_117 : i32 to index
      %swap3A_445 = arith.constant 1744 : index
      %swap3A_446 = tpu.vector_load %arg5[%swap3A_444, %swap3A_445] {strides = array<i32>} : memref<16x2048xf32, #tpu.memory_space<vmem>>, vector<16xf32>,
      tpu.vector_store %arg5[%swap3A_444, %swap3A_445], %broadcast_in_dim3A_1 {strides = array<i32>} : memref<16x2048xf32, #tpu.memory_space<vmem>>, vector<16xf32>,
      %swap3A_447 = arith.index_cast %scan3A_117 : i32 to index
      %swap3A_448 = arith.constant 1760 : index
      %swap3A_449 = tpu.vector_load %arg5[%swap3A_447, %swap3A_448] {strides = array<i32>} : memref<16x2048xf32, #tpu.memory_space<vmem>>, vector<16xf32>,
      tpu.vector_store %arg5[%swap3A_447, %swap3A_448], %broadcast_in_dim3A_1 {strides = array<i32>} : memref<16x2048xf32, #tpu.memory_space<vmem>>, vector<16xf32>,
      %swap3A_450 = arith.index_cast %scan3A_117 : i32 to index
      %swap3A_451 = arith.constant 1776 : index
      %swap3A_452 = tpu.vector_load %arg5[%swap3A_450, %swap3A_451] {strides = array<i32>} : memref<16x2048xf32, #tpu.memory_space<vmem>>, vector<16xf32>,
      tpu.vector_store %arg5[%swap3A_450, %swap3A_451], %broadcast_in_dim3A_1 {strides = array<i32>} : memref<16x2048xf32, #tpu.memory_space<vmem>>, vector<16xf32>,
      %swap3A_453 = arith.index_cast %scan3A_117 : i32 to index
      %swap3A_454 = arith.constant 1792 : index
      %swap3A_455 = tpu.vector_load %arg5[%swap3A_453, %swap3A_454] {strides = array<i32>} : memref<16x2048xf32, #tpu.memory_space<vmem>>, vector<16xf32>,
      tpu.vector_store %arg5[%swap3A_453, %swap3A_454], %broadcast_in_dim3A_1 {strides = array<i32>} : memref<16x2048xf32, #tpu.memory_space<vmem>>, vector<16xf32>,
      %swap3A_456 = arith.index_cast %scan3A_117 : i32 to index
      %swap3A_457 = arith.constant 1808 : index
      %swap3A_458 = tpu.vector_load %arg5[%swap3A_456, %swap3A_457] {strides = array<i32>} : memref<16x2048xf32, #tpu.memory_space<vmem>>, vector<16xf32>,
      tpu.vector_store %arg5[%swap3A_456, %swap3A_457], %broadcast_in_dim3A_1 {strides = array<i32>} : memref<16x2048xf32, #tpu.memory_space<vmem>>, vector<16xf32>,
      %swap3A_459 = arith.index_cast %scan3A_117 : i32 to index
      %swap3A_460 = arith.constant 1824 : index
      %swap3A_461 = tpu.vector_load %arg5[%swap3A_459, %swap3A_460] {strides = array<i32>} : memref<16x2048xf32, #tpu.memory_space<vmem>>, vector<16xf32>,
      tpu.vector_store %arg5[%swap3A_459, %swap3A_460], %broadcast_in_dim3A_1 {strides = array<i32>} : memref<16x2048xf32, #tpu.memory_space<vmem>>, vector<16xf32>,
      %swap3A_462 = arith.index_cast %scan3A_117 : i32 to index
      %swap3A_463 = arith.constant 1840 : index
      %swap3A_464 = tpu.vector_load %arg5[%swap3A_462, %swap3A_463] {strides = array<i32>} : memref<16x2048xf32, #tpu.memory_space<vmem>>, vector<16xf32>,
      tpu.vector_store %arg5[%swap3A_462, %swap3A_463], %broadcast_in_dim3A_1 {strides = array<i32>} : memref<16x2048xf32, #tpu.memory_space<vmem>>, vector<16xf32>,
      %swap3A_465 = arith.index_cast %scan3A_117 : i32 to index
      %swap3A_466 = arith.constant 1856 : index
      %swap3A_467 = tpu.vector_load %arg5[%swap3A_465, %swap3A_466] {strides = array<i32>} : memref<16x2048xf32, #tpu.memory_space<vmem>>, vector<16xf32>,
      tpu.vector_store %arg5[%swap3A_465, %swap3A_466], %broadcast_in_dim3A_1 {strides = array<i32>} : memref<16x2048xf32, #tpu.memory_space<vmem>>, vector<16xf32>,
      %swap3A_468 = arith.index_cast %scan3A_117 : i32 to index
      %swap3A_469 = arith.constant 1872 : index
      %swap3A_470 = tpu.vector_load %arg5[%swap3A_468, %swap3A_469] {strides = array<i32>} : memref<16x2048xf32, #tpu.memory_space<vmem>>, vector<16xf32>,
      tpu.vector_store %arg5[%swap3A_468, %swap3A_469], %broadcast_in_dim3A_1 {strides = array<i32>} : memref<16x2048xf32, #tpu.memory_space<vmem>>, vector<16xf32>,
      %swap3A_471 = arith.index_cast %scan3A_117 : i32 to index
      %swap3A_472 = arith.constant 1888 : index
      %swap3A_473 = tpu.vector_load %arg5[%swap3A_471, %swap3A_472] {strides = array<i32>} : memref<16x2048xf32, #tpu.memory_space<vmem>>, vector<16xf32>,
      tpu.vector_store %arg5[%swap3A_471, %swap3A_472], %broadcast_in_dim3A_1 {strides = array<i32>} : memref<16x2048xf32, #tpu.memory_space<vmem>>, vector<16xf32>,
      %swap3A_474 = arith.index_cast %scan3A_117 : i32 to index
      %swap3A_475 = arith.constant 1904 : index
      %swap3A_476 = tpu.vector_load %arg5[%swap3A_474, %swap3A_475] {strides = array<i32>} : memref<16x2048xf32, #tpu.memory_space<vmem>>, vector<16xf32>,
      tpu.vector_store %arg5[%swap3A_474, %swap3A_475], %broadcast_in_dim3A_1 {strides = array<i32>} : memref<16x2048xf32, #tpu.memory_space<vmem>>, vector<16xf32>,
      %swap3A_477 = arith.index_cast %scan3A_117 : i32 to index
      %swap3A_478 = arith.constant 1920 : index
      %swap3A_479 = tpu.vector_load %arg5[%swap3A_477, %swap3A_478] {strides = array<i32>} : memref<16x2048xf32, #tpu.memory_space<vmem>>, vector<16xf32>,
      tpu.vector_store %arg5[%swap3A_477, %swap3A_478], %broadcast_in_dim3A_1 {strides = array<i32>} : memref<16x2048xf32, #tpu.memory_space<vmem>>, vector<16xf32>,
      %swap3A_480 = arith.index_cast %scan3A_117 : i32 to index
      %swap3A_481 = arith.constant 1936 : index
      %swap3A_482 = tpu.vector_load %arg5[%swap3A_480, %swap3A_481] {strides = array<i32>} : memref<16x2048xf32, #tpu.memory_space<vmem>>, vector<16xf32>,
      tpu.vector_store %arg5[%swap3A_480, %swap3A_481], %broadcast_in_dim3A_1 {strides = array<i32>} : memref<16x2048xf32, #tpu.memory_space<vmem>>, vector<16xf32>,
      %swap3A_483 = arith.index_cast %scan3A_117 : i32 to index
      %swap3A_484 = arith.constant 1952 : index
      %swap3A_485 = tpu.vector_load %arg5[%swap3A_483, %swap3A_484] {strides = array<i32>} : memref<16x2048xf32, #tpu.memory_space<vmem>>, vector<16xf32>,
      tpu.vector_store %arg5[%swap3A_483, %swap3A_484], %broadcast_in_dim3A_1 {strides = array<i32>} : memref<16x2048xf32, #tpu.memory_space<vmem>>, vector<16xf32>,
      %swap3A_486 = arith.index_cast %scan3A_117 : i32 to index
      %swap3A_487 = arith.constant 1968 : index
      %swap3A_488 = tpu.vector_load %arg5[%swap3A_486, %swap3A_487] {strides = array<i32>} : memref<16x2048xf32, #tpu.memory_space<vmem>>, vector<16xf32>,
      tpu.vector_store %arg5[%swap3A_486, %swap3A_487], %broadcast_in_dim3A_1 {strides = array<i32>} : memref<16x2048xf32, #tpu.memory_space<vmem>>, vector<16xf32>,
      %swap3A_489 = arith.index_cast %scan3A_117 : i32 to index
      %swap3A_490 = arith.constant 1984 : index
      %swap3A_491 = tpu.vector_load %arg5[%swap3A_489, %swap3A_490] {strides = array<i32>} : memref<16x2048xf32, #tpu.memory_space<vmem>>, vector<16xf32>,
      tpu.vector_store %arg5[%swap3A_489, %swap3A_490], %broadcast_in_dim3A_1 {strides = array<i32>} : memref<16x2048xf32, #tpu.memory_space<vmem>>, vector<16xf32>,
      %swap3A_492 = arith.index_cast %scan3A_117 : i32 to index
      %swap3A_493 = arith.constant 2000 : index
      %swap3A_494 = tpu.vector_load %arg5[%swap3A_492, %swap3A_493] {strides = array<i32>} : memref<16x2048xf32, #tpu.memory_space<vmem>>, vector<16xf32>,
      tpu.vector_store %arg5[%swap3A_492, %swap3A_493], %broadcast_in_dim3A_1 {strides = array<i32>} : memref<16x2048xf32, #tpu.memory_space<vmem>>, vector<16xf32>,
      %swap3A_495 = arith.index_cast %scan3A_117 : i32 to index
      %swap3A_496 = arith.constant 2016 : index
      %swap3A_497 = tpu.vector_load %arg5[%swap3A_495, %swap3A_496] {strides = array<i32>} : memref<16x2048xf32, #tpu.memory_space<vmem>>, vector<16xf32>,
      tpu.vector_store %arg5[%swap3A_495, %swap3A_496], %broadcast_in_dim3A_1 {strides = array<i32>} : memref<16x2048xf32, #tpu.memory_space<vmem>>, vector<16xf32>,
      %swap3A_498 = arith.index_cast %scan3A_117 : i32 to index
      %swap3A_499 = arith.constant 2032 : index
      %swap3A_500 = tpu.vector_load %arg5[%swap3A_498, %swap3A_499] {strides = array<i32>} : memref<16x2048xf32, #tpu.memory_space<vmem>>, vector<16xf32>,
      tpu.vector_store %arg5[%swap3A_498, %swap3A_499], %broadcast_in_dim3A_1 {strides = array<i32>} : memref<16x2048xf32, #tpu.memory_space<vmem>>, vector<16xf32>,
    }
    %scan3A_58 = arith.constant 16 : i32
    %scan3A_59 = arith.constant 0 : i32
    %scan3A_60 = arith.constant 0 : i32
    %scan3A_61 = arith.constant 16 : i32
    %scan3A_62 = arith.addi %scan3A_60, %scan3A_61 : i32
    %scan3A_63 = arith.constant 1 : i32
    scf.for %scan3A_117 = %scan3A_60 to %scan3A_62 step %scan3A_63  : i32 {
      %broadcast_in_dim3A_118 = arith.constant 0 : i32
      %broadcast_in_dim3A_119 = vector.broadcast %broadcast_in_dim3A_118 : i32 to vector<16xi32>
      %add3A_120 = vector.broadcast %scan3A_117 : i32 to vector<16xi32>
      %add3A_121 = arith.addi %broadcast_in_dim3A_119, %add3A_120 : vector<16xi32>
      %scan3A_122 = arith.constant 0 : i32
      %scan3A_123 = arith.constant 0 : i32
      %scan3A_124 = arith.constant 8 : i32
      %scan3A_125 = arith.addi %scan3A_123, %scan3A_124 : i32
      %scan3A_126 = arith.constant 1 : i32
      scf.for %scan3A_128 = %scan3A_123 to %scan3A_125 step %scan3A_126  : i32 {
        %add3A_129 = arith.constant 32 : i32
        %add3A_130 = arith.addi %add3A_129, %scan3A_117 : i32
        %mul3A_131 = arith.constant 4 : i32
        %mul3A_132 = arith.muli %scan3A_128, %mul3A_131 : i32
        %add3A_133 = arith.constant 0 : i32
        %add3A_134 = arith.addi %mul3A_132, %add3A_133 : i32
        %mul3A_135 = arith.constant 16 : i32
        %mul3A_136 = arith.muli %add3A_134, %mul3A_135 : i32
        %get3A = arith.index_cast %add3A_130 : i32 to index
        %get3A_137 = arith.index_cast %mul3A_136 : i32 to index
        %get3A_138 = tpu.vector_load %arg4[%get3A, %get3A_137] {strides = array<i32>} : memref<64x512xi32, #tpu.memory_space<vmem>>, vector<16xi32>,
        tpu.vector_store_idx %arg5[%add3A_121, %get3A_138], %broadcast_in_dim3A_3 {add = true} : memref<16x2048xf32, #tpu.memory_space<vmem>>[vector<16xi32>, vector<16xi32>], vector<16xf32>,
        %add3A_139 = arith.constant 32 : i32
        %add3A_140 = arith.addi %add3A_139, %scan3A_117 : i32
        %mul3A_141 = arith.constant 4 : i32
        %mul3A_142 = arith.muli %scan3A_128, %mul3A_141 : i32
        %add3A_143 = arith.constant 1 : i32
        %add3A_144 = arith.addi %mul3A_142, %add3A_143 : i32
        %mul3A_145 = arith.constant 16 : i32
        %mul3A_146 = arith.muli %add3A_144, %mul3A_145 : i32
        %get3A_147 = arith.index_cast %add3A_140 : i32 to index
        %get3A_148 = arith.index_cast %mul3A_146 : i32 to index
        %get3A_149 = tpu.vector_load %arg4[%get3A_147, %get3A_148] {strides = array<i32>} : memref<64x512xi32, #tpu.memory_space<vmem>>, vector<16xi32>,
        tpu.vector_store_idx %arg5[%add3A_121, %get3A_149], %broadcast_in_dim3A_3 {add = true} : memref<16x2048xf32, #tpu.memory_space<vmem>>[vector<16xi32>, vector<16xi32>], vector<16xf32>,
        %add3A_150 = arith.constant 32 : i32
        %add3A_151 = arith.addi %add3A_150, %scan3A_117 : i32
        %mul3A_152 = arith.constant 4 : i32
        %mul3A_153 = arith.muli %scan3A_128, %mul3A_152 : i32
        %add3A_154 = arith.constant 2 : i32
        %add3A_155 = arith.addi %mul3A_153, %add3A_154 : i32
        %mul3A_156 = arith.constant 16 : i32
        %mul3A_157 = arith.muli %add3A_155, %mul3A_156 : i32
        %get3A_158 = arith.index_cast %add3A_151 : i32 to index
        %get3A_159 = arith.index_cast %mul3A_157 : i32 to index
        %get3A_160 = tpu.vector_load %arg4[%get3A_158, %get3A_159] {strides = array<i32>} : memref<64x512xi32, #tpu.memory_space<vmem>>, vector<16xi32>,
        tpu.vector_store_idx %arg5[%add3A_121, %get3A_160], %broadcast_in_dim3A_3 {add = true} : memref<16x2048xf32, #tpu.memory_space<vmem>>[vector<16xi32>, vector<16xi32>], vector<16xf32>,
        %add3A_161 = arith.constant 32 : i32
        %add3A_162 = arith.addi %add3A_161, %scan3A_117 : i32
        %mul3A_163 = arith.constant 4 : i32
        %mul3A_164 = arith.muli %scan3A_128, %mul3A_163 : i32
        %add3A_165 = arith.constant 3 : i32
        %add3A_166 = arith.addi %mul3A_164, %add3A_165 : i32
        %mul3A_167 = arith.constant 16 : i32
        %mul3A_168 = arith.muli %add3A_166, %mul3A_167 : i32
        %get3A_169 = arith.index_cast %add3A_162 : i32 to index
        %get3A_170 = arith.index_cast %mul3A_168 : i32 to index
        %get3A_171 = tpu.vector_load %arg4[%get3A_169, %get3A_170] {strides = array<i32>} : memref<64x512xi32, #tpu.memory_space<vmem>>, vector<16xi32>,
        tpu.vector_store_idx %arg5[%add3A_121, %get3A_171], %broadcast_in_dim3A_3 {add = true} : memref<16x2048xf32, #tpu.memory_space<vmem>>[vector<16xi32>, vector<16xi32>], vector<16xf32>,
      }
      %scan3A_127 = arith.constant 8 : i32
    }
    %scan3A_64 = arith.constant 16 : i32
    %add3A_65 = arith.constant 2 : i32
    %add3A_66 = arith.addi %mul3A_5, %add3A_65 : i32
    %mul3A_67 = arith.constant 16 : i32
    %mul3A_68 = arith.muli %add3A_66, %mul3A_67 : i32
    %dma_start3A_69 = arith.constant 0 : i32
    %dma_start3A_70 = tpu.memref_slice %arg3[%mul3A_68, %dma_start3A_69] : memref<2048x2048xf32, #tpu.memory_space<hbm>> -> memref<16x2048xf32, #tpu.memory_space<hbm>>
    %dma_start3A_71 = arith.constant 0 : i32
    %dma_start3A_72 = tpu.memref_slice %arg3[%mul3A_68, %dma_start3A_71] : memref<2048x2048xf32, #tpu.memory_space<hbm>> -> memref<16x2048xf32, #tpu.memory_space<hbm>>
    tpu.enqueue_dma source(%arg5 : memref<16x2048xf32, #tpu.memory_space<vmem>>) target(%dma_start3A_72 : memref<16x2048xf32, #tpu.memory_space<hbm>>) target_semaphore(%arg7 : memref<!tpu.dma_semaphore, #tpu.memory_space<semaphore_mem>>)
    %add3A_73 = arith.constant 1 : i32
    %add3A_74 = arith.addi %mul3A_5, %add3A_73 : i32
    %mul3A_75 = arith.constant 16 : i32
    %mul3A_76 = arith.muli %add3A_74, %mul3A_75 : i32
    %dma_wait3A_77 = arith.constant 0 : i32
    %dma_wait3A_78 = tpu.memref_slice %arg3[%mul3A_76, %dma_wait3A_77] : memref<2048x2048xf32, #tpu.memory_space<hbm>> -> memref<16x2048xf32, #tpu.memory_space<hbm>>
    %dma_wait3A_79 = arith.constant 0 : i32
    %dma_wait3A_80 = tpu.memref_slice %arg3[%mul3A_76, %dma_wait3A_79] : memref<2048x2048xf32, #tpu.memory_space<hbm>> -> memref<16x2048xf32, #tpu.memory_space<hbm>>
    tpu.wait_dma2 semaphore(%arg8 : memref<!tpu.dma_semaphore, #tpu.memory_space<semaphore_mem>>) src(%arg6 : memref<16x2048xf32, #tpu.memory_space<vmem>>) dst(%dma_wait3A_80 : memref<16x2048xf32, #tpu.memory_space<hbm>>)
    %scan3A_81 = arith.constant 0 : i32
    %scan3A_82 = arith.constant 0 : i32
    %scan3A_83 = arith.constant 16 : i32
    %scan3A_84 = arith.addi %scan3A_82, %scan3A_83 : i32
    %scan3A_85 = arith.constant 1 : i32
    scf.for %scan3A_117 = %scan3A_82 to %scan3A_84 step %scan3A_85  : i32 {
      %swap3A = arith.index_cast %scan3A_117 : i32 to index
      %swap3A_118 = arith.constant 0 : index
      %swap3A_119 = tpu.vector_load %arg6[%swap3A, %swap3A_118] {strides = array<i32>} : memref<16x2048xf32, #tpu.memory_space<vmem>>, vector<16xf32>,
      tpu.vector_store %arg6[%swap3A, %swap3A_118], %broadcast_in_dim3A_1 {strides = array<i32>} : memref<16x2048xf32, #tpu.memory_space<vmem>>, vector<16xf32>,
      %swap3A_120 = arith.index_cast %scan3A_117 : i32 to index
      %swap3A_121 = arith.constant 16 : index
      %swap3A_122 = tpu.vector_load %arg6[%swap3A_120, %swap3A_121] {strides = array<i32>} : memref<16x2048xf32, #tpu.memory_space<vmem>>, vector<16xf32>,
      tpu.vector_store %arg6[%swap3A_120, %swap3A_121], %broadcast_in_dim3A_1 {strides = array<i32>} : memref<16x2048xf32, #tpu.memory_space<vmem>>, vector<16xf32>,
      %swap3A_123 = arith.index_cast %scan3A_117 : i32 to index
      %swap3A_124 = arith.constant 32 : index
      %swap3A_125 = tpu.vector_load %arg6[%swap3A_123, %swap3A_124] {strides = array<i32>} : memref<16x2048xf32, #tpu.memory_space<vmem>>, vector<16xf32>,
      tpu.vector_store %arg6[%swap3A_123, %swap3A_124], %broadcast_in_dim3A_1 {strides = array<i32>} : memref<16x2048xf32, #tpu.memory_space<vmem>>, vector<16xf32>,
      %swap3A_126 = arith.index_cast %scan3A_117 : i32 to index
      %swap3A_127 = arith.constant 48 : index
      %swap3A_128 = tpu.vector_load %arg6[%swap3A_126, %swap3A_127] {strides = array<i32>} : memref<16x2048xf32, #tpu.memory_space<vmem>>, vector<16xf32>,
      tpu.vector_store %arg6[%swap3A_126, %swap3A_127], %broadcast_in_dim3A_1 {strides = array<i32>} : memref<16x2048xf32, #tpu.memory_space<vmem>>, vector<16xf32>,
      %swap3A_129 = arith.index_cast %scan3A_117 : i32 to index
      %swap3A_130 = arith.constant 64 : index
      %swap3A_131 = tpu.vector_load %arg6[%swap3A_129, %swap3A_130] {strides = array<i32>} : memref<16x2048xf32, #tpu.memory_space<vmem>>, vector<16xf32>,
      tpu.vector_store %arg6[%swap3A_129, %swap3A_130], %broadcast_in_dim3A_1 {strides = array<i32>} : memref<16x2048xf32, #tpu.memory_space<vmem>>, vector<16xf32>,
      %swap3A_132 = arith.index_cast %scan3A_117 : i32 to index
      %swap3A_133 = arith.constant 80 : index
      %swap3A_134 = tpu.vector_load %arg6[%swap3A_132, %swap3A_133] {strides = array<i32>} : memref<16x2048xf32, #tpu.memory_space<vmem>>, vector<16xf32>,
      tpu.vector_store %arg6[%swap3A_132, %swap3A_133], %broadcast_in_dim3A_1 {strides = array<i32>} : memref<16x2048xf32, #tpu.memory_space<vmem>>, vector<16xf32>,
      %swap3A_135 = arith.index_cast %scan3A_117 : i32 to index
      %swap3A_136 = arith.constant 96 : index
      %swap3A_137 = tpu.vector_load %arg6[%swap3A_135, %swap3A_136] {strides = array<i32>} : memref<16x2048xf32, #tpu.memory_space<vmem>>, vector<16xf32>,
      tpu.vector_store %arg6[%swap3A_135, %swap3A_136], %broadcast_in_dim3A_1 {strides = array<i32>} : memref<16x2048xf32, #tpu.memory_space<vmem>>, vector<16xf32>,
      %swap3A_138 = arith.index_cast %scan3A_117 : i32 to index
      %swap3A_139 = arith.constant 112 : index
      %swap3A_140 = tpu.vector_load %arg6[%swap3A_138, %swap3A_139] {strides = array<i32>} : memref<16x2048xf32, #tpu.memory_space<vmem>>, vector<16xf32>,
      tpu.vector_store %arg6[%swap3A_138, %swap3A_139], %broadcast_in_dim3A_1 {strides = array<i32>} : memref<16x2048xf32, #tpu.memory_space<vmem>>, vector<16xf32>,
      %swap3A_141 = arith.index_cast %scan3A_117 : i32 to index
      %swap3A_142 = arith.constant 128 : index
      %swap3A_143 = tpu.vector_load %arg6[%swap3A_141, %swap3A_142] {strides = array<i32>} : memref<16x2048xf32, #tpu.memory_space<vmem>>, vector<16xf32>,
      tpu.vector_store %arg6[%swap3A_141, %swap3A_142], %broadcast_in_dim3A_1 {strides = array<i32>} : memref<16x2048xf32, #tpu.memory_space<vmem>>, vector<16xf32>,
      %swap3A_144 = arith.index_cast %scan3A_117 : i32 to index
      %swap3A_145 = arith.constant 144 : index
      %swap3A_146 = tpu.vector_load %arg6[%swap3A_144, %swap3A_145] {strides = array<i32>} : memref<16x2048xf32, #tpu.memory_space<vmem>>, vector<16xf32>,
      tpu.vector_store %arg6[%swap3A_144, %swap3A_145], %broadcast_in_dim3A_1 {strides = array<i32>} : memref<16x2048xf32, #tpu.memory_space<vmem>>, vector<16xf32>,
      %swap3A_147 = arith.index_cast %scan3A_117 : i32 to index
      %swap3A_148 = arith.constant 160 : index
      %swap3A_149 = tpu.vector_load %arg6[%swap3A_147, %swap3A_148] {strides = array<i32>} : memref<16x2048xf32, #tpu.memory_space<vmem>>, vector<16xf32>,
      tpu.vector_store %arg6[%swap3A_147, %swap3A_148], %broadcast_in_dim3A_1 {strides = array<i32>} : memref<16x2048xf32, #tpu.memory_space<vmem>>, vector<16xf32>,
      %swap3A_150 = arith.index_cast %scan3A_117 : i32 to index
      %swap3A_151 = arith.constant 176 : index
      %swap3A_152 = tpu.vector_load %arg6[%swap3A_150, %swap3A_151] {strides = array<i32>} : memref<16x2048xf32, #tpu.memory_space<vmem>>, vector<16xf32>,
      tpu.vector_store %arg6[%swap3A_150, %swap3A_151], %broadcast_in_dim3A_1 {strides = array<i32>} : memref<16x2048xf32, #tpu.memory_space<vmem>>, vector<16xf32>,
      %swap3A_153 = arith.index_cast %scan3A_117 : i32 to index
      %swap3A_154 = arith.constant 192 : index
      %swap3A_155 = tpu.vector_load %arg6[%swap3A_153, %swap3A_154] {strides = array<i32>} : memref<16x2048xf32, #tpu.memory_space<vmem>>, vector<16xf32>,
      tpu.vector_store %arg6[%swap3A_153, %swap3A_154], %broadcast_in_dim3A_1 {strides = array<i32>} : memref<16x2048xf32, #tpu.memory_space<vmem>>, vector<16xf32>,
      %swap3A_156 = arith.index_cast %scan3A_117 : i32 to index
      %swap3A_157 = arith.constant 208 : index
      %swap3A_158 = tpu.vector_load %arg6[%swap3A_156, %swap3A_157] {strides = array<i32>} : memref<16x2048xf32, #tpu.memory_space<vmem>>, vector<16xf32>,
      tpu.vector_store %arg6[%swap3A_156, %swap3A_157], %broadcast_in_dim3A_1 {strides = array<i32>} : memref<16x2048xf32, #tpu.memory_space<vmem>>, vector<16xf32>,
      %swap3A_159 = arith.index_cast %scan3A_117 : i32 to index
      %swap3A_160 = arith.constant 224 : index
      %swap3A_161 = tpu.vector_load %arg6[%swap3A_159, %swap3A_160] {strides = array<i32>} : memref<16x2048xf32, #tpu.memory_space<vmem>>, vector<16xf32>,
      tpu.vector_store %arg6[%swap3A_159, %swap3A_160], %broadcast_in_dim3A_1 {strides = array<i32>} : memref<16x2048xf32, #tpu.memory_space<vmem>>, vector<16xf32>,
      %swap3A_162 = arith.index_cast %scan3A_117 : i32 to index
      %swap3A_163 = arith.constant 240 : index
      %swap3A_164 = tpu.vector_load %arg6[%swap3A_162, %swap3A_163] {strides = array<i32>} : memref<16x2048xf32, #tpu.memory_space<vmem>>, vector<16xf32>,
      tpu.vector_store %arg6[%swap3A_162, %swap3A_163], %broadcast_in_dim3A_1 {strides = array<i32>} : memref<16x2048xf32, #tpu.memory_space<vmem>>, vector<16xf32>,
      %swap3A_165 = arith.index_cast %scan3A_117 : i32 to index
      %swap3A_166 = arith.constant 256 : index
      %swap3A_167 = tpu.vector_load %arg6[%swap3A_165, %swap3A_166] {strides = array<i32>} : memref<16x2048xf32, #tpu.memory_space<vmem>>, vector<16xf32>,
      tpu.vector_store %arg6[%swap3A_165, %swap3A_166], %broadcast_in_dim3A_1 {strides = array<i32>} : memref<16x2048xf32, #tpu.memory_space<vmem>>, vector<16xf32>,
      %swap3A_168 = arith.index_cast %scan3A_117 : i32 to index
      %swap3A_169 = arith.constant 272 : index
      %swap3A_170 = tpu.vector_load %arg6[%swap3A_168, %swap3A_169] {strides = array<i32>} : memref<16x2048xf32, #tpu.memory_space<vmem>>, vector<16xf32>,
      tpu.vector_store %arg6[%swap3A_168, %swap3A_169], %broadcast_in_dim3A_1 {strides = array<i32>} : memref<16x2048xf32, #tpu.memory_space<vmem>>, vector<16xf32>,
      %swap3A_171 = arith.index_cast %scan3A_117 : i32 to index
      %swap3A_172 = arith.constant 288 : index
      %swap3A_173 = tpu.vector_load %arg6[%swap3A_171, %swap3A_172] {strides = array<i32>} : memref<16x2048xf32, #tpu.memory_space<vmem>>, vector<16xf32>,
      tpu.vector_store %arg6[%swap3A_171, %swap3A_172], %broadcast_in_dim3A_1 {strides = array<i32>} : memref<16x2048xf32, #tpu.memory_space<vmem>>, vector<16xf32>,
      %swap3A_174 = arith.index_cast %scan3A_117 : i32 to index
      %swap3A_175 = arith.constant 304 : index
      %swap3A_176 = tpu.vector_load %arg6[%swap3A_174, %swap3A_175] {strides = array<i32>} : memref<16x2048xf32, #tpu.memory_space<vmem>>, vector<16xf32>,
      tpu.vector_store %arg6[%swap3A_174, %swap3A_175], %broadcast_in_dim3A_1 {strides = array<i32>} : memref<16x2048xf32, #tpu.memory_space<vmem>>, vector<16xf32>,
      %swap3A_177 = arith.index_cast %scan3A_117 : i32 to index
      %swap3A_178 = arith.constant 320 : index
      %swap3A_179 = tpu.vector_load %arg6[%swap3A_177, %swap3A_178] {strides = array<i32>} : memref<16x2048xf32, #tpu.memory_space<vmem>>, vector<16xf32>,
      tpu.vector_store %arg6[%swap3A_177, %swap3A_178], %broadcast_in_dim3A_1 {strides = array<i32>} : memref<16x2048xf32, #tpu.memory_space<vmem>>, vector<16xf32>,
      %swap3A_180 = arith.index_cast %scan3A_117 : i32 to index
      %swap3A_181 = arith.constant 336 : index
      %swap3A_182 = tpu.vector_load %arg6[%swap3A_180, %swap3A_181] {strides = array<i32>} : memref<16x2048xf32, #tpu.memory_space<vmem>>, vector<16xf32>,
      tpu.vector_store %arg6[%swap3A_180, %swap3A_181], %broadcast_in_dim3A_1 {strides = array<i32>} : memref<16x2048xf32, #tpu.memory_space<vmem>>, vector<16xf32>,
      %swap3A_183 = arith.index_cast %scan3A_117 : i32 to index
      %swap3A_184 = arith.constant 352 : index
      %swap3A_185 = tpu.vector_load %arg6[%swap3A_183, %swap3A_184] {strides = array<i32>} : memref<16x2048xf32, #tpu.memory_space<vmem>>, vector<16xf32>,
      tpu.vector_store %arg6[%swap3A_183, %swap3A_184], %broadcast_in_dim3A_1 {strides = array<i32>} : memref<16x2048xf32, #tpu.memory_space<vmem>>, vector<16xf32>,
      %swap3A_186 = arith.index_cast %scan3A_117 : i32 to index
      %swap3A_187 = arith.constant 368 : index
      %swap3A_188 = tpu.vector_load %arg6[%swap3A_186, %swap3A_187] {strides = array<i32>} : memref<16x2048xf32, #tpu.memory_space<vmem>>, vector<16xf32>,
      tpu.vector_store %arg6[%swap3A_186, %swap3A_187], %broadcast_in_dim3A_1 {strides = array<i32>} : memref<16x2048xf32, #tpu.memory_space<vmem>>, vector<16xf32>,
      %swap3A_189 = arith.index_cast %scan3A_117 : i32 to index
      %swap3A_190 = arith.constant 384 : index
      %swap3A_191 = tpu.vector_load %arg6[%swap3A_189, %swap3A_190] {strides = array<i32>} : memref<16x2048xf32, #tpu.memory_space<vmem>>, vector<16xf32>,
      tpu.vector_store %arg6[%swap3A_189, %swap3A_190], %broadcast_in_dim3A_1 {strides = array<i32>} : memref<16x2048xf32, #tpu.memory_space<vmem>>, vector<16xf32>,
      %swap3A_192 = arith.index_cast %scan3A_117 : i32 to index
      %swap3A_193 = arith.constant 400 : index
      %swap3A_194 = tpu.vector_load %arg6[%swap3A_192, %swap3A_193] {strides = array<i32>} : memref<16x2048xf32, #tpu.memory_space<vmem>>, vector<16xf32>,
      tpu.vector_store %arg6[%swap3A_192, %swap3A_193], %broadcast_in_dim3A_1 {strides = array<i32>} : memref<16x2048xf32, #tpu.memory_space<vmem>>, vector<16xf32>,
      %swap3A_195 = arith.index_cast %scan3A_117 : i32 to index
      %swap3A_196 = arith.constant 416 : index
      %swap3A_197 = tpu.vector_load %arg6[%swap3A_195, %swap3A_196] {strides = array<i32>} : memref<16x2048xf32, #tpu.memory_space<vmem>>, vector<16xf32>,
      tpu.vector_store %arg6[%swap3A_195, %swap3A_196], %broadcast_in_dim3A_1 {strides = array<i32>} : memref<16x2048xf32, #tpu.memory_space<vmem>>, vector<16xf32>,
      %swap3A_198 = arith.index_cast %scan3A_117 : i32 to index
      %swap3A_199 = arith.constant 432 : index
      %swap3A_200 = tpu.vector_load %arg6[%swap3A_198, %swap3A_199] {strides = array<i32>} : memref<16x2048xf32, #tpu.memory_space<vmem>>, vector<16xf32>,
      tpu.vector_store %arg6[%swap3A_198, %swap3A_199], %broadcast_in_dim3A_1 {strides = array<i32>} : memref<16x2048xf32, #tpu.memory_space<vmem>>, vector<16xf32>,
      %swap3A_201 = arith.index_cast %scan3A_117 : i32 to index
      %swap3A_202 = arith.constant 448 : index
      %swap3A_203 = tpu.vector_load %arg6[%swap3A_201, %swap3A_202] {strides = array<i32>} : memref<16x2048xf32, #tpu.memory_space<vmem>>, vector<16xf32>,
      tpu.vector_store %arg6[%swap3A_201, %swap3A_202], %broadcast_in_dim3A_1 {strides = array<i32>} : memref<16x2048xf32, #tpu.memory_space<vmem>>, vector<16xf32>,
      %swap3A_204 = arith.index_cast %scan3A_117 : i32 to index
      %swap3A_205 = arith.constant 464 : index
      %swap3A_206 = tpu.vector_load %arg6[%swap3A_204, %swap3A_205] {strides = array<i32>} : memref<16x2048xf32, #tpu.memory_space<vmem>>, vector<16xf32>,
      tpu.vector_store %arg6[%swap3A_204, %swap3A_205], %broadcast_in_dim3A_1 {strides = array<i32>} : memref<16x2048xf32, #tpu.memory_space<vmem>>, vector<16xf32>,
      %swap3A_207 = arith.index_cast %scan3A_117 : i32 to index
      %swap3A_208 = arith.constant 480 : index
      %swap3A_209 = tpu.vector_load %arg6[%swap3A_207, %swap3A_208] {strides = array<i32>} : memref<16x2048xf32, #tpu.memory_space<vmem>>, vector<16xf32>,
      tpu.vector_store %arg6[%swap3A_207, %swap3A_208], %broadcast_in_dim3A_1 {strides = array<i32>} : memref<16x2048xf32, #tpu.memory_space<vmem>>, vector<16xf32>,
      %swap3A_210 = arith.index_cast %scan3A_117 : i32 to index
      %swap3A_211 = arith.constant 496 : index
      %swap3A_212 = tpu.vector_load %arg6[%swap3A_210, %swap3A_211] {strides = array<i32>} : memref<16x2048xf32, #tpu.memory_space<vmem>>, vector<16xf32>,
      tpu.vector_store %arg6[%swap3A_210, %swap3A_211], %broadcast_in_dim3A_1 {strides = array<i32>} : memref<16x2048xf32, #tpu.memory_space<vmem>>, vector<16xf32>,
      %swap3A_213 = arith.index_cast %scan3A_117 : i32 to index
      %swap3A_214 = arith.constant 512 : index
      %swap3A_215 = tpu.vector_load %arg6[%swap3A_213, %swap3A_214] {strides = array<i32>} : memref<16x2048xf32, #tpu.memory_space<vmem>>, vector<16xf32>,
      tpu.vector_store %arg6[%swap3A_213, %swap3A_214], %broadcast_in_dim3A_1 {strides = array<i32>} : memref<16x2048xf32, #tpu.memory_space<vmem>>, vector<16xf32>,
      %swap3A_216 = arith.index_cast %scan3A_117 : i32 to index
      %swap3A_217 = arith.constant 528 : index
      %swap3A_218 = tpu.vector_load %arg6[%swap3A_216, %swap3A_217] {strides = array<i32>} : memref<16x2048xf32, #tpu.memory_space<vmem>>, vector<16xf32>,
      tpu.vector_store %arg6[%swap3A_216, %swap3A_217], %broadcast_in_dim3A_1 {strides = array<i32>} : memref<16x2048xf32, #tpu.memory_space<vmem>>, vector<16xf32>,
      %swap3A_219 = arith.index_cast %scan3A_117 : i32 to index
      %swap3A_220 = arith.constant 544 : index
      %swap3A_221 = tpu.vector_load %arg6[%swap3A_219, %swap3A_220] {strides = array<i32>} : memref<16x2048xf32, #tpu.memory_space<vmem>>, vector<16xf32>,
      tpu.vector_store %arg6[%swap3A_219, %swap3A_220], %broadcast_in_dim3A_1 {strides = array<i32>} : memref<16x2048xf32, #tpu.memory_space<vmem>>, vector<16xf32>,
      %swap3A_222 = arith.index_cast %scan3A_117 : i32 to index
      %swap3A_223 = arith.constant 560 : index
      %swap3A_224 = tpu.vector_load %arg6[%swap3A_222, %swap3A_223] {strides = array<i32>} : memref<16x2048xf32, #tpu.memory_space<vmem>>, vector<16xf32>,
      tpu.vector_store %arg6[%swap3A_222, %swap3A_223], %broadcast_in_dim3A_1 {strides = array<i32>} : memref<16x2048xf32, #tpu.memory_space<vmem>>, vector<16xf32>,
      %swap3A_225 = arith.index_cast %scan3A_117 : i32 to index
      %swap3A_226 = arith.constant 576 : index
      %swap3A_227 = tpu.vector_load %arg6[%swap3A_225, %swap3A_226] {strides = array<i32>} : memref<16x2048xf32, #tpu.memory_space<vmem>>, vector<16xf32>,
      tpu.vector_store %arg6[%swap3A_225, %swap3A_226], %broadcast_in_dim3A_1 {strides = array<i32>} : memref<16x2048xf32, #tpu.memory_space<vmem>>, vector<16xf32>,
      %swap3A_228 = arith.index_cast %scan3A_117 : i32 to index
      %swap3A_229 = arith.constant 592 : index
      %swap3A_230 = tpu.vector_load %arg6[%swap3A_228, %swap3A_229] {strides = array<i32>} : memref<16x2048xf32, #tpu.memory_space<vmem>>, vector<16xf32>,
      tpu.vector_store %arg6[%swap3A_228, %swap3A_229], %broadcast_in_dim3A_1 {strides = array<i32>} : memref<16x2048xf32, #tpu.memory_space<vmem>>, vector<16xf32>,
      %swap3A_231 = arith.index_cast %scan3A_117 : i32 to index
      %swap3A_232 = arith.constant 608 : index
      %swap3A_233 = tpu.vector_load %arg6[%swap3A_231, %swap3A_232] {strides = array<i32>} : memref<16x2048xf32, #tpu.memory_space<vmem>>, vector<16xf32>,
      tpu.vector_store %arg6[%swap3A_231, %swap3A_232], %broadcast_in_dim3A_1 {strides = array<i32>} : memref<16x2048xf32, #tpu.memory_space<vmem>>, vector<16xf32>,
      %swap3A_234 = arith.index_cast %scan3A_117 : i32 to index
      %swap3A_235 = arith.constant 624 : index
      %swap3A_236 = tpu.vector_load %arg6[%swap3A_234, %swap3A_235] {strides = array<i32>} : memref<16x2048xf32, #tpu.memory_space<vmem>>, vector<16xf32>,
      tpu.vector_store %arg6[%swap3A_234, %swap3A_235], %broadcast_in_dim3A_1 {strides = array<i32>} : memref<16x2048xf32, #tpu.memory_space<vmem>>, vector<16xf32>,
      %swap3A_237 = arith.index_cast %scan3A_117 : i32 to index
      %swap3A_238 = arith.constant 640 : index
      %swap3A_239 = tpu.vector_load %arg6[%swap3A_237, %swap3A_238] {strides = array<i32>} : memref<16x2048xf32, #tpu.memory_space<vmem>>, vector<16xf32>,
      tpu.vector_store %arg6[%swap3A_237, %swap3A_238], %broadcast_in_dim3A_1 {strides = array<i32>} : memref<16x2048xf32, #tpu.memory_space<vmem>>, vector<16xf32>,
      %swap3A_240 = arith.index_cast %scan3A_117 : i32 to index
      %swap3A_241 = arith.constant 656 : index
      %swap3A_242 = tpu.vector_load %arg6[%swap3A_240, %swap3A_241] {strides = array<i32>} : memref<16x2048xf32, #tpu.memory_space<vmem>>, vector<16xf32>,
      tpu.vector_store %arg6[%swap3A_240, %swap3A_241], %broadcast_in_dim3A_1 {strides = array<i32>} : memref<16x2048xf32, #tpu.memory_space<vmem>>, vector<16xf32>,
      %swap3A_243 = arith.index_cast %scan3A_117 : i32 to index
      %swap3A_244 = arith.constant 672 : index
      %swap3A_245 = tpu.vector_load %arg6[%swap3A_243, %swap3A_244] {strides = array<i32>} : memref<16x2048xf32, #tpu.memory_space<vmem>>, vector<16xf32>,
      tpu.vector_store %arg6[%swap3A_243, %swap3A_244], %broadcast_in_dim3A_1 {strides = array<i32>} : memref<16x2048xf32, #tpu.memory_space<vmem>>, vector<16xf32>,
      %swap3A_246 = arith.index_cast %scan3A_117 : i32 to index
      %swap3A_247 = arith.constant 688 : index
      %swap3A_248 = tpu.vector_load %arg6[%swap3A_246, %swap3A_247] {strides = array<i32>} : memref<16x2048xf32, #tpu.memory_space<vmem>>, vector<16xf32>,
      tpu.vector_store %arg6[%swap3A_246, %swap3A_247], %broadcast_in_dim3A_1 {strides = array<i32>} : memref<16x2048xf32, #tpu.memory_space<vmem>>, vector<16xf32>,
      %swap3A_249 = arith.index_cast %scan3A_117 : i32 to index
      %swap3A_250 = arith.constant 704 : index
      %swap3A_251 = tpu.vector_load %arg6[%swap3A_249, %swap3A_250] {strides = array<i32>} : memref<16x2048xf32, #tpu.memory_space<vmem>>, vector<16xf32>,
      tpu.vector_store %arg6[%swap3A_249, %swap3A_250], %broadcast_in_dim3A_1 {strides = array<i32>} : memref<16x2048xf32, #tpu.memory_space<vmem>>, vector<16xf32>,
      %swap3A_252 = arith.index_cast %scan3A_117 : i32 to index
      %swap3A_253 = arith.constant 720 : index
      %swap3A_254 = tpu.vector_load %arg6[%swap3A_252, %swap3A_253] {strides = array<i32>} : memref<16x2048xf32, #tpu.memory_space<vmem>>, vector<16xf32>,
      tpu.vector_store %arg6[%swap3A_252, %swap3A_253], %broadcast_in_dim3A_1 {strides = array<i32>} : memref<16x2048xf32, #tpu.memory_space<vmem>>, vector<16xf32>,
      %swap3A_255 = arith.index_cast %scan3A_117 : i32 to index
      %swap3A_256 = arith.constant 736 : index
      %swap3A_257 = tpu.vector_load %arg6[%swap3A_255, %swap3A_256] {strides = array<i32>} : memref<16x2048xf32, #tpu.memory_space<vmem>>, vector<16xf32>,
      tpu.vector_store %arg6[%swap3A_255, %swap3A_256], %broadcast_in_dim3A_1 {strides = array<i32>} : memref<16x2048xf32, #tpu.memory_space<vmem>>, vector<16xf32>,
      %swap3A_258 = arith.index_cast %scan3A_117 : i32 to index
      %swap3A_259 = arith.constant 752 : index
      %swap3A_260 = tpu.vector_load %arg6[%swap3A_258, %swap3A_259] {strides = array<i32>} : memref<16x2048xf32, #tpu.memory_space<vmem>>, vector<16xf32>,
      tpu.vector_store %arg6[%swap3A_258, %swap3A_259], %broadcast_in_dim3A_1 {strides = array<i32>} : memref<16x2048xf32, #tpu.memory_space<vmem>>, vector<16xf32>,
      %swap3A_261 = arith.index_cast %scan3A_117 : i32 to index
      %swap3A_262 = arith.constant 768 : index
      %swap3A_263 = tpu.vector_load %arg6[%swap3A_261, %swap3A_262] {strides = array<i32>} : memref<16x2048xf32, #tpu.memory_space<vmem>>, vector<16xf32>,
      tpu.vector_store %arg6[%swap3A_261, %swap3A_262], %broadcast_in_dim3A_1 {strides = array<i32>} : memref<16x2048xf32, #tpu.memory_space<vmem>>, vector<16xf32>,
      %swap3A_264 = arith.index_cast %scan3A_117 : i32 to index
      %swap3A_265 = arith.constant 784 : index
      %swap3A_266 = tpu.vector_load %arg6[%swap3A_264, %swap3A_265] {strides = array<i32>} : memref<16x2048xf32, #tpu.memory_space<vmem>>, vector<16xf32>,
      tpu.vector_store %arg6[%swap3A_264, %swap3A_265], %broadcast_in_dim3A_1 {strides = array<i32>} : memref<16x2048xf32, #tpu.memory_space<vmem>>, vector<16xf32>,
      %swap3A_267 = arith.index_cast %scan3A_117 : i32 to index
      %swap3A_268 = arith.constant 800 : index
      %swap3A_269 = tpu.vector_load %arg6[%swap3A_267, %swap3A_268] {strides = array<i32>} : memref<16x2048xf32, #tpu.memory_space<vmem>>, vector<16xf32>,
      tpu.vector_store %arg6[%swap3A_267, %swap3A_268], %broadcast_in_dim3A_1 {strides = array<i32>} : memref<16x2048xf32, #tpu.memory_space<vmem>>, vector<16xf32>,
      %swap3A_270 = arith.index_cast %scan3A_117 : i32 to index
      %swap3A_271 = arith.constant 816 : index
      %swap3A_272 = tpu.vector_load %arg6[%swap3A_270, %swap3A_271] {strides = array<i32>} : memref<16x2048xf32, #tpu.memory_space<vmem>>, vector<16xf32>,
      tpu.vector_store %arg6[%swap3A_270, %swap3A_271], %broadcast_in_dim3A_1 {strides = array<i32>} : memref<16x2048xf32, #tpu.memory_space<vmem>>, vector<16xf32>,
      %swap3A_273 = arith.index_cast %scan3A_117 : i32 to index
      %swap3A_274 = arith.constant 832 : index
      %swap3A_275 = tpu.vector_load %arg6[%swap3A_273, %swap3A_274] {strides = array<i32>} : memref<16x2048xf32, #tpu.memory_space<vmem>>, vector<16xf32>,
      tpu.vector_store %arg6[%swap3A_273, %swap3A_274], %broadcast_in_dim3A_1 {strides = array<i32>} : memref<16x2048xf32, #tpu.memory_space<vmem>>, vector<16xf32>,
      %swap3A_276 = arith.index_cast %scan3A_117 : i32 to index
      %swap3A_277 = arith.constant 848 : index
      %swap3A_278 = tpu.vector_load %arg6[%swap3A_276, %swap3A_277] {strides = array<i32>} : memref<16x2048xf32, #tpu.memory_space<vmem>>, vector<16xf32>,
      tpu.vector_store %arg6[%swap3A_276, %swap3A_277], %broadcast_in_dim3A_1 {strides = array<i32>} : memref<16x2048xf32, #tpu.memory_space<vmem>>, vector<16xf32>,
      %swap3A_279 = arith.index_cast %scan3A_117 : i32 to index
      %swap3A_280 = arith.constant 864 : index
      %swap3A_281 = tpu.vector_load %arg6[%swap3A_279, %swap3A_280] {strides = array<i32>} : memref<16x2048xf32, #tpu.memory_space<vmem>>, vector<16xf32>,
      tpu.vector_store %arg6[%swap3A_279, %swap3A_280], %broadcast_in_dim3A_1 {strides = array<i32>} : memref<16x2048xf32, #tpu.memory_space<vmem>>, vector<16xf32>,
      %swap3A_282 = arith.index_cast %scan3A_117 : i32 to index
      %swap3A_283 = arith.constant 880 : index
      %swap3A_284 = tpu.vector_load %arg6[%swap3A_282, %swap3A_283] {strides = array<i32>} : memref<16x2048xf32, #tpu.memory_space<vmem>>, vector<16xf32>,
      tpu.vector_store %arg6[%swap3A_282, %swap3A_283], %broadcast_in_dim3A_1 {strides = array<i32>} : memref<16x2048xf32, #tpu.memory_space<vmem>>, vector<16xf32>,
      %swap3A_285 = arith.index_cast %scan3A_117 : i32 to index
      %swap3A_286 = arith.constant 896 : index
      %swap3A_287 = tpu.vector_load %arg6[%swap3A_285, %swap3A_286] {strides = array<i32>} : memref<16x2048xf32, #tpu.memory_space<vmem>>, vector<16xf32>,
      tpu.vector_store %arg6[%swap3A_285, %swap3A_286], %broadcast_in_dim3A_1 {strides = array<i32>} : memref<16x2048xf32, #tpu.memory_space<vmem>>, vector<16xf32>,
      %swap3A_288 = arith.index_cast %scan3A_117 : i32 to index
      %swap3A_289 = arith.constant 912 : index
      %swap3A_290 = tpu.vector_load %arg6[%swap3A_288, %swap3A_289] {strides = array<i32>} : memref<16x2048xf32, #tpu.memory_space<vmem>>, vector<16xf32>,
      tpu.vector_store %arg6[%swap3A_288, %swap3A_289], %broadcast_in_dim3A_1 {strides = array<i32>} : memref<16x2048xf32, #tpu.memory_space<vmem>>, vector<16xf32>,
      %swap3A_291 = arith.index_cast %scan3A_117 : i32 to index
      %swap3A_292 = arith.constant 928 : index
      %swap3A_293 = tpu.vector_load %arg6[%swap3A_291, %swap3A_292] {strides = array<i32>} : memref<16x2048xf32, #tpu.memory_space<vmem>>, vector<16xf32>,
      tpu.vector_store %arg6[%swap3A_291, %swap3A_292], %broadcast_in_dim3A_1 {strides = array<i32>} : memref<16x2048xf32, #tpu.memory_space<vmem>>, vector<16xf32>,
      %swap3A_294 = arith.index_cast %scan3A_117 : i32 to index
      %swap3A_295 = arith.constant 944 : index
      %swap3A_296 = tpu.vector_load %arg6[%swap3A_294, %swap3A_295] {strides = array<i32>} : memref<16x2048xf32, #tpu.memory_space<vmem>>, vector<16xf32>,
      tpu.vector_store %arg6[%swap3A_294, %swap3A_295], %broadcast_in_dim3A_1 {strides = array<i32>} : memref<16x2048xf32, #tpu.memory_space<vmem>>, vector<16xf32>,
      %swap3A_297 = arith.index_cast %scan3A_117 : i32 to index
      %swap3A_298 = arith.constant 960 : index
      %swap3A_299 = tpu.vector_load %arg6[%swap3A_297, %swap3A_298] {strides = array<i32>} : memref<16x2048xf32, #tpu.memory_space<vmem>>, vector<16xf32>,
      tpu.vector_store %arg6[%swap3A_297, %swap3A_298], %broadcast_in_dim3A_1 {strides = array<i32>} : memref<16x2048xf32, #tpu.memory_space<vmem>>, vector<16xf32>,
      %swap3A_300 = arith.index_cast %scan3A_117 : i32 to index
      %swap3A_301 = arith.constant 976 : index
      %swap3A_302 = tpu.vector_load %arg6[%swap3A_300, %swap3A_301] {strides = array<i32>} : memref<16x2048xf32, #tpu.memory_space<vmem>>, vector<16xf32>,
      tpu.vector_store %arg6[%swap3A_300, %swap3A_301], %broadcast_in_dim3A_1 {strides = array<i32>} : memref<16x2048xf32, #tpu.memory_space<vmem>>, vector<16xf32>,
      %swap3A_303 = arith.index_cast %scan3A_117 : i32 to index
      %swap3A_304 = arith.constant 992 : index
      %swap3A_305 = tpu.vector_load %arg6[%swap3A_303, %swap3A_304] {strides = array<i32>} : memref<16x2048xf32, #tpu.memory_space<vmem>>, vector<16xf32>,
      tpu.vector_store %arg6[%swap3A_303, %swap3A_304], %broadcast_in_dim3A_1 {strides = array<i32>} : memref<16x2048xf32, #tpu.memory_space<vmem>>, vector<16xf32>,
      %swap3A_306 = arith.index_cast %scan3A_117 : i32 to index
      %swap3A_307 = arith.constant 1008 : index
      %swap3A_308 = tpu.vector_load %arg6[%swap3A_306, %swap3A_307] {strides = array<i32>} : memref<16x2048xf32, #tpu.memory_space<vmem>>, vector<16xf32>,
      tpu.vector_store %arg6[%swap3A_306, %swap3A_307], %broadcast_in_dim3A_1 {strides = array<i32>} : memref<16x2048xf32, #tpu.memory_space<vmem>>, vector<16xf32>,
      %swap3A_309 = arith.index_cast %scan3A_117 : i32 to index
      %swap3A_310 = arith.constant 1024 : index
      %swap3A_311 = tpu.vector_load %arg6[%swap3A_309, %swap3A_310] {strides = array<i32>} : memref<16x2048xf32, #tpu.memory_space<vmem>>, vector<16xf32>,
      tpu.vector_store %arg6[%swap3A_309, %swap3A_310], %broadcast_in_dim3A_1 {strides = array<i32>} : memref<16x2048xf32, #tpu.memory_space<vmem>>, vector<16xf32>,
      %swap3A_312 = arith.index_cast %scan3A_117 : i32 to index
      %swap3A_313 = arith.constant 1040 : index
      %swap3A_314 = tpu.vector_load %arg6[%swap3A_312, %swap3A_313] {strides = array<i32>} : memref<16x2048xf32, #tpu.memory_space<vmem>>, vector<16xf32>,
      tpu.vector_store %arg6[%swap3A_312, %swap3A_313], %broadcast_in_dim3A_1 {strides = array<i32>} : memref<16x2048xf32, #tpu.memory_space<vmem>>, vector<16xf32>,
      %swap3A_315 = arith.index_cast %scan3A_117 : i32 to index
      %swap3A_316 = arith.constant 1056 : index
      %swap3A_317 = tpu.vector_load %arg6[%swap3A_315, %swap3A_316] {strides = array<i32>} : memref<16x2048xf32, #tpu.memory_space<vmem>>, vector<16xf32>,
      tpu.vector_store %arg6[%swap3A_315, %swap3A_316], %broadcast_in_dim3A_1 {strides = array<i32>} : memref<16x2048xf32, #tpu.memory_space<vmem>>, vector<16xf32>,
      %swap3A_318 = arith.index_cast %scan3A_117 : i32 to index
      %swap3A_319 = arith.constant 1072 : index
      %swap3A_320 = tpu.vector_load %arg6[%swap3A_318, %swap3A_319] {strides = array<i32>} : memref<16x2048xf32, #tpu.memory_space<vmem>>, vector<16xf32>,
      tpu.vector_store %arg6[%swap3A_318, %swap3A_319], %broadcast_in_dim3A_1 {strides = array<i32>} : memref<16x2048xf32, #tpu.memory_space<vmem>>, vector<16xf32>,
      %swap3A_321 = arith.index_cast %scan3A_117 : i32 to index
      %swap3A_322 = arith.constant 1088 : index
      %swap3A_323 = tpu.vector_load %arg6[%swap3A_321, %swap3A_322] {strides = array<i32>} : memref<16x2048xf32, #tpu.memory_space<vmem>>, vector<16xf32>,
      tpu.vector_store %arg6[%swap3A_321, %swap3A_322], %broadcast_in_dim3A_1 {strides = array<i32>} : memref<16x2048xf32, #tpu.memory_space<vmem>>, vector<16xf32>,
      %swap3A_324 = arith.index_cast %scan3A_117 : i32 to index
      %swap3A_325 = arith.constant 1104 : index
      %swap3A_326 = tpu.vector_load %arg6[%swap3A_324, %swap3A_325] {strides = array<i32>} : memref<16x2048xf32, #tpu.memory_space<vmem>>, vector<16xf32>,
      tpu.vector_store %arg6[%swap3A_324, %swap3A_325], %broadcast_in_dim3A_1 {strides = array<i32>} : memref<16x2048xf32, #tpu.memory_space<vmem>>, vector<16xf32>,
      %swap3A_327 = arith.index_cast %scan3A_117 : i32 to index
      %swap3A_328 = arith.constant 1120 : index
      %swap3A_329 = tpu.vector_load %arg6[%swap3A_327, %swap3A_328] {strides = array<i32>} : memref<16x2048xf32, #tpu.memory_space<vmem>>, vector<16xf32>,
      tpu.vector_store %arg6[%swap3A_327, %swap3A_328], %broadcast_in_dim3A_1 {strides = array<i32>} : memref<16x2048xf32, #tpu.memory_space<vmem>>, vector<16xf32>,
      %swap3A_330 = arith.index_cast %scan3A_117 : i32 to index
      %swap3A_331 = arith.constant 1136 : index
      %swap3A_332 = tpu.vector_load %arg6[%swap3A_330, %swap3A_331] {strides = array<i32>} : memref<16x2048xf32, #tpu.memory_space<vmem>>, vector<16xf32>,
      tpu.vector_store %arg6[%swap3A_330, %swap3A_331], %broadcast_in_dim3A_1 {strides = array<i32>} : memref<16x2048xf32, #tpu.memory_space<vmem>>, vector<16xf32>,
      %swap3A_333 = arith.index_cast %scan3A_117 : i32 to index
      %swap3A_334 = arith.constant 1152 : index
      %swap3A_335 = tpu.vector_load %arg6[%swap3A_333, %swap3A_334] {strides = array<i32>} : memref<16x2048xf32, #tpu.memory_space<vmem>>, vector<16xf32>,
      tpu.vector_store %arg6[%swap3A_333, %swap3A_334], %broadcast_in_dim3A_1 {strides = array<i32>} : memref<16x2048xf32, #tpu.memory_space<vmem>>, vector<16xf32>,
      %swap3A_336 = arith.index_cast %scan3A_117 : i32 to index
      %swap3A_337 = arith.constant 1168 : index
      %swap3A_338 = tpu.vector_load %arg6[%swap3A_336, %swap3A_337] {strides = array<i32>} : memref<16x2048xf32, #tpu.memory_space<vmem>>, vector<16xf32>,
      tpu.vector_store %arg6[%swap3A_336, %swap3A_337], %broadcast_in_dim3A_1 {strides = array<i32>} : memref<16x2048xf32, #tpu.memory_space<vmem>>, vector<16xf32>,
      %swap3A_339 = arith.index_cast %scan3A_117 : i32 to index
      %swap3A_340 = arith.constant 1184 : index
      %swap3A_341 = tpu.vector_load %arg6[%swap3A_339, %swap3A_340] {strides = array<i32>} : memref<16x2048xf32, #tpu.memory_space<vmem>>, vector<16xf32>,
      tpu.vector_store %arg6[%swap3A_339, %swap3A_340], %broadcast_in_dim3A_1 {strides = array<i32>} : memref<16x2048xf32, #tpu.memory_space<vmem>>, vector<16xf32>,
      %swap3A_342 = arith.index_cast %scan3A_117 : i32 to index
      %swap3A_343 = arith.constant 1200 : index
      %swap3A_344 = tpu.vector_load %arg6[%swap3A_342, %swap3A_343] {strides = array<i32>} : memref<16x2048xf32, #tpu.memory_space<vmem>>, vector<16xf32>,
      tpu.vector_store %arg6[%swap3A_342, %swap3A_343], %broadcast_in_dim3A_1 {strides = array<i32>} : memref<16x2048xf32, #tpu.memory_space<vmem>>, vector<16xf32>,
      %swap3A_345 = arith.index_cast %scan3A_117 : i32 to index
      %swap3A_346 = arith.constant 1216 : index
      %swap3A_347 = tpu.vector_load %arg6[%swap3A_345, %swap3A_346] {strides = array<i32>} : memref<16x2048xf32, #tpu.memory_space<vmem>>, vector<16xf32>,
      tpu.vector_store %arg6[%swap3A_345, %swap3A_346], %broadcast_in_dim3A_1 {strides = array<i32>} : memref<16x2048xf32, #tpu.memory_space<vmem>>, vector<16xf32>,
      %swap3A_348 = arith.index_cast %scan3A_117 : i32 to index
      %swap3A_349 = arith.constant 1232 : index
      %swap3A_350 = tpu.vector_load %arg6[%swap3A_348, %swap3A_349] {strides = array<i32>} : memref<16x2048xf32, #tpu.memory_space<vmem>>, vector<16xf32>,
      tpu.vector_store %arg6[%swap3A_348, %swap3A_349], %broadcast_in_dim3A_1 {strides = array<i32>} : memref<16x2048xf32, #tpu.memory_space<vmem>>, vector<16xf32>,
      %swap3A_351 = arith.index_cast %scan3A_117 : i32 to index
      %swap3A_352 = arith.constant 1248 : index
      %swap3A_353 = tpu.vector_load %arg6[%swap3A_351, %swap3A_352] {strides = array<i32>} : memref<16x2048xf32, #tpu.memory_space<vmem>>, vector<16xf32>,
      tpu.vector_store %arg6[%swap3A_351, %swap3A_352], %broadcast_in_dim3A_1 {strides = array<i32>} : memref<16x2048xf32, #tpu.memory_space<vmem>>, vector<16xf32>,
      %swap3A_354 = arith.index_cast %scan3A_117 : i32 to index
      %swap3A_355 = arith.constant 1264 : index
      %swap3A_356 = tpu.vector_load %arg6[%swap3A_354, %swap3A_355] {strides = array<i32>} : memref<16x2048xf32, #tpu.memory_space<vmem>>, vector<16xf32>,
      tpu.vector_store %arg6[%swap3A_354, %swap3A_355], %broadcast_in_dim3A_1 {strides = array<i32>} : memref<16x2048xf32, #tpu.memory_space<vmem>>, vector<16xf32>,
      %swap3A_357 = arith.index_cast %scan3A_117 : i32 to index
      %swap3A_358 = arith.constant 1280 : index
      %swap3A_359 = tpu.vector_load %arg6[%swap3A_357, %swap3A_358] {strides = array<i32>} : memref<16x2048xf32, #tpu.memory_space<vmem>>, vector<16xf32>,
      tpu.vector_store %arg6[%swap3A_357, %swap3A_358], %broadcast_in_dim3A_1 {strides = array<i32>} : memref<16x2048xf32, #tpu.memory_space<vmem>>, vector<16xf32>,
      %swap3A_360 = arith.index_cast %scan3A_117 : i32 to index
      %swap3A_361 = arith.constant 1296 : index
      %swap3A_362 = tpu.vector_load %arg6[%swap3A_360, %swap3A_361] {strides = array<i32>} : memref<16x2048xf32, #tpu.memory_space<vmem>>, vector<16xf32>,
      tpu.vector_store %arg6[%swap3A_360, %swap3A_361], %broadcast_in_dim3A_1 {strides = array<i32>} : memref<16x2048xf32, #tpu.memory_space<vmem>>, vector<16xf32>,
      %swap3A_363 = arith.index_cast %scan3A_117 : i32 to index
      %swap3A_364 = arith.constant 1312 : index
      %swap3A_365 = tpu.vector_load %arg6[%swap3A_363, %swap3A_364] {strides = array<i32>} : memref<16x2048xf32, #tpu.memory_space<vmem>>, vector<16xf32>,
      tpu.vector_store %arg6[%swap3A_363, %swap3A_364], %broadcast_in_dim3A_1 {strides = array<i32>} : memref<16x2048xf32, #tpu.memory_space<vmem>>, vector<16xf32>,
      %swap3A_366 = arith.index_cast %scan3A_117 : i32 to index
      %swap3A_367 = arith.constant 1328 : index
      %swap3A_368 = tpu.vector_load %arg6[%swap3A_366, %swap3A_367] {strides = array<i32>} : memref<16x2048xf32, #tpu.memory_space<vmem>>, vector<16xf32>,
      tpu.vector_store %arg6[%swap3A_366, %swap3A_367], %broadcast_in_dim3A_1 {strides = array<i32>} : memref<16x2048xf32, #tpu.memory_space<vmem>>, vector<16xf32>,
      %swap3A_369 = arith.index_cast %scan3A_117 : i32 to index
      %swap3A_370 = arith.constant 1344 : index
      %swap3A_371 = tpu.vector_load %arg6[%swap3A_369, %swap3A_370] {strides = array<i32>} : memref<16x2048xf32, #tpu.memory_space<vmem>>, vector<16xf32>,
      tpu.vector_store %arg6[%swap3A_369, %swap3A_370], %broadcast_in_dim3A_1 {strides = array<i32>} : memref<16x2048xf32, #tpu.memory_space<vmem>>, vector<16xf32>,
      %swap3A_372 = arith.index_cast %scan3A_117 : i32 to index
      %swap3A_373 = arith.constant 1360 : index
      %swap3A_374 = tpu.vector_load %arg6[%swap3A_372, %swap3A_373] {strides = array<i32>} : memref<16x2048xf32, #tpu.memory_space<vmem>>, vector<16xf32>,
      tpu.vector_store %arg6[%swap3A_372, %swap3A_373], %broadcast_in_dim3A_1 {strides = array<i32>} : memref<16x2048xf32, #tpu.memory_space<vmem>>, vector<16xf32>,
      %swap3A_375 = arith.index_cast %scan3A_117 : i32 to index
      %swap3A_376 = arith.constant 1376 : index
      %swap3A_377 = tpu.vector_load %arg6[%swap3A_375, %swap3A_376] {strides = array<i32>} : memref<16x2048xf32, #tpu.memory_space<vmem>>, vector<16xf32>,
      tpu.vector_store %arg6[%swap3A_375, %swap3A_376], %broadcast_in_dim3A_1 {strides = array<i32>} : memref<16x2048xf32, #tpu.memory_space<vmem>>, vector<16xf32>,
      %swap3A_378 = arith.index_cast %scan3A_117 : i32 to index
      %swap3A_379 = arith.constant 1392 : index
      %swap3A_380 = tpu.vector_load %arg6[%swap3A_378, %swap3A_379] {strides = array<i32>} : memref<16x2048xf32, #tpu.memory_space<vmem>>, vector<16xf32>,
      tpu.vector_store %arg6[%swap3A_378, %swap3A_379], %broadcast_in_dim3A_1 {strides = array<i32>} : memref<16x2048xf32, #tpu.memory_space<vmem>>, vector<16xf32>,
      %swap3A_381 = arith.index_cast %scan3A_117 : i32 to index
      %swap3A_382 = arith.constant 1408 : index
      %swap3A_383 = tpu.vector_load %arg6[%swap3A_381, %swap3A_382] {strides = array<i32>} : memref<16x2048xf32, #tpu.memory_space<vmem>>, vector<16xf32>,
      tpu.vector_store %arg6[%swap3A_381, %swap3A_382], %broadcast_in_dim3A_1 {strides = array<i32>} : memref<16x2048xf32, #tpu.memory_space<vmem>>, vector<16xf32>,
      %swap3A_384 = arith.index_cast %scan3A_117 : i32 to index
      %swap3A_385 = arith.constant 1424 : index
      %swap3A_386 = tpu.vector_load %arg6[%swap3A_384, %swap3A_385] {strides = array<i32>} : memref<16x2048xf32, #tpu.memory_space<vmem>>, vector<16xf32>,
      tpu.vector_store %arg6[%swap3A_384, %swap3A_385], %broadcast_in_dim3A_1 {strides = array<i32>} : memref<16x2048xf32, #tpu.memory_space<vmem>>, vector<16xf32>,
      %swap3A_387 = arith.index_cast %scan3A_117 : i32 to index
      %swap3A_388 = arith.constant 1440 : index
      %swap3A_389 = tpu.vector_load %arg6[%swap3A_387, %swap3A_388] {strides = array<i32>} : memref<16x2048xf32, #tpu.memory_space<vmem>>, vector<16xf32>,
      tpu.vector_store %arg6[%swap3A_387, %swap3A_388], %broadcast_in_dim3A_1 {strides = array<i32>} : memref<16x2048xf32, #tpu.memory_space<vmem>>, vector<16xf32>,
      %swap3A_390 = arith.index_cast %scan3A_117 : i32 to index
      %swap3A_391 = arith.constant 1456 : index
      %swap3A_392 = tpu.vector_load %arg6[%swap3A_390, %swap3A_391] {strides = array<i32>} : memref<16x2048xf32, #tpu.memory_space<vmem>>, vector<16xf32>,
      tpu.vector_store %arg6[%swap3A_390, %swap3A_391], %broadcast_in_dim3A_1 {strides = array<i32>} : memref<16x2048xf32, #tpu.memory_space<vmem>>, vector<16xf32>,
      %swap3A_393 = arith.index_cast %scan3A_117 : i32 to index
      %swap3A_394 = arith.constant 1472 : index
      %swap3A_395 = tpu.vector_load %arg6[%swap3A_393, %swap3A_394] {strides = array<i32>} : memref<16x2048xf32, #tpu.memory_space<vmem>>, vector<16xf32>,
      tpu.vector_store %arg6[%swap3A_393, %swap3A_394], %broadcast_in_dim3A_1 {strides = array<i32>} : memref<16x2048xf32, #tpu.memory_space<vmem>>, vector<16xf32>,
      %swap3A_396 = arith.index_cast %scan3A_117 : i32 to index
      %swap3A_397 = arith.constant 1488 : index
      %swap3A_398 = tpu.vector_load %arg6[%swap3A_396, %swap3A_397] {strides = array<i32>} : memref<16x2048xf32, #tpu.memory_space<vmem>>, vector<16xf32>,
      tpu.vector_store %arg6[%swap3A_396, %swap3A_397], %broadcast_in_dim3A_1 {strides = array<i32>} : memref<16x2048xf32, #tpu.memory_space<vmem>>, vector<16xf32>,
      %swap3A_399 = arith.index_cast %scan3A_117 : i32 to index
      %swap3A_400 = arith.constant 1504 : index
      %swap3A_401 = tpu.vector_load %arg6[%swap3A_399, %swap3A_400] {strides = array<i32>} : memref<16x2048xf32, #tpu.memory_space<vmem>>, vector<16xf32>,
      tpu.vector_store %arg6[%swap3A_399, %swap3A_400], %broadcast_in_dim3A_1 {strides = array<i32>} : memref<16x2048xf32, #tpu.memory_space<vmem>>, vector<16xf32>,
      %swap3A_402 = arith.index_cast %scan3A_117 : i32 to index
      %swap3A_403 = arith.constant 1520 : index
      %swap3A_404 = tpu.vector_load %arg6[%swap3A_402, %swap3A_403] {strides = array<i32>} : memref<16x2048xf32, #tpu.memory_space<vmem>>, vector<16xf32>,
      tpu.vector_store %arg6[%swap3A_402, %swap3A_403], %broadcast_in_dim3A_1 {strides = array<i32>} : memref<16x2048xf32, #tpu.memory_space<vmem>>, vector<16xf32>,
      %swap3A_405 = arith.index_cast %scan3A_117 : i32 to index
      %swap3A_406 = arith.constant 1536 : index
      %swap3A_407 = tpu.vector_load %arg6[%swap3A_405, %swap3A_406] {strides = array<i32>} : memref<16x2048xf32, #tpu.memory_space<vmem>>, vector<16xf32>,
      tpu.vector_store %arg6[%swap3A_405, %swap3A_406], %broadcast_in_dim3A_1 {strides = array<i32>} : memref<16x2048xf32, #tpu.memory_space<vmem>>, vector<16xf32>,
      %swap3A_408 = arith.index_cast %scan3A_117 : i32 to index
      %swap3A_409 = arith.constant 1552 : index
      %swap3A_410 = tpu.vector_load %arg6[%swap3A_408, %swap3A_409] {strides = array<i32>} : memref<16x2048xf32, #tpu.memory_space<vmem>>, vector<16xf32>,
      tpu.vector_store %arg6[%swap3A_408, %swap3A_409], %broadcast_in_dim3A_1 {strides = array<i32>} : memref<16x2048xf32, #tpu.memory_space<vmem>>, vector<16xf32>,
      %swap3A_411 = arith.index_cast %scan3A_117 : i32 to index
      %swap3A_412 = arith.constant 1568 : index
      %swap3A_413 = tpu.vector_load %arg6[%swap3A_411, %swap3A_412] {strides = array<i32>} : memref<16x2048xf32, #tpu.memory_space<vmem>>, vector<16xf32>,
      tpu.vector_store %arg6[%swap3A_411, %swap3A_412], %broadcast_in_dim3A_1 {strides = array<i32>} : memref<16x2048xf32, #tpu.memory_space<vmem>>, vector<16xf32>,
      %swap3A_414 = arith.index_cast %scan3A_117 : i32 to index
      %swap3A_415 = arith.constant 1584 : index
      %swap3A_416 = tpu.vector_load %arg6[%swap3A_414, %swap3A_415] {strides = array<i32>} : memref<16x2048xf32, #tpu.memory_space<vmem>>, vector<16xf32>,
      tpu.vector_store %arg6[%swap3A_414, %swap3A_415], %broadcast_in_dim3A_1 {strides = array<i32>} : memref<16x2048xf32, #tpu.memory_space<vmem>>, vector<16xf32>,
      %swap3A_417 = arith.index_cast %scan3A_117 : i32 to index
      %swap3A_418 = arith.constant 1600 : index
      %swap3A_419 = tpu.vector_load %arg6[%swap3A_417, %swap3A_418] {strides = array<i32>} : memref<16x2048xf32, #tpu.memory_space<vmem>>, vector<16xf32>,
      tpu.vector_store %arg6[%swap3A_417, %swap3A_418], %broadcast_in_dim3A_1 {strides = array<i32>} : memref<16x2048xf32, #tpu.memory_space<vmem>>, vector<16xf32>,
      %swap3A_420 = arith.index_cast %scan3A_117 : i32 to index
      %swap3A_421 = arith.constant 1616 : index
      %swap3A_422 = tpu.vector_load %arg6[%swap3A_420, %swap3A_421] {strides = array<i32>} : memref<16x2048xf32, #tpu.memory_space<vmem>>, vector<16xf32>,
      tpu.vector_store %arg6[%swap3A_420, %swap3A_421], %broadcast_in_dim3A_1 {strides = array<i32>} : memref<16x2048xf32, #tpu.memory_space<vmem>>, vector<16xf32>,
      %swap3A_423 = arith.index_cast %scan3A_117 : i32 to index
      %swap3A_424 = arith.constant 1632 : index
      %swap3A_425 = tpu.vector_load %arg6[%swap3A_423, %swap3A_424] {strides = array<i32>} : memref<16x2048xf32, #tpu.memory_space<vmem>>, vector<16xf32>,
      tpu.vector_store %arg6[%swap3A_423, %swap3A_424], %broadcast_in_dim3A_1 {strides = array<i32>} : memref<16x2048xf32, #tpu.memory_space<vmem>>, vector<16xf32>,
      %swap3A_426 = arith.index_cast %scan3A_117 : i32 to index
      %swap3A_427 = arith.constant 1648 : index
      %swap3A_428 = tpu.vector_load %arg6[%swap3A_426, %swap3A_427] {strides = array<i32>} : memref<16x2048xf32, #tpu.memory_space<vmem>>, vector<16xf32>,
      tpu.vector_store %arg6[%swap3A_426, %swap3A_427], %broadcast_in_dim3A_1 {strides = array<i32>} : memref<16x2048xf32, #tpu.memory_space<vmem>>, vector<16xf32>,
      %swap3A_429 = arith.index_cast %scan3A_117 : i32 to index
      %swap3A_430 = arith.constant 1664 : index
      %swap3A_431 = tpu.vector_load %arg6[%swap3A_429, %swap3A_430] {strides = array<i32>} : memref<16x2048xf32, #tpu.memory_space<vmem>>, vector<16xf32>,
      tpu.vector_store %arg6[%swap3A_429, %swap3A_430], %broadcast_in_dim3A_1 {strides = array<i32>} : memref<16x2048xf32, #tpu.memory_space<vmem>>, vector<16xf32>,
      %swap3A_432 = arith.index_cast %scan3A_117 : i32 to index
      %swap3A_433 = arith.constant 1680 : index
      %swap3A_434 = tpu.vector_load %arg6[%swap3A_432, %swap3A_433] {strides = array<i32>} : memref<16x2048xf32, #tpu.memory_space<vmem>>, vector<16xf32>,
      tpu.vector_store %arg6[%swap3A_432, %swap3A_433], %broadcast_in_dim3A_1 {strides = array<i32>} : memref<16x2048xf32, #tpu.memory_space<vmem>>, vector<16xf32>,
      %swap3A_435 = arith.index_cast %scan3A_117 : i32 to index
      %swap3A_436 = arith.constant 1696 : index
      %swap3A_437 = tpu.vector_load %arg6[%swap3A_435, %swap3A_436] {strides = array<i32>} : memref<16x2048xf32, #tpu.memory_space<vmem>>, vector<16xf32>,
      tpu.vector_store %arg6[%swap3A_435, %swap3A_436], %broadcast_in_dim3A_1 {strides = array<i32>} : memref<16x2048xf32, #tpu.memory_space<vmem>>, vector<16xf32>,
      %swap3A_438 = arith.index_cast %scan3A_117 : i32 to index
      %swap3A_439 = arith.constant 1712 : index
      %swap3A_440 = tpu.vector_load %arg6[%swap3A_438, %swap3A_439] {strides = array<i32>} : memref<16x2048xf32, #tpu.memory_space<vmem>>, vector<16xf32>,
      tpu.vector_store %arg6[%swap3A_438, %swap3A_439], %broadcast_in_dim3A_1 {strides = array<i32>} : memref<16x2048xf32, #tpu.memory_space<vmem>>, vector<16xf32>,
      %swap3A_441 = arith.index_cast %scan3A_117 : i32 to index
      %swap3A_442 = arith.constant 1728 : index
      %swap3A_443 = tpu.vector_load %arg6[%swap3A_441, %swap3A_442] {strides = array<i32>} : memref<16x2048xf32, #tpu.memory_space<vmem>>, vector<16xf32>,
      tpu.vector_store %arg6[%swap3A_441, %swap3A_442], %broadcast_in_dim3A_1 {strides = array<i32>} : memref<16x2048xf32, #tpu.memory_space<vmem>>, vector<16xf32>,
      %swap3A_444 = arith.index_cast %scan3A_117 : i32 to index
      %swap3A_445 = arith.constant 1744 : index
      %swap3A_446 = tpu.vector_load %arg6[%swap3A_444, %swap3A_445] {strides = array<i32>} : memref<16x2048xf32, #tpu.memory_space<vmem>>, vector<16xf32>,
      tpu.vector_store %arg6[%swap3A_444, %swap3A_445], %broadcast_in_dim3A_1 {strides = array<i32>} : memref<16x2048xf32, #tpu.memory_space<vmem>>, vector<16xf32>,
      %swap3A_447 = arith.index_cast %scan3A_117 : i32 to index
      %swap3A_448 = arith.constant 1760 : index
      %swap3A_449 = tpu.vector_load %arg6[%swap3A_447, %swap3A_448] {strides = array<i32>} : memref<16x2048xf32, #tpu.memory_space<vmem>>, vector<16xf32>,
      tpu.vector_store %arg6[%swap3A_447, %swap3A_448], %broadcast_in_dim3A_1 {strides = array<i32>} : memref<16x2048xf32, #tpu.memory_space<vmem>>, vector<16xf32>,
      %swap3A_450 = arith.index_cast %scan3A_117 : i32 to index
      %swap3A_451 = arith.constant 1776 : index
      %swap3A_452 = tpu.vector_load %arg6[%swap3A_450, %swap3A_451] {strides = array<i32>} : memref<16x2048xf32, #tpu.memory_space<vmem>>, vector<16xf32>,
      tpu.vector_store %arg6[%swap3A_450, %swap3A_451], %broadcast_in_dim3A_1 {strides = array<i32>} : memref<16x2048xf32, #tpu.memory_space<vmem>>, vector<16xf32>,
      %swap3A_453 = arith.index_cast %scan3A_117 : i32 to index
      %swap3A_454 = arith.constant 1792 : index
      %swap3A_455 = tpu.vector_load %arg6[%swap3A_453, %swap3A_454] {strides = array<i32>} : memref<16x2048xf32, #tpu.memory_space<vmem>>, vector<16xf32>,
      tpu.vector_store %arg6[%swap3A_453, %swap3A_454], %broadcast_in_dim3A_1 {strides = array<i32>} : memref<16x2048xf32, #tpu.memory_space<vmem>>, vector<16xf32>,
      %swap3A_456 = arith.index_cast %scan3A_117 : i32 to index
      %swap3A_457 = arith.constant 1808 : index
      %swap3A_458 = tpu.vector_load %arg6[%swap3A_456, %swap3A_457] {strides = array<i32>} : memref<16x2048xf32, #tpu.memory_space<vmem>>, vector<16xf32>,
      tpu.vector_store %arg6[%swap3A_456, %swap3A_457], %broadcast_in_dim3A_1 {strides = array<i32>} : memref<16x2048xf32, #tpu.memory_space<vmem>>, vector<16xf32>,
      %swap3A_459 = arith.index_cast %scan3A_117 : i32 to index
      %swap3A_460 = arith.constant 1824 : index
      %swap3A_461 = tpu.vector_load %arg6[%swap3A_459, %swap3A_460] {strides = array<i32>} : memref<16x2048xf32, #tpu.memory_space<vmem>>, vector<16xf32>,
      tpu.vector_store %arg6[%swap3A_459, %swap3A_460], %broadcast_in_dim3A_1 {strides = array<i32>} : memref<16x2048xf32, #tpu.memory_space<vmem>>, vector<16xf32>,
      %swap3A_462 = arith.index_cast %scan3A_117 : i32 to index
      %swap3A_463 = arith.constant 1840 : index
      %swap3A_464 = tpu.vector_load %arg6[%swap3A_462, %swap3A_463] {strides = array<i32>} : memref<16x2048xf32, #tpu.memory_space<vmem>>, vector<16xf32>,
      tpu.vector_store %arg6[%swap3A_462, %swap3A_463], %broadcast_in_dim3A_1 {strides = array<i32>} : memref<16x2048xf32, #tpu.memory_space<vmem>>, vector<16xf32>,
      %swap3A_465 = arith.index_cast %scan3A_117 : i32 to index
      %swap3A_466 = arith.constant 1856 : index
      %swap3A_467 = tpu.vector_load %arg6[%swap3A_465, %swap3A_466] {strides = array<i32>} : memref<16x2048xf32, #tpu.memory_space<vmem>>, vector<16xf32>,
      tpu.vector_store %arg6[%swap3A_465, %swap3A_466], %broadcast_in_dim3A_1 {strides = array<i32>} : memref<16x2048xf32, #tpu.memory_space<vmem>>, vector<16xf32>,
      %swap3A_468 = arith.index_cast %scan3A_117 : i32 to index
      %swap3A_469 = arith.constant 1872 : index
      %swap3A_470 = tpu.vector_load %arg6[%swap3A_468, %swap3A_469] {strides = array<i32>} : memref<16x2048xf32, #tpu.memory_space<vmem>>, vector<16xf32>,
      tpu.vector_store %arg6[%swap3A_468, %swap3A_469], %broadcast_in_dim3A_1 {strides = array<i32>} : memref<16x2048xf32, #tpu.memory_space<vmem>>, vector<16xf32>,
      %swap3A_471 = arith.index_cast %scan3A_117 : i32 to index
      %swap3A_472 = arith.constant 1888 : index
      %swap3A_473 = tpu.vector_load %arg6[%swap3A_471, %swap3A_472] {strides = array<i32>} : memref<16x2048xf32, #tpu.memory_space<vmem>>, vector<16xf32>,
      tpu.vector_store %arg6[%swap3A_471, %swap3A_472], %broadcast_in_dim3A_1 {strides = array<i32>} : memref<16x2048xf32, #tpu.memory_space<vmem>>, vector<16xf32>,
      %swap3A_474 = arith.index_cast %scan3A_117 : i32 to index
      %swap3A_475 = arith.constant 1904 : index
      %swap3A_476 = tpu.vector_load %arg6[%swap3A_474, %swap3A_475] {strides = array<i32>} : memref<16x2048xf32, #tpu.memory_space<vmem>>, vector<16xf32>,
      tpu.vector_store %arg6[%swap3A_474, %swap3A_475], %broadcast_in_dim3A_1 {strides = array<i32>} : memref<16x2048xf32, #tpu.memory_space<vmem>>, vector<16xf32>,
      %swap3A_477 = arith.index_cast %scan3A_117 : i32 to index
      %swap3A_478 = arith.constant 1920 : index
      %swap3A_479 = tpu.vector_load %arg6[%swap3A_477, %swap3A_478] {strides = array<i32>} : memref<16x2048xf32, #tpu.memory_space<vmem>>, vector<16xf32>,
      tpu.vector_store %arg6[%swap3A_477, %swap3A_478], %broadcast_in_dim3A_1 {strides = array<i32>} : memref<16x2048xf32, #tpu.memory_space<vmem>>, vector<16xf32>,
      %swap3A_480 = arith.index_cast %scan3A_117 : i32 to index
      %swap3A_481 = arith.constant 1936 : index
      %swap3A_482 = tpu.vector_load %arg6[%swap3A_480, %swap3A_481] {strides = array<i32>} : memref<16x2048xf32, #tpu.memory_space<vmem>>, vector<16xf32>,
      tpu.vector_store %arg6[%swap3A_480, %swap3A_481], %broadcast_in_dim3A_1 {strides = array<i32>} : memref<16x2048xf32, #tpu.memory_space<vmem>>, vector<16xf32>,
      %swap3A_483 = arith.index_cast %scan3A_117 : i32 to index
      %swap3A_484 = arith.constant 1952 : index
      %swap3A_485 = tpu.vector_load %arg6[%swap3A_483, %swap3A_484] {strides = array<i32>} : memref<16x2048xf32, #tpu.memory_space<vmem>>, vector<16xf32>,
      tpu.vector_store %arg6[%swap3A_483, %swap3A_484], %broadcast_in_dim3A_1 {strides = array<i32>} : memref<16x2048xf32, #tpu.memory_space<vmem>>, vector<16xf32>,
      %swap3A_486 = arith.index_cast %scan3A_117 : i32 to index
      %swap3A_487 = arith.constant 1968 : index
      %swap3A_488 = tpu.vector_load %arg6[%swap3A_486, %swap3A_487] {strides = array<i32>} : memref<16x2048xf32, #tpu.memory_space<vmem>>, vector<16xf32>,
      tpu.vector_store %arg6[%swap3A_486, %swap3A_487], %broadcast_in_dim3A_1 {strides = array<i32>} : memref<16x2048xf32, #tpu.memory_space<vmem>>, vector<16xf32>,
      %swap3A_489 = arith.index_cast %scan3A_117 : i32 to index
      %swap3A_490 = arith.constant 1984 : index
      %swap3A_491 = tpu.vector_load %arg6[%swap3A_489, %swap3A_490] {strides = array<i32>} : memref<16x2048xf32, #tpu.memory_space<vmem>>, vector<16xf32>,
      tpu.vector_store %arg6[%swap3A_489, %swap3A_490], %broadcast_in_dim3A_1 {strides = array<i32>} : memref<16x2048xf32, #tpu.memory_space<vmem>>, vector<16xf32>,
      %swap3A_492 = arith.index_cast %scan3A_117 : i32 to index
      %swap3A_493 = arith.constant 2000 : index
      %swap3A_494 = tpu.vector_load %arg6[%swap3A_492, %swap3A_493] {strides = array<i32>} : memref<16x2048xf32, #tpu.memory_space<vmem>>, vector<16xf32>,
      tpu.vector_store %arg6[%swap3A_492, %swap3A_493], %broadcast_in_dim3A_1 {strides = array<i32>} : memref<16x2048xf32, #tpu.memory_space<vmem>>, vector<16xf32>,
      %swap3A_495 = arith.index_cast %scan3A_117 : i32 to index
      %swap3A_496 = arith.constant 2016 : index
      %swap3A_497 = tpu.vector_load %arg6[%swap3A_495, %swap3A_496] {strides = array<i32>} : memref<16x2048xf32, #tpu.memory_space<vmem>>, vector<16xf32>,
      tpu.vector_store %arg6[%swap3A_495, %swap3A_496], %broadcast_in_dim3A_1 {strides = array<i32>} : memref<16x2048xf32, #tpu.memory_space<vmem>>, vector<16xf32>,
      %swap3A_498 = arith.index_cast %scan3A_117 : i32 to index
      %swap3A_499 = arith.constant 2032 : index
      %swap3A_500 = tpu.vector_load %arg6[%swap3A_498, %swap3A_499] {strides = array<i32>} : memref<16x2048xf32, #tpu.memory_space<vmem>>, vector<16xf32>,
      tpu.vector_store %arg6[%swap3A_498, %swap3A_499], %broadcast_in_dim3A_1 {strides = array<i32>} : memref<16x2048xf32, #tpu.memory_space<vmem>>, vector<16xf32>,
    }
    %scan3A_86 = arith.constant 16 : i32
    %scan3A_87 = arith.constant 0 : i32
    %scan3A_88 = arith.constant 0 : i32
    %scan3A_89 = arith.constant 16 : i32
    %scan3A_90 = arith.addi %scan3A_88, %scan3A_89 : i32
    %scan3A_91 = arith.constant 1 : i32
    scf.for %scan3A_117 = %scan3A_88 to %scan3A_90 step %scan3A_91  : i32 {
      %broadcast_in_dim3A_118 = arith.constant 0 : i32
      %broadcast_in_dim3A_119 = vector.broadcast %broadcast_in_dim3A_118 : i32 to vector<16xi32>
      %add3A_120 = vector.broadcast %scan3A_117 : i32 to vector<16xi32>
      %add3A_121 = arith.addi %broadcast_in_dim3A_119, %add3A_120 : vector<16xi32>
      %scan3A_122 = arith.constant 0 : i32
      %scan3A_123 = arith.constant 0 : i32
      %scan3A_124 = arith.constant 8 : i32
      %scan3A_125 = arith.addi %scan3A_123, %scan3A_124 : i32
      %scan3A_126 = arith.constant 1 : i32
      scf.for %scan3A_128 = %scan3A_123 to %scan3A_125 step %scan3A_126  : i32 {
        %add3A_129 = arith.constant 48 : i32
        %add3A_130 = arith.addi %add3A_129, %scan3A_117 : i32
        %mul3A_131 = arith.constant 4 : i32
        %mul3A_132 = arith.muli %scan3A_128, %mul3A_131 : i32
        %add3A_133 = arith.constant 0 : i32
        %add3A_134 = arith.addi %mul3A_132, %add3A_133 : i32
        %mul3A_135 = arith.constant 16 : i32
        %mul3A_136 = arith.muli %add3A_134, %mul3A_135 : i32
        %get3A = arith.index_cast %add3A_130 : i32 to index
        %get3A_137 = arith.index_cast %mul3A_136 : i32 to index
        %get3A_138 = tpu.vector_load %arg4[%get3A, %get3A_137] {strides = array<i32>} : memref<64x512xi32, #tpu.memory_space<vmem>>, vector<16xi32>,
        tpu.vector_store_idx %arg6[%add3A_121, %get3A_138], %broadcast_in_dim3A_3 {add = true} : memref<16x2048xf32, #tpu.memory_space<vmem>>[vector<16xi32>, vector<16xi32>], vector<16xf32>,
        %add3A_139 = arith.constant 48 : i32
        %add3A_140 = arith.addi %add3A_139, %scan3A_117 : i32
        %mul3A_141 = arith.constant 4 : i32
        %mul3A_142 = arith.muli %scan3A_128, %mul3A_141 : i32
        %add3A_143 = arith.constant 1 : i32
        %add3A_144 = arith.addi %mul3A_142, %add3A_143 : i32
        %mul3A_145 = arith.constant 16 : i32
        %mul3A_146 = arith.muli %add3A_144, %mul3A_145 : i32
        %get3A_147 = arith.index_cast %add3A_140 : i32 to index
        %get3A_148 = arith.index_cast %mul3A_146 : i32 to index
        %get3A_149 = tpu.vector_load %arg4[%get3A_147, %get3A_148] {strides = array<i32>} : memref<64x512xi32, #tpu.memory_space<vmem>>, vector<16xi32>,
        tpu.vector_store_idx %arg6[%add3A_121, %get3A_149], %broadcast_in_dim3A_3 {add = true} : memref<16x2048xf32, #tpu.memory_space<vmem>>[vector<16xi32>, vector<16xi32>], vector<16xf32>,
        %add3A_150 = arith.constant 48 : i32
        %add3A_151 = arith.addi %add3A_150, %scan3A_117 : i32
        %mul3A_152 = arith.constant 4 : i32
        %mul3A_153 = arith.muli %scan3A_128, %mul3A_152 : i32
        %add3A_154 = arith.constant 2 : i32
        %add3A_155 = arith.addi %mul3A_153, %add3A_154 : i32
        %mul3A_156 = arith.constant 16 : i32
        %mul3A_157 = arith.muli %add3A_155, %mul3A_156 : i32
        %get3A_158 = arith.index_cast %add3A_151 : i32 to index
        %get3A_159 = arith.index_cast %mul3A_157 : i32 to index
        %get3A_160 = tpu.vector_load %arg4[%get3A_158, %get3A_159] {strides = array<i32>} : memref<64x512xi32, #tpu.memory_space<vmem>>, vector<16xi32>,
        tpu.vector_store_idx %arg6[%add3A_121, %get3A_160], %broadcast_in_dim3A_3 {add = true} : memref<16x2048xf32, #tpu.memory_space<vmem>>[vector<16xi32>, vector<16xi32>], vector<16xf32>,
        %add3A_161 = arith.constant 48 : i32
        %add3A_162 = arith.addi %add3A_161, %scan3A_117 : i32
        %mul3A_163 = arith.constant 4 : i32
        %mul3A_164 = arith.muli %scan3A_128, %mul3A_163 : i32
        %add3A_165 = arith.constant 3 : i32
        %add3A_166 = arith.addi %mul3A_164, %add3A_165 : i32
        %mul3A_167 = arith.constant 16 : i32
        %mul3A_168 = arith.muli %add3A_166, %mul3A_167 : i32
        %get3A_169 = arith.index_cast %add3A_162 : i32 to index
        %get3A_170 = arith.index_cast %mul3A_168 : i32 to index
        %get3A_171 = tpu.vector_load %arg4[%get3A_169, %get3A_170] {strides = array<i32>} : memref<64x512xi32, #tpu.memory_space<vmem>>, vector<16xi32>,
        tpu.vector_store_idx %arg6[%add3A_121, %get3A_171], %broadcast_in_dim3A_3 {add = true} : memref<16x2048xf32, #tpu.memory_space<vmem>>[vector<16xi32>, vector<16xi32>], vector<16xf32>,
      }
      %scan3A_127 = arith.constant 8 : i32
    }
    %scan3A_92 = arith.constant 16 : i32
    %add3A_93 = arith.constant 3 : i32
    %add3A_94 = arith.addi %mul3A_5, %add3A_93 : i32
    %mul3A_95 = arith.constant 16 : i32
    %mul3A_96 = arith.muli %add3A_94, %mul3A_95 : i32
    %dma_start3A_97 = arith.constant 0 : i32
    %dma_start3A_98 = tpu.memref_slice %arg3[%mul3A_96, %dma_start3A_97] : memref<2048x2048xf32, #tpu.memory_space<hbm>> -> memref<16x2048xf32, #tpu.memory_space<hbm>>
    %dma_start3A_99 = arith.constant 0 : i32
    %dma_start3A_100 = tpu.memref_slice %arg3[%mul3A_96, %dma_start3A_99] : memref<2048x2048xf32, #tpu.memory_space<hbm>> -> memref<16x2048xf32, #tpu.memory_space<hbm>>
    tpu.enqueue_dma source(%arg6 : memref<16x2048xf32, #tpu.memory_space<vmem>>) target(%dma_start3A_100 : memref<16x2048xf32, #tpu.memory_space<hbm>>) target_semaphore(%arg8 : memref<!tpu.dma_semaphore, #tpu.memory_space<semaphore_mem>>)
    %add3A_101 = arith.constant 2 : i32
    %add3A_102 = arith.addi %mul3A_5, %add3A_101 : i32
    %mul3A_103 = arith.constant 16 : i32
    %mul3A_104 = arith.muli %add3A_102, %mul3A_103 : i32
    %dma_wait3A_105 = arith.constant 0 : i32
    %dma_wait3A_106 = tpu.memref_slice %arg3[%mul3A_104, %dma_wait3A_105] : memref<2048x2048xf32, #tpu.memory_space<hbm>> -> memref<16x2048xf32, #tpu.memory_space<hbm>>
    %dma_wait3A_107 = arith.constant 0 : i32
    %dma_wait3A_108 = tpu.memref_slice %arg3[%mul3A_104, %dma_wait3A_107] : memref<2048x2048xf32, #tpu.memory_space<hbm>> -> memref<16x2048xf32, #tpu.memory_space<hbm>>
    tpu.wait_dma2 semaphore(%arg7 : memref<!tpu.dma_semaphore, #tpu.memory_space<semaphore_mem>>) src(%arg5 : memref<16x2048xf32, #tpu.memory_space<vmem>>) dst(%dma_wait3A_108 : memref<16x2048xf32, #tpu.memory_space<hbm>>)
    %add3A_109 = arith.constant 3 : i32
    %add3A_110 = arith.addi %mul3A_5, %add3A_109 : i32
    %mul3A_111 = arith.constant 16 : i32
    %mul3A_112 = arith.muli %add3A_110, %mul3A_111 : i32
    %dma_wait3A_113 = arith.constant 0 : i32
    %dma_wait3A_114 = tpu.memref_slice %arg3[%mul3A_112, %dma_wait3A_113] : memref<2048x2048xf32, #tpu.memory_space<hbm>> -> memref<16x2048xf32, #tpu.memory_space<hbm>>
    %dma_wait3A_115 = arith.constant 0 : i32
    %dma_wait3A_116 = tpu.memref_slice %arg3[%mul3A_112, %dma_wait3A_115] : memref<2048x2048xf32, #tpu.memory_space<hbm>> -> memref<16x2048xf32, #tpu.memory_space<hbm>>
    tpu.wait_dma2 semaphore(%arg8 : memref<!tpu.dma_semaphore, #tpu.memory_space<semaphore_mem>>) src(%arg6 : memref<16x2048xf32, #tpu.memory_space<vmem>>) dst(%dma_wait3A_116 : memref<16x2048xf32, #tpu.memory_space<hbm>>)
    return
  }
}

module attributes {stable_mosaic.version = 14 : i64} {
  func.func @_kl_body(%arg0: i32, %arg1: memref<1x1xf32, #tpu.memory_space<smem>>, %arg2: memref<16x64x128xbf16, #tpu.memory_space<vmem>>, %arg3: memref<2048x128xbf16, #tpu.memory_space<vmem>>, %arg4: memref<8x64x128xbf16, #tpu.memory_space<vmem>>, %arg5: memref<2048x128xbf16, #tpu.memory_space<vmem>>, %arg6: memref<16x64x1xf32, #tpu.memory_space<vmem>>, %arg7: memref<64x2048xf32, #tpu.memory_space<vmem>>, %arg8: memref<1x1xf32, #tpu.memory_space<smem>>) attributes {dimension_semantics = [#tpu.dimension_semantics<arbitrary>], iteration_bounds = array<i64: 32>, scalar_prefetch = 0 : i64, scratch_operands = 0 : i64, tpu.core_type = #tpu.core_type<tc>, window_params = [{transform_indices = @transform_0, window_bounds = array<i64: 1, 1>}, {transform_indices = @transform_1, window_bounds = array<i64: 16, 64, 128>}, {pipeline_mode = #tpu.pipeline_mode<synchronous>, transform_indices = @transform_2, window_bounds = array<i64: 2048, 128>}, {transform_indices = @transform_3, window_bounds = array<i64: 8, 64, 128>}, {pipeline_mode = #tpu.pipeline_mode<synchronous>, transform_indices = @transform_4, window_bounds = array<i64: 2048, 128>}, {transform_indices = @transform_5, window_bounds = array<i64: 16, 64, 1>}, {transform_indices = @transform_6, window_bounds = array<i64: 64, 2048>}, {transform_indices = @transform_7, window_bounds = array<i64: 1, 1>}]} {
    %get3A = arith.constant 0 : index
    %get3A_0 = arith.constant 0 : index
    %get3A_1 = memref.load %arg1[%get3A, %get3A_0] : memref<1x1xf32, #tpu.memory_space<smem>>
    %convert_element_type3A = arith.truncf %get3A_1 : f32 to bf16
    %get3A_2 = arith.constant 0 : index
    %get3A_3 = arith.constant 0 : index
    %get3A_4 = arith.constant 0 : index
    %get3A_5 = vector.load %arg2[%get3A_2, %get3A_3, %get3A_4] : memref<16x64x128xbf16, #tpu.memory_space<vmem>>, vector<16x64x128xbf16>
    %reshape3A = vector.shape_cast %get3A_5 : vector<16x64x128xbf16> to vector<1024x128xbf16>
    %mul3A = vector.broadcast %convert_element_type3A : bf16 to vector<1024x128xbf16>
    %mul3A_6 = arith.mulf %reshape3A, %mul3A : vector<1024x128xbf16>
    %get3A_7 = arith.constant 0 : index
    %get3A_8 = arith.constant 0 : index
    %get3A_9 = vector.load %arg3[%get3A_7, %get3A_8] : memref<2048x128xbf16, #tpu.memory_space<vmem>>, vector<2048x128xbf16>
    %dot_general3A = arith.constant dense<0.000000e+00> : vector<1024x2048xf32>
    %dot_general3A_10 = tpu.matmul %mul3A_6, %get3A_9, %dot_general3A {dimension_numbers = #tpu.dot_dimension_numbers<[1], [1], [0], [0], [0, 0, 1, 0], [], []>, transpose_lhs_hint = false} : vector<1024x128xbf16>, vector<2048x128xbf16>, vector<1024x2048xf32> -> vector<1024x2048xf32>
    %reshape3A_11 = vector.shape_cast %dot_general3A_10 : vector<1024x2048xf32> to vector<16x64x2048xf32>
    %get3A_12 = arith.constant 0 : index
    %get3A_13 = arith.constant 0 : index
    %get3A_14 = arith.constant 0 : index
    %get3A_15 = vector.load %arg6[%get3A_12, %get3A_13, %get3A_14] : memref<16x64x1xf32, #tpu.memory_space<vmem>>, vector<16x64x1xf32>
    %sub3A = vector.broadcast %get3A_15 : vector<16x64x1xf32> to vector<16x64x2048xf32>
    %sub3A_16 = arith.subf %reshape3A_11, %sub3A : vector<16x64x2048xf32>
    %exp23A = math.exp2 %sub3A_16 : vector<16x64x2048xf32>
    %reduce_sum3A = arith.constant dense<0.000000e+00> : vector<64x2048xf32>
    %reduce_sum3A_17 = vector.multi_reduction <add>, %exp23A, %reduce_sum3A [0] : vector<16x64x2048xf32> to vector<64x2048xf32>
    %get3A_18 = arith.constant 0 : index
    %get3A_19 = arith.constant 0 : index
    %get3A_20 = arith.constant 0 : index
    %get3A_21 = vector.load %arg4[%get3A_18, %get3A_19, %get3A_20] : memref<8x64x128xbf16, #tpu.memory_space<vmem>>, vector<8x64x128xbf16>
    %reshape3A_22 = vector.shape_cast %get3A_21 : vector<8x64x128xbf16> to vector<512x128xbf16>
    %get3A_23 = arith.constant 0 : index
    %get3A_24 = arith.constant 0 : index
    %get3A_25 = vector.load %arg5[%get3A_23, %get3A_24] : memref<2048x128xbf16, #tpu.memory_space<vmem>>, vector<2048x128xbf16>
    %dot_general3A_26 = arith.constant dense<0.000000e+00> : vector<512x2048xf32>
    %dot_general3A_27 = tpu.matmul %reshape3A_22, %get3A_25, %dot_general3A_26 {dimension_numbers = #tpu.dot_dimension_numbers<[1], [1], [0], [0], [0, 0, 1, 0], [], []>, transpose_lhs_hint = false} : vector<512x128xbf16>, vector<2048x128xbf16>, vector<512x2048xf32> -> vector<512x2048xf32>
    %reshape3A_28 = vector.shape_cast %dot_general3A_27 : vector<512x2048xf32> to vector<8x64x2048xf32>
    %max3A = arith.constant 0.000000e+00 : f32
    %max3A_29 = vector.broadcast %max3A : f32 to vector<8x64x2048xf32>
    %max3A_30 = arith.maximumf %reshape3A_28, %max3A_29 : vector<8x64x2048xf32>
    %reduce_sum3A_31 = arith.constant dense<0.000000e+00> : vector<64x2048xf32>
    %reduce_sum3A_32 = vector.multi_reduction <add>, %max3A_30, %reduce_sum3A_31 [0] : vector<8x64x2048xf32> to vector<64x2048xf32>
    %get3A_33 = arith.constant 0 : index
    %get3A_34 = arith.constant 0 : index
    %get3A_35 = vector.load %arg7[%get3A_33, %get3A_34] : memref<64x2048xf32, #tpu.memory_space<vmem>>, vector<64x2048xf32>
    %mul3A_36 = arith.mulf %get3A_35, %reduce_sum3A_17 : vector<64x2048xf32>
    %reduce_sum3A_37 = arith.constant dense<0.000000e+00> : vector<64xf32>
    %reduce_sum3A_38 = vector.multi_reduction <add>, %mul3A_36, %reduce_sum3A_37 [1] : vector<64x2048xf32> to vector<64xf32>
    %broadcast_in_dim3A = vector.shape_cast %reduce_sum3A_38 : vector<64xf32> to vector<64x1xf32>
    %reduce_max3A = arith.constant dense<0xFF800000> : vector<64xf32>
    %reduce_max3A_39 = vector.multi_reduction <maximumf>, %reduce_sum3A_32, %reduce_max3A [1] : vector<64x2048xf32> to vector<64xf32>
    %broadcast_in_dim3A_40 = vector.shape_cast %reduce_max3A_39 : vector<64xf32> to vector<64x1xf32>
    %sub3A_41 = vector.broadcast %broadcast_in_dim3A_40 : vector<64x1xf32> to vector<64x2048xf32>
    %sub3A_42 = arith.subf %reduce_sum3A_32, %sub3A_41 : vector<64x2048xf32>
    %exp3A = math.exp %sub3A_42 : vector<64x2048xf32>
    %mul3A_43 = arith.mulf %get3A_35, %exp3A : vector<64x2048xf32>
    %reduce_sum3A_44 = arith.constant dense<0.000000e+00> : vector<64xf32>
    %reduce_sum3A_45 = vector.multi_reduction <add>, %mul3A_43, %reduce_sum3A_44 [1] : vector<64x2048xf32> to vector<64xf32>
    %broadcast_in_dim3A_46 = vector.shape_cast %reduce_sum3A_45 : vector<64xf32> to vector<64x1xf32>
    %log3A = math.log %broadcast_in_dim3A_46 : vector<64x1xf32>
    %add3A = arith.addf %broadcast_in_dim3A_40, %log3A : vector<64x1xf32>
    %max3A_47 = arith.constant 9.99999997E-7 : f32
    %max3A_48 = vector.broadcast %max3A_47 : f32 to vector<64x1xf32>
    %max3A_49 = arith.maximumf %broadcast_in_dim3A, %max3A_48 : vector<64x1xf32>
    %div3A = arith.constant 1.000000e+00 : f32
    %div3A_50 = vector.broadcast %div3A : f32 to vector<64x1xf32>
    %div3A_51 = arith.divf %div3A_50, %max3A_49 : vector<64x1xf32>
    %mul3A_52 = vector.broadcast %div3A_51 : vector<64x1xf32> to vector<64x2048xf32>
    %mul3A_53 = arith.mulf %reduce_sum3A_17, %mul3A_52 : vector<64x2048xf32>
    %mul3A_54 = arith.mulf %get3A_35, %mul3A_53 : vector<64x2048xf32>
    %max3A_55 = arith.constant 9.99999971E-10 : f32
    %max3A_56 = vector.broadcast %max3A_55 : f32 to vector<64x2048xf32>
    %max3A_57 = arith.maximumf %mul3A_53, %max3A_56 : vector<64x2048xf32>
    %log3A_58 = math.log %max3A_57 : vector<64x2048xf32>
    %sub3A_59 = arith.subf %log3A_58, %reduce_sum3A_32 : vector<64x2048xf32>
    %add3A_60 = vector.broadcast %add3A : vector<64x1xf32> to vector<64x2048xf32>
    %add3A_61 = arith.addf %sub3A_59, %add3A_60 : vector<64x2048xf32>
    %mul3A_62 = arith.mulf %mul3A_54, %add3A_61 : vector<64x2048xf32>
    %reduce_sum3A_63 = vector.shape_cast %mul3A_62 : vector<64x2048xf32> to vector<1x64x2048xf32>
    %reduce_sum3A_64 = arith.constant dense<0.000000e+00> : vector<1xf32>
    %reduce_sum3A_65 = vector.multi_reduction <add>, %reduce_sum3A_63, %reduce_sum3A_64 [1, 2] : vector<1x64x2048xf32> to vector<1xf32>
    %reduce_sum3A_66 = vector.shape_cast %reduce_sum3A_65 : vector<1xf32> to vector<1x1x1xf32>
    %reduce_sum3A_67 = vector.extract %reduce_sum3A_66[0, 0, 0] : f32 from vector<1x1x1xf32>
    %eq3A = arith.constant 0 : i32
    %eq3A_68 = arith.cmpi eq, %arg0, %eq3A : i32
    %convert_element_type3A_69 = arith.extui %eq3A_68 : i1 to i32
    %cond3A = arith.constant 0 : i32
    %cond3A_70 = arith.cmpi ne, %convert_element_type3A_69, %cond3A : i32
    scf.if %cond3A_70 {
      %swap3A_77 = arith.constant 0.000000e+00 : f32
      %swap3A_78 = arith.constant 0 : index
      %swap3A_79 = arith.constant 0 : index
      %swap3A_80 = memref.load %arg8[%swap3A_78, %swap3A_79] : memref<1x1xf32, #tpu.memory_space<smem>>
      memref.store %swap3A_77, %arg8[%swap3A_78, %swap3A_79] : memref<1x1xf32, #tpu.memory_space<smem>>
    } else {
    }
    %get3A_71 = arith.constant 0 : index
    %get3A_72 = arith.constant 0 : index
    %get3A_73 = memref.load %arg8[%get3A_71, %get3A_72] : memref<1x1xf32, #tpu.memory_space<smem>>
    %add3A_74 = arith.addf %get3A_73, %reduce_sum3A_67 : f32
    %swap3A = arith.constant 0 : index
    %swap3A_75 = arith.constant 0 : index
    %swap3A_76 = memref.load %arg8[%swap3A, %swap3A_75] : memref<1x1xf32, #tpu.memory_space<smem>>
    memref.store %add3A_74, %arg8[%swap3A, %swap3A_75] : memref<1x1xf32, #tpu.memory_space<smem>>
    return
  }
  func.func @transform_0(%arg0: i32) -> (i32, i32) {
    %c0_i32 = arith.constant 0 : i32
    %c0_i32_0 = arith.constant 0 : i32
    %c0_i32_1 = arith.constant 0 : i32
    return %c0_i32, %c0_i32_0 : i32, i32
  }
  func.func @transform_1(%arg0: i32) -> (i32, i32, i32) {
    %c0_i32 = arith.constant 0 : i32
    %c0_i32_0 = arith.constant 0 : i32
    %c0_i32_1 = arith.constant 0 : i32
    return %c0_i32, %arg0, %c0_i32_0 : i32, i32, i32
  }
  func.func @transform_2(%arg0: i32) -> (i32, i32) {
    %c0_i32 = arith.constant 0 : i32
    %c0_i32_0 = arith.constant 0 : i32
    %c0_i32_1 = arith.constant 0 : i32
    return %c0_i32, %c0_i32_0 : i32, i32
  }
  func.func @transform_3(%arg0: i32) -> (i32, i32, i32) {
    %c0_i32 = arith.constant 0 : i32
    %c0_i32_0 = arith.constant 0 : i32
    %c0_i32_1 = arith.constant 0 : i32
    return %c0_i32, %arg0, %c0_i32_0 : i32, i32, i32
  }
  func.func @transform_4(%arg0: i32) -> (i32, i32) {
    %c0_i32 = arith.constant 0 : i32
    %c0_i32_0 = arith.constant 0 : i32
    %c0_i32_1 = arith.constant 0 : i32
    return %c0_i32, %c0_i32_0 : i32, i32
  }
  func.func @transform_5(%arg0: i32) -> (i32, i32, i32) {
    %c0_i32 = arith.constant 0 : i32
    %c0_i32_0 = arith.constant 0 : i32
    %c0_i32_1 = arith.constant 0 : i32
    return %c0_i32, %arg0, %c0_i32_0 : i32, i32, i32
  }
  func.func @transform_6(%arg0: i32) -> (i32, i32) {
    %c0_i32 = arith.constant 0 : i32
    %c0_i32_0 = arith.constant 0 : i32
    return %arg0, %c0_i32 : i32, i32
  }
  func.func @transform_7(%arg0: i32) -> (i32, i32) {
    %c0_i32 = arith.constant 0 : i32
    %c0_i32_0 = arith.constant 0 : i32
    %c0_i32_1 = arith.constant 0 : i32
    return %c0_i32, %c0_i32_0 : i32, i32
  }
}

</mosaic_0001>

<sc_bundles>
// kernel: kernel.4.cloned.1.call-start
scs
__scs_entry_jumppad:
0x0: {  	(pc) =	sbr.rel $0x88, $3  }
0x1: {  	(tag) =	ssettag $0x0;
	lr =	simm.s32 $0x1  }
0x2: {  	[smem:$0x3F98] =	sst lr;
	_ =	strace $0xD0000000  }
0x3: {  	_ = 	snop  }
0x4: {  	_ = 	snop  }
0x5: {  	_ = 	snop  }
0x6: {  	_ = 	snop  }
0x7: {  	_ = 	snop  }
__scs_overlays_trampoline_lowered:
0x8: {  	[smem:$0x3FA7] =	sst s0  }
0x9: {  	[smem:$0x3FA8] =	sst s1  }
0xa: {  	[smem:$0x3FA9] =	sst s2  }
0xb: {  	[smem:$0x3FAA] =	sst s3  }
0xc: {  	[smem:$0x3FAB] =	sst s4  }
0xd: {  	[smem:$0x3FAC] =	sst s5  }
0xe: {  	[smem:$0x3FAD] =	sst s6  }
0xf: {  	[smem:$0x3FAE] =	sst s7  }
0x10: {  	[smem:$0x3FAF] =	sst s8  }
0x11: {  	[smem:$0x3FB0] =	sst s9;
	s0 =	simm.s32 @!p0 $0x0  }
0x12: {  	s1 =	sld [smem:$0x3F96];
	s0 =	simm.s32 @p0 $0x1  }
0x13: {  	[smem:$0x3FB1] =	sst s0;
	s0 =	simm.s32 @!p1 $0x0  }
0x14: {  	s2 =	sld [smem:$0x3F95];
	s0 =	simm.s32 @p1 $0x1  }
0x15: {  	[smem:$0x3FB2] =	sst s0;
	s0 =	simm.s32 @!p2 $0x0  }
0x16: {  	s3 =	sld [smem:$0x3FDB];
	s0 =	simm.s32 @p2 $0x1  }
0x17: {  	s4 =	simm.s32 $0x1BF5;
	[smem:$0x3FB4] =	sst s0  }
0x18: {  	s0 =	sld [smem:$0x3F97];
	_ =	swait.ge [sflag:s4], $0x0  }
0x19: {  	s7 =	sld [smem:$0x3F98]  }
0x1a: {  	s8 =	sadd.s32 $0xFFFFE003, lr  }
0x1b: {  	s9 =	sadd.s32 $0xFFFFFEF7, lr;
	s5 =	simm.s32 $0xFFFFFFFF;
	p2 =	slt.u32 s8, $0xFFFFF086  }
0x1c: {  	p1 =	slt.u32 s9, $0xF7A;
	s5 =	simm.s32 @!p2 $0x0  }
0x1d: {  	s5 =	simm.s32 @p1 $0x1;
	p0 =	seq.s32 s7, s2  }
0x1e: {  	s7 =	smul.u32 @!p0 $0xF7A, s2;
	p2 =	seq.s32 @!p0 s5, $0x0  }
0x1f: {  	s9 =	smul.u32 $0xF7A, s1;
	s8 =	simm.s32 @!p0 $0x1BF5;
	p2 =	por !p2, p0  }
0x20: {  	[sflag:s8] =	ssyncset.s32 @!p0 $0xFFFFF086;
	s6 =	sadd.s32 @!p0 s3, s7;
	s7 =	simm.s32 @!p0 $0x108  }
0x21: {  	s3 =	sadd.s32 s3, s9;
	s6 =	sadd.s32 @!p0 $0x88, s6;
	s7 =	simm.s32 @p2 $0x1082  }
0x22: {  	[simem:s7], [sflag:s8] =	dma.local @!p0 [hbm:s6], $0xF7A  }
0x23: {  	s9 =	sor.u32 $0xD0000000, s2;
	s6 =	simm.s32 $0x108;
	_ =	swait.ge @!p0 [sflag:s8], $0x0  }
0x24: {  	s3 =	sadd.s32 $0x88, s3;
	s6 =	simm.s32 @!p1 $0x1082;
	[sflag:s4] =	ssyncset.s32 $0xFFFFF086  }
0x25: {  	[simem:s6], [sflag:s4] =	dma.local [hbm:s3], $0xF7A  }
0x26: {  	[smem:$0x3F98] =	sst s1;
	(tag) =	ssettag s2;
	_ =	strace s9  }
0x27: {  	s1 =	sld [smem:$0x3FA8]  }
0x28: {  	s2 =	sld [smem:$0x3FA9]  }
0x29: {  	s4 =	sld [smem:$0x3FAB]  }
0x2a: {  	p0 =	seq.s32 s5, $0x0;
	s5 =	sld [smem:$0x3FAC]  }
0x2b: {  	s6 =	sld [smem:$0x3FAD]  }
0x2c: {  	s7 =	sld [smem:$0x3FAE]  }
0x2d: {  	s3 =	simm.s32 $0x108;
	s8 =	sld [smem:$0x3FAF]  }
0x2e: {  	s3 =	simm.s32 @!p0 $0x1082;
	s9 =	sld [smem:$0x3FB0]  }
0x2f: {  	lr =	sadd.s32 s0, s3;
	s0 =	sld [smem:$0x3FA7]  }
0x30: {  	s3 =	sld [smem:$0x3FAA]  }
0x31: {  	[smem:$0x3FB3] =	sst s10  }
0x32: {  	s10 =	sld [smem:$0x3FB1];
	_ =	sdelay $0x3  }
0x33: {  	p0 =	seq.s32 s10, $0x1;
	s10 =	sld [smem:$0x3FB3];
	_ =	sdelay $0x3  }
0x34: {  	[smem:$0x3FB3] =	sst s10  }
0x35: {  	s10 =	sld [smem:$0x3FB2];
	_ =	sdelay $0x3  }
0x36: {  	p1 =	seq.s32 s10, $0x1;
	s10 =	sld [smem:$0x3FB3];
	_ =	sdelay $0x3  }
0x37: {  	[smem:$0x3FB3] =	sst s10  }
0x38: {  	s10 =	sld [smem:$0x3FB4]  }
0x39: {  	_ = 	snop;
	(pc) =	sbr.ind lr, $3  }
0x3a: {  	_ = 	snop  }
0x3b: {  	_ = 	snop  }
0x3c: {  	p2 =	seq.s32 s10, $0x1;
	s10 =	sld [smem:$0x3FB3]  }
0x3d: {  	_ =	shalt  }
0x3e: {  	_ =	shalt  }
0x3f: {  	_ =	shalt  }
0x40: {  	_ =	shalt  }
0x41: {  	_ =	shalt  }
0x42: {  	_ =	shalt  }
0x43: {  	_ =	shalt  }
0x44: {  	_ =	shalt  }
0x45: {  	_ =	shalt  }
0x46: {  	_ =	shalt  }
0x47: {  	_ =	shalt  }
0x48: {  	_ =	shalt  }
0x49: {  	_ =	shalt  }
0x4a: {  	_ =	shalt  }
0x4b: {  	_ =	shalt  }
0x4c: {  	_ =	shalt  }
0x4d: {  	_ =	shalt  }
0x4e: {  	_ =	shalt  }
0x4f: {  	_ =	shalt  }
0x50: {  	_ =	shalt  }
0x51: {  	_ =	shalt  }
0x52: {  	_ =	shalt  }
0x53: {  	_ =	shalt  }
0x54: {  	_ =	shalt  }
0x55: {  	_ =	shalt  }
0x56: {  	_ =	shalt  }
0x57: {  	_ =	shalt  }
0x58: {  	_ =	shalt  }
0x59: {  	_ =	shalt  }
0x5a: {  	_ =	shalt  }
0x5b: {  	_ =	shalt  }
0x5c: {  	_ =	shalt  }
0x5d: {  	_ =	shalt  }
0x5e: {  	_ =	shalt  }
0x5f: {  	_ =	shalt  }
0x60: {  	_ =	shalt  }
0x61: {  	_ =	shalt  }
0x62: {  	_ =	shalt  }
0x63: {  	_ =	shalt  }
0x64: {  	_ =	shalt  }
0x65: {  	_ =	shalt  }
0x66: {  	_ =	shalt  }
0x67: {  	_ =	shalt  }
0x68: {  	_ =	shalt  }
0x69: {  	_ =	shalt  }
0x6a: {  	_ =	shalt  }
0x6b: {  	_ =	shalt  }
0x6c: {  	_ =	shalt  }
0x6d: {  	_ =	shalt  }
0x6e: {  	_ =	shalt  }
0x6f: {  	_ =	shalt  }
0x70: {  	_ =	shalt  }
0x71: {  	_ =	shalt  }
0x72: {  	_ =	shalt  }
0x73: {  	_ =	shalt  }
0x74: {  	_ =	shalt  }
0x75: {  	_ =	shalt  }
0x76: {  	_ =	shalt  }
0x77: {  	_ =	shalt  }
0x78: {  	_ =	shalt  }
0x79: {  	_ =	shalt  }
0x7a: {  	_ =	shalt  }
0x7b: {  	_ =	shalt  }
0x7c: {  	_ =	shalt  }
0x7d: {  	_ =	shalt  }
0x7e: {  	_ =	shalt  }
0x7f: {  	_ =	shalt  }
0x80: {  	_ =	shalt  }
0x81: {  	_ =	shalt  }
0x82: {  	_ =	shalt  }
0x83: {  	_ =	shalt  }
0x84: {  	_ =	shalt  }
0x85: {  	_ =	shalt  }
0x86: {  	_ =	shalt  }
0x87: {  	_ =	shalt  }
.Lfunc_end0:
.L_simem_size_0:
called_computation_lowered:
.L_overlay_start_0:
0x88: {  	s2 =	sld [smem:$0x3FD9]  }
0x89: {  	s3 =	sld [smem:$0x3FFE];
	_ =	sdelay $0x1  }
0x8a: {  	s1 =	srdreg.scid  }
0x8b: {  	s0 =	sand.u32 $0x1, s1  }
0x8c: {  	s17 =	sshll.u32 s0, $0xA;
	s2 =	sadd.s32 s3, s2  }
0x8d: {  	s2 =	sadd.s32 s2, s17  }
0x8e: {  	[smem:$0x3FBF] =	sst s2  }
0x8f: {  	_ = 	snop  }
0x90: {  	s2 =	sld [smem:$0x3FC4];
	(tm) =	ssettm $0x1  }
0x91: {  	s18 =	sld [smem:$0x3FFB];
	_ =	sdelay $0x3  }
0x92: {  	_ =	strace s18  }
0x93: {  	s3 =	sld [smem:$0x3FFC];
	_ =	sdelay $0x3  }
0x94: {  	_ =	strace s3  }
0x95: {  	s3 =	sld [smem:$0x3FFD];
	_ =	sdelay $0x3  }
0x96: {  	_ =	strace s3  }
0x97: {  	_ =	strace $0x8FFFFFFF  }
0x98: {  	s19 =	sld [smem:$0x3FDB];
	_ =	sdelay $0x1  }
0x99: {  	s4 =	simm.s32 $_scs_section_size  }
0x9a: {  	s5 =	simm.s32 $_size__tile_overlayer_lowered;
	s6 =	simm.s32 $_tile_overlayer_lowered  }
0x9b: {  	s22 =	simm.s32 $0x1BFF;
	s21 =	sshll.u32 s6, $0x1;
	s3 =	sadd.s32 s4, s19  }
0x9c: {  	s7 =	simm.s32 $0x0;
	s20 =	sshll.u32 s5, $0x1;
	s5 =	sadd.s32 s21, s3  }
0x9d: {  	[timem:s7], [sflag:s22] =	dma.local [hbm:s5], s20  }
0x9e: {  	_ =	swait.ge [sflag:s22], s20  }
0x9f: {  	s4 =	ssub.s32 $0x0, s20;
	[sflag:s22] =	ssyncset.done $0x0  }
0xa0: {  	[sflag:s22] =	ssyncadd.s32 s4;
	_ =	sdelay $0x1  }
0xa1: {  	s23 =	simm.s32 $0x1B8B  }
0xa2: {  	_ =	swait.ge [sflag:s23], $0x1  }
0xa3: {  	[sflag:s23] =	ssyncset.done $0x0  }
0xa4: {  	s25 =	simm.s32 $0x1B8E;
	s24 =	sld [smem:$0x3FFE];
	[sflag:s23] =	ssyncadd.s32 $0xFFFFFFFF  }
0xa5: {  	s26 =	simm.s32 $execute0_lowered;
	[smem:$0x3FD2] =	sst s25  }
0xa6: {  	s5 =	sshll.u32 s26, $0x1;
	_ =	strace $0x80000046;
	[dreg:$0x1] =	wrdreg $0xFFFFFFFF  }
0xa7: {  	s28 =	simm.s32 $_size_execute0_lowered;
	s3 =	sadd.s32 s3, s5;
	[dreg:$0x0] =	wrdreg $0x0  }
0xa8: {  	s5 =	sshll.u32 s28, $0x1;
	[dreg:$0x2] =	wrdreg s3  }
0xa9: {  	[dreg:$0x3] =	wrdreg s5  }
0xaa: {  	[dreg:$0x4] =	wrdreg $0xC0  }
0xab: {  	_ =	task [dreg:s7], $0x5FFFF  }
0xac: {  	[dreg:$0x1] =	wrdreg $0xFFFFFFFF  }
0xad: {  	[dreg:$0x0] =	wrdreg $0x60  }
0xae: {  	[dreg:$0x2] =	wrdreg s2  }
0xaf: {  	[dreg:$0x3] =	wrdreg s24  }
0xb0: {  	[dreg:$0x4] =	wrdreg $0x9  }
0xb1: {  	_ =	task.clear_ibuf [dreg:s7], $0x5FFFF;
	_ =	strace $0x90000046  }
0xb2: {  	s29 =	simm.s32 $0x9;
	_ =	strace $0x80000048  }
0xb3: {  	_ =	swait.ge [sflag:s29], $0x1  }
0xb4: {  	[sflag:s29] =	ssyncadd.s32 $0xFFFFFFFF  }
0xb5: {  	_ =	strace $0x90000048  }
0xb6: {  	_ =	sfence  }
0xb7: {  	s30 =	sld [smem:$0x0];
	_ =	sdelay $0x2  }
0xb8: {  	s31 =	sshll.u32 s1, $0xD;
	s1 =	sshrl.u32 s1, $0x2  }
0xb9: {  	s3 =	sand.u32 $0x4000, s31;
	s1 =	sadd.s32 s1, s30  }
0xba: {  	s0 =	sor.u32 s3, s0;
	s1 =	sshll.u32 s1, $0x11  }
0xbb: {  	s0 =	sor.u32 s1, s0  }
0xbc: {  	s0 =	sadd.s32 $0x8F2B, s0  }
0xbd: {  	[sflag:s0] =	ssyncadd.remote.s32 $0x1  }
0xbe: {  	_ =	sfence.sel $0xFFFF  }
0xbf: {  	[dreg:$0x0] =	wrdreg $0xFFFFFFFF;
	(pc) =	sbr.abs _section_cstart, $3  }
0xc0: {  	[dreg:$0x1] =	wrdreg $0xFFFFFFFF  }
0xc1: {  	_ =	task.clear_ibuf [dreg:s7], $0x2FFFF;
	_ =	strace $0x9FFFFFFF  }
0xc2: {  	(tm) =	ssettm $0x7FFFFFFF  }
0xc3: {  	_ =	shalt  }
tec
execute0_lowered:
.L_overlay_start_1:
0x0: {  	(tag) =	ssettag $0x1  }
0x1: {  	s3 =	rddreg [dreg:$0x0]  }
0x2: {  	s4 =	rddreg [dreg:$0x1]  }
0x3: {  	s0 =	rddreg [dreg:$0x2]  }
0x4: {  	s5 =	srdreg.scid;
	s1 =	stileid.u32  }
0x5: {  	s2 =	simm.s32 $0x0;
	s9 =	simm.s32 $0x3;
	s10 =	simm.s32 $0x8000  }
0x6: {  	s11 =	simm.s32 $0x10000;
	s12 =	simm.s32 $0x1;
	s13 =	simm.s32 $0x2  }
0x7: {  	s14 =	simm.s32 $0x0;
	s5 =	sand.u32 $0x1, s5;
	s6 =	sshll.u32 s1, $0x1  }
0x8: {  	[smem:$0x7FF] =	sst s2;
	s6 =	sor.u32 s5, s6;
	s5 =	ssub.s32 $0x2, s5  }
0x9: {  	_ =	strace $0x80000047;
	s7 =	sshll.u32 s6, $0xE;
	s8 =	sshrl.u32 s5, $0x1  }
0xa: {  	s31 =	sshll.u32 s6, $0xC;
	s7 =	sadd.s32 s7, s4;
	s8 =	ssub.s32 s5, s8  }
0xb: {  	s3 =	sadd.s32 s3, s31;
	s4 =	sadd.s32 $0x1A00, s7;
	s5 =	sadd.s32 $0x2A00, s7  }
0xc: {  	v0 =	vimm.f32 $0.0e+00;
	v1 =	vimm.f32 $1.000000000e+00;
	s6 =	sadd.s32 $0x3A00, s7;
	s7 =	sadd.s32 $0x4A00, s7;
	s8 =	smax.u32 s8, $0x1  }
.LBB2_1:
0xd: {  	[tilespmem:s2], [sflag:$0x3] =	stream.linear.gather [hbm4b:s3+s2], $0x8000, $0x38;
	[tilespmem:$0x18000] =	vst v63  }
0xe: {  	_ =	swait.ge [sflag:s9], $0x8000  }
0xf: {  	s15 =	simm.s32 $0xFFFF8000;
	s16 =	simm.s32 $0x0;
	[sflag:s9] =	ssyncset.done $0x0  }
0x10: {  	s17 =	simm.s32 $0x0;
	s18 =	simm.s32 $0x0;
	[sflag:s9] =	ssyncadd.s32 $0xFFFF8000  }
.LBB2_2:
0x11: {  	s19 =	sadd.s32 $0x8000, s15  }
0x12: {  	s20 =	sand.u32 $0x380, s18;
	s19 =	sand.u32 $0x4000, s19  }
0x13: {  	s19 =	sor.u32 s20, s19  }
0x14: {  	[tilespmem:s19+$0x8000] =	vst v0  }
0x15: {  	[tilespmem:s19+$0x8010] =	vst v0  }
0x16: {  	[tilespmem:s19+$0x8020] =	vst v0  }
0x17: {  	[tilespmem:s19+$0x8030] =	vst v0  }
0x18: {  	[tilespmem:s19+$0x8040] =	vst v0  }
0x19: {  	[tilespmem:s19+$0x8050] =	vst v0  }
0x1a: {  	[tilespmem:s19+$0x8060] =	vst v0  }
0x1b: {  	[tilespmem:s19+$0x8070] =	vst v0  }
0x1c: {  	[tilespmem:s19+$0x8400] =	vst v0  }
0x1d: {  	[tilespmem:s19+$0x8410] =	vst v0  }
0x1e: {  	[tilespmem:s19+$0x8420] =	vst v0  }
0x1f: {  	[tilespmem:s19+$0x8430] =	vst v0  }
0x20: {  	[tilespmem:s19+$0x8440] =	vst v0  }
0x21: {  	[tilespmem:s19+$0x8450] =	vst v0  }
0x22: {  	[tilespmem:s19+$0x8460] =	vst v0  }
0x23: {  	[tilespmem:s19+$0x8470] =	vst v0  }
0x24: {  	[tilespmem:s19+$0x8800] =	vst v0  }
0x25: {  	[tilespmem:s19+$0x8810] =	vst v0  }
0x26: {  	[tilespmem:s19+$0x8820] =	vst v0  }
0x27: {  	[tilespmem:s19+$0x8830] =	vst v0  }
0x28: {  	[tilespmem:s19+$0x8840] =	vst v0  }
0x29: {  	[tilespmem:s19+$0x8850] =	vst v0  }
0x2a: {  	[tilespmem:s19+$0x8860] =	vst v0  }
0x2b: {  	[tilespmem:s19+$0x8870] =	vst v0  }
0x2c: {  	[tilespmem:s19+$0x8C00] =	vst v0  }
0x2d: {  	[tilespmem:s19+$0x8C10] =	vst v0  }
0x2e: {  	[tilespmem:s19+$0x8C20] =	vst v0  }
0x2f: {  	[tilespmem:s19+$0x8C30] =	vst v0  }
0x30: {  	[tilespmem:s19+$0x8C40] =	vst v0  }
0x31: {  	[tilespmem:s19+$0x8C50] =	vst v0  }
0x32: {  	[tilespmem:s19+$0x8C60] =	vst v0  }
0x33: {  	[tilespmem:s19+$0x8C70] =	vst v0  }
0x34: {  	[tilespmem:s19+$0x9000] =	vst v0  }
0x35: {  	[tilespmem:s19+$0x9010] =	vst v0  }
0x36: {  	[tilespmem:s19+$0x9020] =	vst v0  }
0x37: {  	[tilespmem:s19+$0x9030] =	vst v0  }
0x38: {  	[tilespmem:s19+$0x9040] =	vst v0  }
0x39: {  	[tilespmem:s19+$0x9050] =	vst v0  }
0x3a: {  	[tilespmem:s19+$0x9060] =	vst v0  }
0x3b: {  	[tilespmem:s19+$0x9070] =	vst v0  }
0x3c: {  	[tilespmem:s19+$0x9400] =	vst v0  }
0x3d: {  	[tilespmem:s19+$0x9410] =	vst v0  }
0x3e: {  	[tilespmem:s19+$0x9420] =	vst v0  }
0x3f: {  	[tilespmem:s19+$0x9430] =	vst v0  }
0x40: {  	[tilespmem:s19+$0x9440] =	vst v0  }
0x41: {  	[tilespmem:s19+$0x9450] =	vst v0  }
0x42: {  	[tilespmem:s19+$0x9460] =	vst v0  }
0x43: {  	[tilespmem:s19+$0x9470] =	vst v0  }
0x44: {  	[tilespmem:s19+$0x9800] =	vst v0  }
0x45: {  	[tilespmem:s19+$0x9810] =	vst v0  }
0x46: {  	[tilespmem:s19+$0x9820] =	vst v0  }
0x47: {  	[tilespmem:s19+$0x9830] =	vst v0  }
0x48: {  	[tilespmem:s19+$0x9840] =	vst v0  }
0x49: {  	[tilespmem:s19+$0x9850] =	vst v0  }
0x4a: {  	[tilespmem:s19+$0x9860] =	vst v0  }
0x4b: {  	[tilespmem:s19+$0x9870] =	vst v0  }
0x4c: {  	[tilespmem:s19+$0x9C00] =	vst v0  }
0x4d: {  	[tilespmem:s19+$0x9C10] =	vst v0  }
0x4e: {  	[tilespmem:s19+$0x9C20] =	vst v0  }
0x4f: {  	[tilespmem:s19+$0x9C30] =	vst v0  }
0x50: {  	[tilespmem:s19+$0x9C40] =	vst v0  }
0x51: {  	[tilespmem:s19+$0x9C50] =	vst v0  }
0x52: {  	[tilespmem:s19+$0x9C60] =	vst v0  }
0x53: {  	[tilespmem:s19+$0x9C70] =	vst v0  }
0x54: {  	[tilespmem:s19+$0xA000] =	vst v0  }
0x55: {  	[tilespmem:s19+$0xA010] =	vst v0  }
0x56: {  	[tilespmem:s19+$0xA020] =	vst v0  }
0x57: {  	[tilespmem:s19+$0xA030] =	vst v0  }
0x58: {  	[tilespmem:s19+$0xA040] =	vst v0  }
0x59: {  	[tilespmem:s19+$0xA050] =	vst v0  }
0x5a: {  	[tilespmem:s19+$0xA060] =	vst v0  }
0x5b: {  	[tilespmem:s19+$0xA070] =	vst v0  }
0x5c: {  	[tilespmem:s19+$0xA400] =	vst v0  }
0x5d: {  	[tilespmem:s19+$0xA410] =	vst v0  }
0x5e: {  	[tilespmem:s19+$0xA420] =	vst v0  }
0x5f: {  	[tilespmem:s19+$0xA430] =	vst v0  }
0x60: {  	[tilespmem:s19+$0xA440] =	vst v0  }
0x61: {  	[tilespmem:s19+$0xA450] =	vst v0  }
0x62: {  	[tilespmem:s19+$0xA460] =	vst v0  }
0x63: {  	[tilespmem:s19+$0xA470] =	vst v0  }
0x64: {  	[tilespmem:s19+$0xA800] =	vst v0  }
0x65: {  	[tilespmem:s19+$0xA810] =	vst v0  }
0x66: {  	[tilespmem:s19+$0xA820] =	vst v0  }
0x67: {  	[tilespmem:s19+$0xA830] =	vst v0  }
0x68: {  	[tilespmem:s19+$0xA840] =	vst v0  }
0x69: {  	[tilespmem:s19+$0xA850] =	vst v0  }
0x6a: {  	[tilespmem:s19+$0xA860] =	vst v0  }
0x6b: {  	[tilespmem:s19+$0xA870] =	vst v0  }
0x6c: {  	[tilespmem:s19+$0xAC00] =	vst v0  }
0x6d: {  	[tilespmem:s19+$0xAC10] =	vst v0  }
0x6e: {  	[tilespmem:s19+$0xAC20] =	vst v0  }
0x6f: {  	[tilespmem:s19+$0xAC30] =	vst v0  }
0x70: {  	[tilespmem:s19+$0xAC40] =	vst v0  }
0x71: {  	[tilespmem:s19+$0xAC50] =	vst v0  }
0x72: {  	[tilespmem:s19+$0xAC60] =	vst v0  }
0x73: {  	[tilespmem:s19+$0xAC70] =	vst v0  }
0x74: {  	[tilespmem:s19+$0xB000] =	vst v0  }
0x75: {  	[tilespmem:s19+$0xB010] =	vst v0  }
0x76: {  	[tilespmem:s19+$0xB020] =	vst v0  }
0x77: {  	[tilespmem:s19+$0xB030] =	vst v0  }
0x78: {  	[tilespmem:s19+$0xB040] =	vst v0  }
0x79: {  	[tilespmem:s19+$0xB050] =	vst v0  }
0x7a: {  	[tilespmem:s19+$0xB060] =	vst v0  }
0x7b: {  	[tilespmem:s19+$0xB070] =	vst v0  }
0x7c: {  	[tilespmem:s19+$0xB400] =	vst v0  }
0x7d: {  	[tilespmem:s19+$0xB410] =	vst v0  }
0x7e: {  	[tilespmem:s19+$0xB420] =	vst v0  }
0x7f: {  	[tilespmem:s19+$0xB430] =	vst v0  }
0x80: {  	s25 =	sand.u32 $0x7, s16;
	[tilespmem:s19+$0xB440] =	vst v0  }
0x81: {  	s20 =	sshll.u32 s25, $0x7;
	[tilespmem:s19+$0xB450] =	vst v0  }
0x82: {  	s20 =	sadd.s32 s20, s17;
	[tilespmem:s19+$0xB460] =	vst v0  }
0x83: {  	[tilespmem:s19+$0xB470] =	vst v0;
	s26 =	sor.u32 $0x3800, s20  }
0x84: {  	s28 =	sor.u32 $0x3810, s20;
	[tilespmem:s26+$0x8000] =	vst v0  }
0x85: {  	s29 =	sor.u32 $0x3820, s20;
	[tilespmem:s28+$0x8000] =	vst v0  }
0x86: {  	s30 =	sor.u32 $0x3830, s20;
	[tilespmem:s29+$0x8000] =	vst v0  }
0x87: {  	s31 =	sor.u32 $0x3840, s20;
	[tilespmem:s30+$0x8000] =	vst v0  }
0x88: {  	s21 =	sor.u32 $0x3850, s20;
	[tilespmem:s31+$0x8000] =	vst v0  }
0x89: {  	s22 =	sor.u32 $0x3860, s20;
	[tilespmem:s21+$0x8000] =	vst v0  }
0x8a: {  	s23 =	sor.u32 $0x3870, s20;
	[tilespmem:s22+$0x8000] =	vst v0  }
0x8b: {  	s24 =	sor.u32 $0x3C00, s20;
	[tilespmem:s23+$0x8000] =	vst v0  }
0x8c: {  	s25 =	sor.u32 $0x3C10, s20;
	[tilespmem:s24+$0x8000] =	vst v0  }
0x8d: {  	s26 =	sor.u32 $0x3C20, s20;
	[tilespmem:s25+$0x8000] =	vst v0  }
0x8e: {  	p0 =	sne.s32 s18, $0x780;
	s28 =	sor.u32 $0x3C30, s20;
	[tilespmem:s26+$0x8000] =	vst v0  }
.Ltmp0:
0x8f: {  	s29 =	sor.u32 $0x3C40, s20;
	[tilespmem:s28+$0x8000] =	vst v0;
	(pc) =	sbr.rel @p0 .LBB2_2-.Ltmp0, $4  }
0x90: {  	s30 =	sor.u32 $0x3C50, s20;
	[tilespmem:s29+$0x8000] =	vst v0  }
0x91: {  	s31 =	sor.u32 $0x3C60, s20;
	[tilespmem:s30+$0x8000] =	vst v0  }
0x92: {  	s16 =	sadd.s32 $0x1, s16;
	s15 =	sadd.s32 $0x800, s15;
	s20 =	sor.u32 $0x3C70, s20;
	[tilespmem:s31+$0x8000] =	vst v0  }
0x93: {  	s18 =	sadd.s32 $0x80, s18;
	s17 =	sadd.s32 $0x800, s17;
	s19 =	simm.s32 $0x0;
	[tilespmem:s20+$0x8000] =	vst v0  }
.LBB2_3:
0x94: {  	v2 =	vmov s19;
	s15 =	sshll.u32 s19, $0x7  }
0x95: {  	s17 =	sand.u32 $0x380, s15;
	v3 =	vshll.u32 v2, $0xB;
	v4 =	vshll.u32 v2, $0x7  }
0x96: {  	s16 =	sshll.u32 s19, $0x9;
	v2 =	vand.u32 $0x4000, v3;
	v3 =	vand.u32 $0x380, v4;
	v4 =	vmov s17  }
0x97: {  	s15 =	sand.u32 $0x1000, s16;
	s16 =	simm.s32 $0x0;
	s17 =	simm.s32 $0x0  }
.LBB2_4:
0x98: {  	s18 =	sand.u32 $0xC00, s16  }
0x99: {  	s20 =	sand.u32 $0x40, s17;
	s18 =	sadd.s32 s18, s15  }
0x9a: {  	s18 =	sadd.s32 s20, s18  }
0x9b: {  	v5 =	vld.idx.msk [tilespmem:v4+s18+$0x0 ss:$0x1], $0xffff;
	_ =	sdelay $0x4  }
0x9c: {  	v6 =	vshll.u32 v5, $0x3  }
0x9d: {  	v6 =	vand.u32 $0xFFFFFC00, v6  }
0x9e: {  	v5 =	vand.u32 $0x7F, v5;
	v6 =	vadd.s32 v2, v6  }
0x9f: {  	v5 =	vor.u32 v5, v6  }
0xa0: {  	v5 =	vor.u32 v3, v5;
	_ =	sdelay $0x4  }
0xa1: {  	[tilespmem:v5+s10+$0x0] =	vst.idx.add.f32.msk $0xffff, v1  }
0xa2: {  	v5 =	vld.idx.msk [tilespmem:v4+s18+$0x10 ss:$0x1], $0xffff;
	_ =	sdelay $0x4  }
0xa3: {  	v6 =	vshll.u32 v5, $0x3  }
0xa4: {  	v6 =	vand.u32 $0xFFFFFC00, v6  }
0xa5: {  	v5 =	vand.u32 $0x7F, v5;
	v6 =	vadd.s32 v2, v6  }
0xa6: {  	v5 =	vor.u32 v5, v6  }
0xa7: {  	v5 =	vor.u32 v3, v5;
	_ =	sdelay $0x4  }
0xa8: {  	[tilespmem:v5+s10+$0x0] =	vst.idx.add.f32.msk $0xffff, v1  }
0xa9: {  	v5 =	vld.idx.msk [tilespmem:v4+s18+$0x20 ss:$0x1], $0xffff;
	_ =	sdelay $0x4  }
0xaa: {  	v6 =	vshll.u32 v5, $0x3  }
0xab: {  	v6 =	vand.u32 $0xFFFFFC00, v6  }
0xac: {  	v5 =	vand.u32 $0x7F, v5;
	v6 =	vadd.s32 v2, v6  }
0xad: {  	v5 =	vor.u32 v5, v6  }
0xae: {  	v5 =	vor.u32 v3, v5;
	_ =	sdelay $0x4  }
0xaf: {  	[tilespmem:v5+s10+$0x0] =	vst.idx.add.f32.msk $0xffff, v1  }
0xb0: {  	v5 =	vld.idx.msk [tilespmem:v4+s18+$0x30 ss:$0x1], $0xffff;
	_ =	sdelay $0x4  }
0xb1: {  	v6 =	vshll.u32 v5, $0x3  }
0xb2: {  	v6 =	vand.u32 $0xFFFFFC00, v6  }
0xb3: {  	v5 =	vand.u32 $0x7F, v5;
	v6 =	vadd.s32 v2, v6  }
0xb4: {  	v5 =	vor.u32 v5, v6  }
0xb5: {  	p0 =	sne.s32 s17, $0x1C0;
	v5 =	vor.u32 v3, v5  }
.Ltmp1:
0xb6: {  	_ = 	snop;
	(pc) =	sbr.rel @p0 .LBB2_4-.Ltmp1, $2  }
0xb7: {  	_ =	sdelay $0x2  }
0xb8: {  	s16 =	sadd.s32 $0x200, s16;
	s17 =	sadd.s32 $0x40, s17;
	[tilespmem:v5+s10+$0x0] =	vst.idx.add.f32.msk $0xffff, v1  }
0xb9: {  	s19 =	sadd.s32 $0x1, s19  }
0xba: {  	p0 =	sne.s32 s19, $0x10  }
.Ltmp2:
0xbb: {  	_ = 	snop;
	(pc) =	sbr.rel @p0 .LBB2_3-.Ltmp2, $1  }
0xbc: {  	_ =	sdelay $0x3  }
0xbd: {  	s15 =	simm.s32 $0x0;
	s16 =	simm.s32 $0xFFFF8000  }
0xbe: {  	s17 =	simm.s32 $0x0;
	s18 =	simm.s32 $0x0;
	s19 =	simm.s32 $0x0  }
0xbf: {  	[hbm4b:s4+s15] =	stream.linear.scatter [tilespmem:s10], [sflag:$0x1], $0x8000, $0x38;
	[tilespmem:$0x18000] =	vst v63  }
.LBB2_7:
0xc0: {  	s20 =	sadd.s32 $0x8000, s16  }
0xc1: {  	s21 =	sand.u32 $0x380, s19;
	s20 =	sand.u32 $0x4000, s20  }
0xc2: {  	s20 =	sor.u32 s21, s20  }
0xc3: {  	[tilespmem:s20+$0x10000] =	vst v0  }
0xc4: {  	[tilespmem:s20+$0x10010] =	vst v0  }
0xc5: {  	[tilespmem:s20+$0x10020] =	vst v0  }
0xc6: {  	[tilespmem:s20+$0x10030] =	vst v0  }
0xc7: {  	[tilespmem:s20+$0x10040] =	vst v0  }
0xc8: {  	[tilespmem:s20+$0x10050] =	vst v0  }
0xc9: {  	[tilespmem:s20+$0x10060] =	vst v0  }
0xca: {  	[tilespmem:s20+$0x10070] =	vst v0  }
0xcb: {  	[tilespmem:s20+$0x10400] =	vst v0  }
0xcc: {  	[tilespmem:s20+$0x10410] =	vst v0  }
0xcd: {  	[tilespmem:s20+$0x10420] =	vst v0  }
0xce: {  	[tilespmem:s20+$0x10430] =	vst v0  }
0xcf: {  	[tilespmem:s20+$0x10440] =	vst v0  }
0xd0: {  	[tilespmem:s20+$0x10450] =	vst v0  }
0xd1: {  	[tilespmem:s20+$0x10460] =	vst v0  }
0xd2: {  	[tilespmem:s20+$0x10470] =	vst v0  }
0xd3: {  	[tilespmem:s20+$0x10800] =	vst v0  }
0xd4: {  	[tilespmem:s20+$0x10810] =	vst v0  }
0xd5: {  	[tilespmem:s20+$0x10820] =	vst v0  }
0xd6: {  	[tilespmem:s20+$0x10830] =	vst v0  }
0xd7: {  	[tilespmem:s20+$0x10840] =	vst v0  }
0xd8: {  	[tilespmem:s20+$0x10850] =	vst v0  }
0xd9: {  	[tilespmem:s20+$0x10860] =	vst v0  }
0xda: {  	[tilespmem:s20+$0x10870] =	vst v0  }
0xdb: {  	[tilespmem:s20+$0x10C00] =	vst v0  }
0xdc: {  	[tilespmem:s20+$0x10C10] =	vst v0  }
0xdd: {  	[tilespmem:s20+$0x10C20] =	vst v0  }
0xde: {  	[tilespmem:s20+$0x10C30] =	vst v0  }
0xdf: {  	[tilespmem:s20+$0x10C40] =	vst v0  }
0xe0: {  	[tilespmem:s20+$0x10C50] =	vst v0  }
0xe1: {  	[tilespmem:s20+$0x10C60] =	vst v0  }
0xe2: {  	[tilespmem:s20+$0x10C70] =	vst v0  }
0xe3: {  	[tilespmem:s20+$0x11000] =	vst v0  }
0xe4: {  	[tilespmem:s20+$0x11010] =	vst v0  }
0xe5: {  	[tilespmem:s20+$0x11020] =	vst v0  }
0xe6: {  	[tilespmem:s20+$0x11030] =	vst v0  }
0xe7: {  	[tilespmem:s20+$0x11040] =	vst v0  }
0xe8: {  	[tilespmem:s20+$0x11050] =	vst v0  }
0xe9: {  	[tilespmem:s20+$0x11060] =	vst v0  }
0xea: {  	[tilespmem:s20+$0x11070] =	vst v0  }
0xeb: {  	[tilespmem:s20+$0x11400] =	vst v0  }
0xec: {  	[tilespmem:s20+$0x11410] =	vst v0  }
0xed: {  	[tilespmem:s20+$0x11420] =	vst v0  }
0xee: {  	[tilespmem:s20+$0x11430] =	vst v0  }
0xef: {  	[tilespmem:s20+$0x11440] =	vst v0  }
0xf0: {  	[tilespmem:s20+$0x11450] =	vst v0  }
0xf1: {  	[tilespmem:s20+$0x11460] =	vst v0  }
0xf2: {  	[tilespmem:s20+$0x11470] =	vst v0  }
0xf3: {  	[tilespmem:s20+$0x11800] =	vst v0  }
0xf4: {  	[tilespmem:s20+$0x11810] =	vst v0  }
0xf5: {  	[tilespmem:s20+$0x11820] =	vst v0  }
0xf6: {  	[tilespmem:s20+$0x11830] =	vst v0  }
0xf7: {  	[tilespmem:s20+$0x11840] =	vst v0  }
0xf8: {  	[tilespmem:s20+$0x11850] =	vst v0  }
0xf9: {  	[tilespmem:s20+$0x11860] =	vst v0  }
0xfa: {  	[tilespmem:s20+$0x11870] =	vst v0  }
0xfb: {  	[tilespmem:s20+$0x11C00] =	vst v0  }
0xfc: {  	[tilespmem:s20+$0x11C10] =	vst v0  }
0xfd: {  	[tilespmem:s20+$0x11C20] =	vst v0  }
0xfe: {  	[tilespmem:s20+$0x11C30] =	vst v0  }
0xff: {  	[tilespmem:s20+$0x11C40] =	vst v0  }
0x100: {  	[tilespmem:s20+$0x11C50] =	vst v0  }
0x101: {  	[tilespmem:s20+$0x11C60] =	vst v0  }
0x102: {  	[tilespmem:s20+$0x11C70] =	vst v0  }
0x103: {  	[tilespmem:s20+$0x12000] =	vst v0  }
0x104: {  	[tilespmem:s20+$0x12010] =	vst v0  }
0x105: {  	[tilespmem:s20+$0x12020] =	vst v0  }
0x106: {  	[tilespmem:s20+$0x12030] =	vst v0  }
0x107: {  	[tilespmem:s20+$0x12040] =	vst v0  }
0x108: {  	[tilespmem:s20+$0x12050] =	vst v0  }
0x109: {  	[tilespmem:s20+$0x12060] =	vst v0  }
0x10a: {  	[tilespmem:s20+$0x12070] =	vst v0  }
0x10b: {  	[tilespmem:s20+$0x12400] =	vst v0  }
0x10c: {  	[tilespmem:s20+$0x12410] =	vst v0  }
0x10d: {  	[tilespmem:s20+$0x12420] =	vst v0  }
0x10e: {  	[tilespmem:s20+$0x12430] =	vst v0  }
0x10f: {  	[tilespmem:s20+$0x12440] =	vst v0  }
0x110: {  	[tilespmem:s20+$0x12450] =	vst v0  }
0x111: {  	[tilespmem:s20+$0x12460] =	vst v0  }
0x112: {  	[tilespmem:s20+$0x12470] =	vst v0  }
0x113: {  	[tilespmem:s20+$0x12800] =	vst v0  }
0x114: {  	[tilespmem:s20+$0x12810] =	vst v0  }
0x115: {  	[tilespmem:s20+$0x12820] =	vst v0  }
0x116: {  	[tilespmem:s20+$0x12830] =	vst v0  }
0x117: {  	[tilespmem:s20+$0x12840] =	vst v0  }
0x118: {  	[tilespmem:s20+$0x12850] =	vst v0  }
0x119: {  	[tilespmem:s20+$0x12860] =	vst v0  }
0x11a: {  	[tilespmem:s20+$0x12870] =	vst v0  }
0x11b: {  	[tilespmem:s20+$0x12C00] =	vst v0  }
0x11c: {  	[tilespmem:s20+$0x12C10] =	vst v0  }
0x11d: {  	[tilespmem:s20+$0x12C20] =	vst v0  }
0x11e: {  	[tilespmem:s20+$0x12C30] =	vst v0  }
0x11f: {  	[tilespmem:s20+$0x12C40] =	vst v0  }
0x120: {  	[tilespmem:s20+$0x12C50] =	vst v0  }
0x121: {  	[tilespmem:s20+$0x12C60] =	vst v0  }
0x122: {  	[tilespmem:s20+$0x12C70] =	vst v0  }
0x123: {  	[tilespmem:s20+$0x13000] =	vst v0  }
0x124: {  	[tilespmem:s20+$0x13010] =	vst v0  }
0x125: {  	[tilespmem:s20+$0x13020] =	vst v0  }
0x126: {  	[tilespmem:s20+$0x13030] =	vst v0  }
0x127: {  	[tilespmem:s20+$0x13040] =	vst v0  }
0x128: {  	[tilespmem:s20+$0x13050] =	vst v0  }
0x129: {  	[tilespmem:s20+$0x13060] =	vst v0  }
0x12a: {  	[tilespmem:s20+$0x13070] =	vst v0  }
0x12b: {  	[tilespmem:s20+$0x13400] =	vst v0  }
0x12c: {  	[tilespmem:s20+$0x13410] =	vst v0  }
0x12d: {  	[tilespmem:s20+$0x13420] =	vst v0  }
0x12e: {  	[tilespmem:s20+$0x13430] =	vst v0  }
0x12f: {  	s23 =	sand.u32 $0x7, s17;
	[tilespmem:s20+$0x13440] =	vst v0  }
0x130: {  	s21 =	sshll.u32 s23, $0x7;
	[tilespmem:s20+$0x13450] =	vst v0  }
0x131: {  	s21 =	sadd.s32 s21, s18;
	[tilespmem:s20+$0x13460] =	vst v0  }
0x132: {  	[tilespmem:s20+$0x13470] =	vst v0;
	s24 =	sor.u32 $0x3800, s21  }
0x133: {  	s25 =	sor.u32 $0x3810, s21;
	[tilespmem:s24+$0x10000] =	vst v0  }
0x134: {  	s26 =	sor.u32 $0x3820, s21;
	[tilespmem:s25+$0x10000] =	vst v0  }
0x135: {  	s28 =	sor.u32 $0x3830, s21;
	[tilespmem:s26+$0x10000] =	vst v0  }
0x136: {  	s29 =	sor.u32 $0x3840, s21;
	[tilespmem:s28+$0x10000] =	vst v0  }
0x137: {  	s30 =	sor.u32 $0x3850, s21;
	[tilespmem:s29+$0x10000] =	vst v0  }
0x138: {  	s31 =	sor.u32 $0x3860, s21;
	[tilespmem:s30+$0x10000] =	vst v0  }
0x139: {  	s22 =	sor.u32 $0x3870, s21;
	[tilespmem:s31+$0x10000] =	vst v0  }
0x13a: {  	s23 =	sor.u32 $0x3C00, s21;
	[tilespmem:s22+$0x10000] =	vst v0  }
0x13b: {  	s24 =	sor.u32 $0x3C10, s21;
	[tilespmem:s23+$0x10000] =	vst v0  }
0x13c: {  	s25 =	sor.u32 $0x3C20, s21;
	[tilespmem:s24+$0x10000] =	vst v0  }
0x13d: {  	p0 =	sne.s32 s19, $0x780;
	s26 =	sor.u32 $0x3C30, s21;
	[tilespmem:s25+$0x10000] =	vst v0  }
.Ltmp3:
0x13e: {  	s28 =	sor.u32 $0x3C40, s21;
	[tilespmem:s26+$0x10000] =	vst v0;
	(pc) =	sbr.rel @p0 .LBB2_7-.Ltmp3, $4  }
0x13f: {  	s29 =	sor.u32 $0x3C50, s21;
	[tilespmem:s28+$0x10000] =	vst v0  }
0x140: {  	s30 =	sor.u32 $0x3C60, s21;
	[tilespmem:s29+$0x10000] =	vst v0  }
0x141: {  	s17 =	sadd.s32 $0x1, s17;
	s31 =	sor.u32 $0x3C70, s21;
	[tilespmem:s30+$0x10000] =	vst v0  }
0x142: {  	s16 =	sadd.s32 $0x800, s16;
	s19 =	sadd.s32 $0x80, s19;
	s18 =	sadd.s32 $0x800, s18;
	[tilespmem:s31+$0x10000] =	vst v0  }
.LBB2_8:
0x143: {  	v2 =	vmov s15;
	s17 =	sshll.u32 s15, $0x7  }
0x144: {  	s16 =	sshll.u32 s15, $0x9;
	s18 =	sand.u32 $0x380, s17;
	v3 =	vshll.u32 v2, $0xB;
	v4 =	vshll.u32 v2, $0x7  }
0x145: {  	s16 =	sand.u32 $0x1000, s16;
	v2 =	vand.u32 $0x4000, v3;
	v3 =	vand.u32 $0x380, v4;
	v4 =	vmov s18  }
0x146: {  	s17 =	simm.s32 $0x0;
	s16 =	sor.u32 $0x2000, s16;
	s18 =	simm.s32 $0x0  }
.LBB2_9:
0x147: {  	s19 =	sand.u32 $0xC00, s17  }
0x148: {  	s20 =	sand.u32 $0x40, s18;
	s19 =	sadd.s32 s19, s16  }
0x149: {  	s19 =	sadd.s32 s20, s19  }
0x14a: {  	v5 =	vld.idx.msk [tilespmem:v4+s19+$0x0 ss:$0x1], $0xffff;
	_ =	sdelay $0x4  }
0x14b: {  	v6 =	vshll.u32 v5, $0x3  }
0x14c: {  	v6 =	vand.u32 $0xFFFFFC00, v6  }
0x14d: {  	v5 =	vand.u32 $0x7F, v5;
	v6 =	vadd.s32 v2, v6  }
0x14e: {  	v5 =	vor.u32 v5, v6  }
0x14f: {  	v5 =	vor.u32 v3, v5;
	_ =	sdelay $0x4  }
0x150: {  	[tilespmem:v5+s11+$0x0] =	vst.idx.add.f32.msk $0xffff, v1  }
0x151: {  	v5 =	vld.idx.msk [tilespmem:v4+s19+$0x10 ss:$0x1], $0xffff;
	_ =	sdelay $0x4  }
0x152: {  	v6 =	vshll.u32 v5, $0x3  }
0x153: {  	v6 =	vand.u32 $0xFFFFFC00, v6  }
0x154: {  	v5 =	vand.u32 $0x7F, v5;
	v6 =	vadd.s32 v2, v6  }
0x155: {  	v5 =	vor.u32 v5, v6  }
0x156: {  	v5 =	vor.u32 v3, v5;
	_ =	sdelay $0x4  }
0x157: {  	[tilespmem:v5+s11+$0x0] =	vst.idx.add.f32.msk $0xffff, v1  }
0x158: {  	v5 =	vld.idx.msk [tilespmem:v4+s19+$0x20 ss:$0x1], $0xffff;
	_ =	sdelay $0x4  }
0x159: {  	v6 =	vshll.u32 v5, $0x3  }
0x15a: {  	v6 =	vand.u32 $0xFFFFFC00, v6  }
0x15b: {  	v5 =	vand.u32 $0x7F, v5;
	v6 =	vadd.s32 v2, v6  }
0x15c: {  	v5 =	vor.u32 v5, v6  }
0x15d: {  	v5 =	vor.u32 v3, v5;
	_ =	sdelay $0x4  }
0x15e: {  	[tilespmem:v5+s11+$0x0] =	vst.idx.add.f32.msk $0xffff, v1  }
0x15f: {  	v5 =	vld.idx.msk [tilespmem:v4+s19+$0x30 ss:$0x1], $0xffff;
	_ =	sdelay $0x4  }
0x160: {  	v6 =	vshll.u32 v5, $0x3  }
0x161: {  	v6 =	vand.u32 $0xFFFFFC00, v6  }
0x162: {  	v5 =	vand.u32 $0x7F, v5;
	v6 =	vadd.s32 v2, v6  }
0x163: {  	v5 =	vor.u32 v5, v6  }
0x164: {  	p0 =	sne.s32 s18, $0x1C0;
	v5 =	vor.u32 v3, v5  }
.Ltmp4:
0x165: {  	_ = 	snop;
	(pc) =	sbr.rel @p0 .LBB2_9-.Ltmp4, $2  }
0x166: {  	_ =	sdelay $0x2  }
0x167: {  	s17 =	sadd.s32 $0x200, s17;
	s18 =	sadd.s32 $0x40, s18;
	[tilespmem:v5+s11+$0x0] =	vst.idx.add.f32.msk $0xffff, v1  }
0x168: {  	s15 =	sadd.s32 $0x1, s15  }
0x169: {  	p0 =	sne.s32 s15, $0x10  }
.Ltmp5:
0x16a: {  	_ = 	snop;
	(pc) =	sbr.rel @p0 .LBB2_8-.Ltmp5, $1  }
0x16b: {  	_ =	sdelay $0x3  }
0x16c: {  	s15 =	simm.s32 $0x0  }
0x16d: {  	[hbm4b:s5+s15] =	stream.linear.scatter [tilespmem:s11], [sflag:$0x2], $0x8000, $0x38;
	[tilespmem:$0x18000] =	vst v63  }
0x16e: {  	_ =	swait.ge [sflag:s12], $0x8000  }
0x16f: {  	s16 =	simm.s32 $0xFFFF8000;
	s17 =	simm.s32 $0x0;
	[sflag:s12] =	ssyncset.done $0x0  }
0x170: {  	s18 =	simm.s32 $0x0;
	s19 =	simm.s32 $0x0;
	[sflag:s12] =	ssyncadd.s32 $0xFFFF8000  }
.LBB2_12:
0x171: {  	s20 =	sadd.s32 $0x8000, s16  }
0x172: {  	s21 =	sand.u32 $0x380, s19;
	s20 =	sand.u32 $0x4000, s20  }
0x173: {  	s20 =	sor.u32 s21, s20  }
0x174: {  	[tilespmem:s20+$0x8000] =	vst v0  }
0x175: {  	[tilespmem:s20+$0x8010] =	vst v0  }
0x176: {  	[tilespmem:s20+$0x8020] =	vst v0  }
0x177: {  	[tilespmem:s20+$0x8030] =	vst v0  }
0x178: {  	[tilespmem:s20+$0x8040] =	vst v0  }
0x179: {  	[tilespmem:s20+$0x8050] =	vst v0  }
0x17a: {  	[tilespmem:s20+$0x8060] =	vst v0  }
0x17b: {  	[tilespmem:s20+$0x8070] =	vst v0  }
0x17c: {  	[tilespmem:s20+$0x8400] =	vst v0  }
0x17d: {  	[tilespmem:s20+$0x8410] =	vst v0  }
0x17e: {  	[tilespmem:s20+$0x8420] =	vst v0  }
0x17f: {  	[tilespmem:s20+$0x8430] =	vst v0  }
0x180: {  	[tilespmem:s20+$0x8440] =	vst v0  }
0x181: {  	[tilespmem:s20+$0x8450] =	vst v0  }
0x182: {  	[tilespmem:s20+$0x8460] =	vst v0  }
0x183: {  	[tilespmem:s20+$0x8470] =	vst v0  }
0x184: {  	[tilespmem:s20+$0x8800] =	vst v0  }
0x185: {  	[tilespmem:s20+$0x8810] =	vst v0  }
0x186: {  	[tilespmem:s20+$0x8820] =	vst v0  }
0x187: {  	[tilespmem:s20+$0x8830] =	vst v0  }
0x188: {  	[tilespmem:s20+$0x8840] =	vst v0  }
0x189: {  	[tilespmem:s20+$0x8850] =	vst v0  }
0x18a: {  	[tilespmem:s20+$0x8860] =	vst v0  }
0x18b: {  	[tilespmem:s20+$0x8870] =	vst v0  }
0x18c: {  	[tilespmem:s20+$0x8C00] =	vst v0  }
0x18d: {  	[tilespmem:s20+$0x8C10] =	vst v0  }
0x18e: {  	[tilespmem:s20+$0x8C20] =	vst v0  }
0x18f: {  	[tilespmem:s20+$0x8C30] =	vst v0  }
0x190: {  	[tilespmem:s20+$0x8C40] =	vst v0  }
0x191: {  	[tilespmem:s20+$0x8C50] =	vst v0  }
0x192: {  	[tilespmem:s20+$0x8C60] =	vst v0  }
0x193: {  	[tilespmem:s20+$0x8C70] =	vst v0  }
0x194: {  	[tilespmem:s20+$0x9000] =	vst v0  }
0x195: {  	[tilespmem:s20+$0x9010] =	vst v0  }
0x196: {  	[tilespmem:s20+$0x9020] =	vst v0  }
0x197: {  	[tilespmem:s20+$0x9030] =	vst v0  }
0x198: {  	[tilespmem:s20+$0x9040] =	vst v0  }
0x199: {  	[tilespmem:s20+$0x9050] =	vst v0  }
0x19a: {  	[tilespmem:s20+$0x9060] =	vst v0  }
0x19b: {  	[tilespmem:s20+$0x9070] =	vst v0  }
0x19c: {  	[tilespmem:s20+$0x9400] =	vst v0  }
0x19d: {  	[tilespmem:s20+$0x9410] =	vst v0  }
0x19e: {  	[tilespmem:s20+$0x9420] =	vst v0  }
0x19f: {  	[tilespmem:s20+$0x9430] =	vst v0  }
0x1a0: {  	[tilespmem:s20+$0x9440] =	vst v0  }
0x1a1: {  	[tilespmem:s20+$0x9450] =	vst v0  }
0x1a2: {  	[tilespmem:s20+$0x9460] =	vst v0  }
0x1a3: {  	[tilespmem:s20+$0x9470] =	vst v0  }
0x1a4: {  	[tilespmem:s20+$0x9800] =	vst v0  }
0x1a5: {  	[tilespmem:s20+$0x9810] =	vst v0  }
0x1a6: {  	[tilespmem:s20+$0x9820] =	vst v0  }
0x1a7: {  	[tilespmem:s20+$0x9830] =	vst v0  }
0x1a8: {  	[tilespmem:s20+$0x9840] =	vst v0  }
0x1a9: {  	[tilespmem:s20+$0x9850] =	vst v0  }
0x1aa: {  	[tilespmem:s20+$0x9860] =	vst v0  }
0x1ab: {  	[tilespmem:s20+$0x9870] =	vst v0  }
0x1ac: {  	[tilespmem:s20+$0x9C00] =	vst v0  }
0x1ad: {  	[tilespmem:s20+$0x9C10] =	vst v0  }
0x1ae: {  	[tilespmem:s20+$0x9C20] =	vst v0  }
0x1af: {  	[tilespmem:s20+$0x9C30] =	vst v0  }
0x1b0: {  	[tilespmem:s20+$0x9C40] =	vst v0  }
0x1b1: {  	[tilespmem:s20+$0x9C50] =	vst v0  }
0x1b2: {  	[tilespmem:s20+$0x9C60] =	vst v0  }
0x1b3: {  	[tilespmem:s20+$0x9C70] =	vst v0  }
0x1b4: {  	[tilespmem:s20+$0xA000] =	vst v0  }
0x1b5: {  	[tilespmem:s20+$0xA010] =	vst v0  }
0x1b6: {  	[tilespmem:s20+$0xA020] =	vst v0  }
0x1b7: {  	[tilespmem:s20+$0xA030] =	vst v0  }
0x1b8: {  	[tilespmem:s20+$0xA040] =	vst v0  }
0x1b9: {  	[tilespmem:s20+$0xA050] =	vst v0  }
0x1ba: {  	[tilespmem:s20+$0xA060] =	vst v0  }
0x1bb: {  	[tilespmem:s20+$0xA070] =	vst v0  }
0x1bc: {  	[tilespmem:s20+$0xA400] =	vst v0  }
0x1bd: {  	[tilespmem:s20+$0xA410] =	vst v0  }
0x1be: {  	[tilespmem:s20+$0xA420] =	vst v0  }
0x1bf: {  	[tilespmem:s20+$0xA430] =	vst v0  }
0x1c0: {  	[tilespmem:s20+$0xA440] =	vst v0  }
0x1c1: {  	[tilespmem:s20+$0xA450] =	vst v0  }
0x1c2: {  	[tilespmem:s20+$0xA460] =	vst v0  }
0x1c3: {  	[tilespmem:s20+$0xA470] =	vst v0  }
0x1c4: {  	[tilespmem:s20+$0xA800] =	vst v0  }
0x1c5: {  	[tilespmem:s20+$0xA810] =	vst v0  }
0x1c6: {  	[tilespmem:s20+$0xA820] =	vst v0  }
0x1c7: {  	[tilespmem:s20+$0xA830] =	vst v0  }
0x1c8: {  	[tilespmem:s20+$0xA840] =	vst v0  }
0x1c9: {  	[tilespmem:s20+$0xA850] =	vst v0  }
0x1ca: {  	[tilespmem:s20+$0xA860] =	vst v0  }
0x1cb: {  	[tilespmem:s20+$0xA870] =	vst v0  }
0x1cc: {  	[tilespmem:s20+$0xAC00] =	vst v0  }
0x1cd: {  	[tilespmem:s20+$0xAC10] =	vst v0  }
0x1ce: {  	[tilespmem:s20+$0xAC20] =	vst v0  }
0x1cf: {  	[tilespmem:s20+$0xAC30] =	vst v0  }
0x1d0: {  	[tilespmem:s20+$0xAC40] =	vst v0  }
0x1d1: {  	[tilespmem:s20+$0xAC50] =	vst v0  }
0x1d2: {  	[tilespmem:s20+$0xAC60] =	vst v0  }
0x1d3: {  	[tilespmem:s20+$0xAC70] =	vst v0  }
0x1d4: {  	[tilespmem:s20+$0xB000] =	vst v0  }
0x1d5: {  	[tilespmem:s20+$0xB010] =	vst v0  }
0x1d6: {  	[tilespmem:s20+$0xB020] =	vst v0  }
0x1d7: {  	[tilespmem:s20+$0xB030] =	vst v0  }
0x1d8: {  	[tilespmem:s20+$0xB040] =	vst v0  }
0x1d9: {  	[tilespmem:s20+$0xB050] =	vst v0  }
0x1da: {  	[tilespmem:s20+$0xB060] =	vst v0  }
0x1db: {  	[tilespmem:s20+$0xB070] =	vst v0  }
0x1dc: {  	[tilespmem:s20+$0xB400] =	vst v0  }
0x1dd: {  	[tilespmem:s20+$0xB410] =	vst v0  }
0x1de: {  	[tilespmem:s20+$0xB420] =	vst v0  }
0x1df: {  	[tilespmem:s20+$0xB430] =	vst v0  }
0x1e0: {  	s23 =	sand.u32 $0x7, s17;
	[tilespmem:s20+$0xB440] =	vst v0  }
0x1e1: {  	s21 =	sshll.u32 s23, $0x7;
	[tilespmem:s20+$0xB450] =	vst v0  }
0x1e2: {  	s21 =	sadd.s32 s21, s18;
	[tilespmem:s20+$0xB460] =	vst v0  }
0x1e3: {  	[tilespmem:s20+$0xB470] =	vst v0;
	s24 =	sor.u32 $0x3800, s21  }
0x1e4: {  	s25 =	sor.u32 $0x3810, s21;
	[tilespmem:s24+$0x8000] =	vst v0  }
0x1e5: {  	s26 =	sor.u32 $0x3820, s21;
	[tilespmem:s25+$0x8000] =	vst v0  }
0x1e6: {  	s28 =	sor.u32 $0x3830, s21;
	[tilespmem:s26+$0x8000] =	vst v0  }
0x1e7: {  	s29 =	sor.u32 $0x3840, s21;
	[tilespmem:s28+$0x8000] =	vst v0  }
0x1e8: {  	s30 =	sor.u32 $0x3850, s21;
	[tilespmem:s29+$0x8000] =	vst v0  }
0x1e9: {  	s31 =	sor.u32 $0x3860, s21;
	[tilespmem:s30+$0x8000] =	vst v0  }
0x1ea: {  	s22 =	sor.u32 $0x3870, s21;
	[tilespmem:s31+$0x8000] =	vst v0  }
0x1eb: {  	s23 =	sor.u32 $0x3C00, s21;
	[tilespmem:s22+$0x8000] =	vst v0  }
0x1ec: {  	s24 =	sor.u32 $0x3C10, s21;
	[tilespmem:s23+$0x8000] =	vst v0  }
0x1ed: {  	s25 =	sor.u32 $0x3C20, s21;
	[tilespmem:s24+$0x8000] =	vst v0  }
0x1ee: {  	p0 =	sne.s32 s19, $0x780;
	s26 =	sor.u32 $0x3C30, s21;
	[tilespmem:s25+$0x8000] =	vst v0  }
.Ltmp6:
0x1ef: {  	s28 =	sor.u32 $0x3C40, s21;
	[tilespmem:s26+$0x8000] =	vst v0;
	(pc) =	sbr.rel @p0 .LBB2_12-.Ltmp6, $4  }
0x1f0: {  	s29 =	sor.u32 $0x3C50, s21;
	[tilespmem:s28+$0x8000] =	vst v0  }
0x1f1: {  	s30 =	sor.u32 $0x3C60, s21;
	[tilespmem:s29+$0x8000] =	vst v0  }
0x1f2: {  	s17 =	sadd.s32 $0x1, s17;
	s31 =	sor.u32 $0x3C70, s21;
	[tilespmem:s30+$0x8000] =	vst v0  }
0x1f3: {  	s16 =	sadd.s32 $0x800, s16;
	s19 =	sadd.s32 $0x80, s19;
	s18 =	sadd.s32 $0x800, s18;
	[tilespmem:s31+$0x8000] =	vst v0  }
.LBB2_13:
0x1f4: {  	v2 =	vmov s15;
	s17 =	sshll.u32 s15, $0x7  }
0x1f5: {  	s16 =	sshll.u32 s15, $0x9;
	s18 =	sand.u32 $0x380, s17;
	v3 =	vshll.u32 v2, $0xB;
	v4 =	vshll.u32 v2, $0x7  }
0x1f6: {  	s16 =	sand.u32 $0x1000, s16;
	v2 =	vand.u32 $0x4000, v3;
	v3 =	vand.u32 $0x380, v4;
	v4 =	vmov s18  }
0x1f7: {  	s17 =	simm.s32 $0x0;
	s16 =	sor.u32 $0x4000, s16;
	s18 =	simm.s32 $0x0  }
.LBB2_14:
0x1f8: {  	s19 =	sand.u32 $0xC00, s17  }
0x1f9: {  	s20 =	sand.u32 $0x40, s18;
	s19 =	sadd.s32 s19, s16  }
0x1fa: {  	s19 =	sadd.s32 s20, s19  }
0x1fb: {  	v5 =	vld.idx.msk [tilespmem:v4+s19+$0x0 ss:$0x1], $0xffff;
	_ =	sdelay $0x4  }
0x1fc: {  	v6 =	vshll.u32 v5, $0x3  }
0x1fd: {  	v6 =	vand.u32 $0xFFFFFC00, v6  }
0x1fe: {  	v5 =	vand.u32 $0x7F, v5;
	v6 =	vadd.s32 v2, v6  }
0x1ff: {  	v5 =	vor.u32 v5, v6  }
0x200: {  	v5 =	vor.u32 v3, v5;
	_ =	sdelay $0x4  }
0x201: {  	[tilespmem:v5+s10+$0x0] =	vst.idx.add.f32.msk $0xffff, v1  }
0x202: {  	v5 =	vld.idx.msk [tilespmem:v4+s19+$0x10 ss:$0x1], $0xffff;
	_ =	sdelay $0x4  }
0x203: {  	v6 =	vshll.u32 v5, $0x3  }
0x204: {  	v6 =	vand.u32 $0xFFFFFC00, v6  }
0x205: {  	v5 =	vand.u32 $0x7F, v5;
	v6 =	vadd.s32 v2, v6  }
0x206: {  	v5 =	vor.u32 v5, v6  }
0x207: {  	v5 =	vor.u32 v3, v5;
	_ =	sdelay $0x4  }
0x208: {  	[tilespmem:v5+s10+$0x0] =	vst.idx.add.f32.msk $0xffff, v1  }
0x209: {  	v5 =	vld.idx.msk [tilespmem:v4+s19+$0x20 ss:$0x1], $0xffff;
	_ =	sdelay $0x4  }
0x20a: {  	v6 =	vshll.u32 v5, $0x3  }
0x20b: {  	v6 =	vand.u32 $0xFFFFFC00, v6  }
0x20c: {  	v5 =	vand.u32 $0x7F, v5;
	v6 =	vadd.s32 v2, v6  }
0x20d: {  	v5 =	vor.u32 v5, v6  }
0x20e: {  	v5 =	vor.u32 v3, v5;
	_ =	sdelay $0x4  }
0x20f: {  	[tilespmem:v5+s10+$0x0] =	vst.idx.add.f32.msk $0xffff, v1  }
0x210: {  	v5 =	vld.idx.msk [tilespmem:v4+s19+$0x30 ss:$0x1], $0xffff;
	_ =	sdelay $0x4  }
0x211: {  	v6 =	vshll.u32 v5, $0x3  }
0x212: {  	v6 =	vand.u32 $0xFFFFFC00, v6  }
0x213: {  	v5 =	vand.u32 $0x7F, v5;
	v6 =	vadd.s32 v2, v6  }
0x214: {  	v5 =	vor.u32 v5, v6  }
0x215: {  	p0 =	sne.s32 s18, $0x1C0;
	v5 =	vor.u32 v3, v5  }
.Ltmp7:
0x216: {  	_ = 	snop;
	(pc) =	sbr.rel @p0 .LBB2_14-.Ltmp7, $2  }
0x217: {  	_ =	sdelay $0x2  }
0x218: {  	s17 =	sadd.s32 $0x200, s17;
	s18 =	sadd.s32 $0x40, s18;
	[tilespmem:v5+s10+$0x0] =	vst.idx.add.f32.msk $0xffff, v1  }
0x219: {  	s15 =	sadd.s32 $0x1, s15  }
0x21a: {  	p0 =	sne.s32 s15, $0x10  }
.Ltmp8:
0x21b: {  	_ = 	snop;
	(pc) =	sbr.rel @p0 .LBB2_13-.Ltmp8, $1  }
0x21c: {  	_ =	sdelay $0x3  }
0x21d: {  	s15 =	simm.s32 $0x0  }
0x21e: {  	[hbm4b:s6+s15] =	stream.linear.scatter [tilespmem:s10], [sflag:$0x1], $0x8000, $0x38;
	[tilespmem:$0x18000] =	vst v63  }
0x21f: {  	_ =	swait.ge [sflag:s13], $0x8000  }
0x220: {  	s16 =	simm.s32 $0xFFFF8000;
	s17 =	simm.s32 $0x0;
	[sflag:s13] =	ssyncset.done $0x0  }
0x221: {  	s18 =	simm.s32 $0x0;
	s19 =	simm.s32 $0x0;
	[sflag:s13] =	ssyncadd.s32 $0xFFFF8000  }
.LBB2_17:
0x222: {  	s20 =	sadd.s32 $0x8000, s16  }
0x223: {  	s21 =	sand.u32 $0x380, s19;
	s20 =	sand.u32 $0x4000, s20  }
0x224: {  	s20 =	sor.u32 s21, s20  }
0x225: {  	[tilespmem:s20+$0x10000] =	vst v0  }
0x226: {  	[tilespmem:s20+$0x10010] =	vst v0  }
0x227: {  	[tilespmem:s20+$0x10020] =	vst v0  }
0x228: {  	[tilespmem:s20+$0x10030] =	vst v0  }
0x229: {  	[tilespmem:s20+$0x10040] =	vst v0  }
0x22a: {  	[tilespmem:s20+$0x10050] =	vst v0  }
0x22b: {  	[tilespmem:s20+$0x10060] =	vst v0  }
0x22c: {  	[tilespmem:s20+$0x10070] =	vst v0  }
0x22d: {  	[tilespmem:s20+$0x10400] =	vst v0  }
0x22e: {  	[tilespmem:s20+$0x10410] =	vst v0  }
0x22f: {  	[tilespmem:s20+$0x10420] =	vst v0  }
0x230: {  	[tilespmem:s20+$0x10430] =	vst v0  }
0x231: {  	[tilespmem:s20+$0x10440] =	vst v0  }
0x232: {  	[tilespmem:s20+$0x10450] =	vst v0  }
0x233: {  	[tilespmem:s20+$0x10460] =	vst v0  }
0x234: {  	[tilespmem:s20+$0x10470] =	vst v0  }
0x235: {  	[tilespmem:s20+$0x10800] =	vst v0  }
0x236: {  	[tilespmem:s20+$0x10810] =	vst v0  }
0x237: {  	[tilespmem:s20+$0x10820] =	vst v0  }
0x238: {  	[tilespmem:s20+$0x10830] =	vst v0  }
0x239: {  	[tilespmem:s20+$0x10840] =	vst v0  }
0x23a: {  	[tilespmem:s20+$0x10850] =	vst v0  }
0x23b: {  	[tilespmem:s20+$0x10860] =	vst v0  }
0x23c: {  	[tilespmem:s20+$0x10870] =	vst v0  }
0x23d: {  	[tilespmem:s20+$0x10C00] =	vst v0  }
0x23e: {  	[tilespmem:s20+$0x10C10] =	vst v0  }
0x23f: {  	[tilespmem:s20+$0x10C20] =	vst v0  }
0x240: {  	[tilespmem:s20+$0x10C30] =	vst v0  }
0x241: {  	[tilespmem:s20+$0x10C40] =	vst v0  }
0x242: {  	[tilespmem:s20+$0x10C50] =	vst v0  }
0x243: {  	[tilespmem:s20+$0x10C60] =	vst v0  }
0x244: {  	[tilespmem:s20+$0x10C70] =	vst v0  }
0x245: {  	[tilespmem:s20+$0x11000] =	vst v0  }
0x246: {  	[tilespmem:s20+$0x11010] =	vst v0  }
0x247: {  	[tilespmem:s20+$0x11020] =	vst v0  }
0x248: {  	[tilespmem:s20+$0x11030] =	vst v0  }
0x249: {  	[tilespmem:s20+$0x11040] =	vst v0  }
0x24a: {  	[tilespmem:s20+$0x11050] =	vst v0  }
0x24b: {  	[tilespmem:s20+$0x11060] =	vst v0  }
0x24c: {  	[tilespmem:s20+$0x11070] =	vst v0  }
0x24d: {  	[tilespmem:s20+$0x11400] =	vst v0  }
0x24e: {  	[tilespmem:s20+$0x11410] =	vst v0  }
0x24f: {  	[tilespmem:s20+$0x11420] =	vst v0  }
0x250: {  	[tilespmem:s20+$0x11430] =	vst v0  }
0x251: {  	[tilespmem:s20+$0x11440] =	vst v0  }
0x252: {  	[tilespmem:s20+$0x11450] =	vst v0  }
0x253: {  	[tilespmem:s20+$0x11460] =	vst v0  }
0x254: {  	[tilespmem:s20+$0x11470] =	vst v0  }
0x255: {  	[tilespmem:s20+$0x11800] =	vst v0  }
0x256: {  	[tilespmem:s20+$0x11810] =	vst v0  }
0x257: {  	[tilespmem:s20+$0x11820] =	vst v0  }
0x258: {  	[tilespmem:s20+$0x11830] =	vst v0  }
0x259: {  	[tilespmem:s20+$0x11840] =	vst v0  }
0x25a: {  	[tilespmem:s20+$0x11850] =	vst v0  }
0x25b: {  	[tilespmem:s20+$0x11860] =	vst v0  }
0x25c: {  	[tilespmem:s20+$0x11870] =	vst v0  }
0x25d: {  	[tilespmem:s20+$0x11C00] =	vst v0  }
0x25e: {  	[tilespmem:s20+$0x11C10] =	vst v0  }
0x25f: {  	[tilespmem:s20+$0x11C20] =	vst v0  }
0x260: {  	[tilespmem:s20+$0x11C30] =	vst v0  }
0x261: {  	[tilespmem:s20+$0x11C40] =	vst v0  }
0x262: {  	[tilespmem:s20+$0x11C50] =	vst v0  }
0x263: {  	[tilespmem:s20+$0x11C60] =	vst v0  }
0x264: {  	[tilespmem:s20+$0x11C70] =	vst v0  }
0x265: {  	[tilespmem:s20+$0x12000] =	vst v0  }
0x266: {  	[tilespmem:s20+$0x12010] =	vst v0  }
0x267: {  	[tilespmem:s20+$0x12020] =	vst v0  }
0x268: {  	[tilespmem:s20+$0x12030] =	vst v0  }
0x269: {  	[tilespmem:s20+$0x12040] =	vst v0  }
0x26a: {  	[tilespmem:s20+$0x12050] =	vst v0  }
0x26b: {  	[tilespmem:s20+$0x12060] =	vst v0  }
0x26c: {  	[tilespmem:s20+$0x12070] =	vst v0  }
0x26d: {  	[tilespmem:s20+$0x12400] =	vst v0  }
0x26e: {  	[tilespmem:s20+$0x12410] =	vst v0  }
0x26f: {  	[tilespmem:s20+$0x12420] =	vst v0  }
0x270: {  	[tilespmem:s20+$0x12430] =	vst v0  }
0x271: {  	[tilespmem:s20+$0x12440] =	vst v0  }
0x272: {  	[tilespmem:s20+$0x12450] =	vst v0  }
0x273: {  	[tilespmem:s20+$0x12460] =	vst v0  }
0x274: {  	[tilespmem:s20+$0x12470] =	vst v0  }
0x275: {  	[tilespmem:s20+$0x12800] =	vst v0  }
0x276: {  	[tilespmem:s20+$0x12810] =	vst v0  }
0x277: {  	[tilespmem:s20+$0x12820] =	vst v0  }
0x278: {  	[tilespmem:s20+$0x12830] =	vst v0  }
0x279: {  	[tilespmem:s20+$0x12840] =	vst v0  }
0x27a: {  	[tilespmem:s20+$0x12850] =	vst v0  }
0x27b: {  	[tilespmem:s20+$0x12860] =	vst v0  }
0x27c: {  	[tilespmem:s20+$0x12870] =	vst v0  }
0x27d: {  	[tilespmem:s20+$0x12C00] =	vst v0  }
0x27e: {  	[tilespmem:s20+$0x12C10] =	vst v0  }
0x27f: {  	[tilespmem:s20+$0x12C20] =	vst v0  }
0x280: {  	[tilespmem:s20+$0x12C30] =	vst v0  }
0x281: {  	[tilespmem:s20+$0x12C40] =	vst v0  }
0x282: {  	[tilespmem:s20+$0x12C50] =	vst v0  }
0x283: {  	[tilespmem:s20+$0x12C60] =	vst v0  }
0x284: {  	[tilespmem:s20+$0x12C70] =	vst v0  }
0x285: {  	[tilespmem:s20+$0x13000] =	vst v0  }
0x286: {  	[tilespmem:s20+$0x13010] =	vst v0  }
0x287: {  	[tilespmem:s20+$0x13020] =	vst v0  }
0x288: {  	[tilespmem:s20+$0x13030] =	vst v0  }
0x289: {  	[tilespmem:s20+$0x13040] =	vst v0  }
0x28a: {  	[tilespmem:s20+$0x13050] =	vst v0  }
0x28b: {  	[tilespmem:s20+$0x13060] =	vst v0  }
0x28c: {  	[tilespmem:s20+$0x13070] =	vst v0  }
0x28d: {  	[tilespmem:s20+$0x13400] =	vst v0  }
0x28e: {  	[tilespmem:s20+$0x13410] =	vst v0  }
0x28f: {  	[tilespmem:s20+$0x13420] =	vst v0  }
0x290: {  	[tilespmem:s20+$0x13430] =	vst v0  }
0x291: {  	s23 =	sand.u32 $0x7, s17;
	[tilespmem:s20+$0x13440] =	vst v0  }
0x292: {  	s21 =	sshll.u32 s23, $0x7;
	[tilespmem:s20+$0x13450] =	vst v0  }
0x293: {  	s21 =	sadd.s32 s21, s18;
	[tilespmem:s20+$0x13460] =	vst v0  }
0x294: {  	[tilespmem:s20+$0x13470] =	vst v0;
	s24 =	sor.u32 $0x3800, s21  }
0x295: {  	s25 =	sor.u32 $0x3810, s21;
	[tilespmem:s24+$0x10000] =	vst v0  }
0x296: {  	s26 =	sor.u32 $0x3820, s21;
	[tilespmem:s25+$0x10000] =	vst v0  }
0x297: {  	s28 =	sor.u32 $0x3830, s21;
	[tilespmem:s26+$0x10000] =	vst v0  }
0x298: {  	s29 =	sor.u32 $0x3840, s21;
	[tilespmem:s28+$0x10000] =	vst v0  }
0x299: {  	s30 =	sor.u32 $0x3850, s21;
	[tilespmem:s29+$0x10000] =	vst v0  }
0x29a: {  	s31 =	sor.u32 $0x3860, s21;
	[tilespmem:s30+$0x10000] =	vst v0  }
0x29b: {  	s22 =	sor.u32 $0x3870, s21;
	[tilespmem:s31+$0x10000] =	vst v0  }
0x29c: {  	s23 =	sor.u32 $0x3C00, s21;
	[tilespmem:s22+$0x10000] =	vst v0  }
0x29d: {  	s24 =	sor.u32 $0x3C10, s21;
	[tilespmem:s23+$0x10000] =	vst v0  }
0x29e: {  	s25 =	sor.u32 $0x3C20, s21;
	[tilespmem:s24+$0x10000] =	vst v0  }
0x29f: {  	p0 =	sne.s32 s19, $0x780;
	s26 =	sor.u32 $0x3C30, s21;
	[tilespmem:s25+$0x10000] =	vst v0  }
.Ltmp9:
0x2a0: {  	s28 =	sor.u32 $0x3C40, s21;
	[tilespmem:s26+$0x10000] =	vst v0;
	(pc) =	sbr.rel @p0 .LBB2_17-.Ltmp9, $4  }
0x2a1: {  	s29 =	sor.u32 $0x3C50, s21;
	[tilespmem:s28+$0x10000] =	vst v0  }
0x2a2: {  	s30 =	sor.u32 $0x3C60, s21;
	[tilespmem:s29+$0x10000] =	vst v0  }
0x2a3: {  	s17 =	sadd.s32 $0x1, s17;
	s31 =	sor.u32 $0x3C70, s21;
	[tilespmem:s30+$0x10000] =	vst v0  }
0x2a4: {  	s16 =	sadd.s32 $0x800, s16;
	s19 =	sadd.s32 $0x80, s19;
	s18 =	sadd.s32 $0x800, s18;
	[tilespmem:s31+$0x10000] =	vst v0  }
.LBB2_18:
0x2a5: {  	v2 =	vmov s15;
	s17 =	sshll.u32 s15, $0x7  }
0x2a6: {  	s16 =	sshll.u32 s15, $0x9;
	s18 =	sand.u32 $0x380, s17;
	v3 =	vshll.u32 v2, $0xB;
	v4 =	vshll.u32 v2, $0x7  }
0x2a7: {  	s16 =	sand.u32 $0x1000, s16;
	v2 =	vand.u32 $0x4000, v3;
	v3 =	vand.u32 $0x380, v4;
	v4 =	vmov s18  }
0x2a8: {  	s17 =	simm.s32 $0x0;
	s16 =	sor.u32 $0x6000, s16;
	s18 =	simm.s32 $0x0  }
.LBB2_19:
0x2a9: {  	s19 =	sand.u32 $0xC00, s17  }
0x2aa: {  	s20 =	sand.u32 $0x40, s18;
	s19 =	sadd.s32 s19, s16  }
0x2ab: {  	s19 =	sadd.s32 s20, s19  }
0x2ac: {  	v5 =	vld.idx.msk [tilespmem:v4+s19+$0x0 ss:$0x1], $0xffff;
	_ =	sdelay $0x4  }
0x2ad: {  	v6 =	vshll.u32 v5, $0x3  }
0x2ae: {  	v6 =	vand.u32 $0xFFFFFC00, v6  }
0x2af: {  	v5 =	vand.u32 $0x7F, v5;
	v6 =	vadd.s32 v2, v6  }
0x2b0: {  	v5 =	vor.u32 v5, v6  }
0x2b1: {  	v5 =	vor.u32 v3, v5;
	_ =	sdelay $0x4  }
0x2b2: {  	[tilespmem:v5+s11+$0x0] =	vst.idx.add.f32.msk $0xffff, v1  }
0x2b3: {  	v5 =	vld.idx.msk [tilespmem:v4+s19+$0x10 ss:$0x1], $0xffff;
	_ =	sdelay $0x4  }
0x2b4: {  	v6 =	vshll.u32 v5, $0x3  }
0x2b5: {  	v6 =	vand.u32 $0xFFFFFC00, v6  }
0x2b6: {  	v5 =	vand.u32 $0x7F, v5;
	v6 =	vadd.s32 v2, v6  }
0x2b7: {  	v5 =	vor.u32 v5, v6  }
0x2b8: {  	v5 =	vor.u32 v3, v5;
	_ =	sdelay $0x4  }
0x2b9: {  	[tilespmem:v5+s11+$0x0] =	vst.idx.add.f32.msk $0xffff, v1  }
0x2ba: {  	v5 =	vld.idx.msk [tilespmem:v4+s19+$0x20 ss:$0x1], $0xffff;
	_ =	sdelay $0x4  }
0x2bb: {  	v6 =	vshll.u32 v5, $0x3  }
0x2bc: {  	v6 =	vand.u32 $0xFFFFFC00, v6  }
0x2bd: {  	v5 =	vand.u32 $0x7F, v5;
	v6 =	vadd.s32 v2, v6  }
0x2be: {  	v5 =	vor.u32 v5, v6  }
0x2bf: {  	v5 =	vor.u32 v3, v5;
	_ =	sdelay $0x4  }
0x2c0: {  	[tilespmem:v5+s11+$0x0] =	vst.idx.add.f32.msk $0xffff, v1  }
0x2c1: {  	v5 =	vld.idx.msk [tilespmem:v4+s19+$0x30 ss:$0x1], $0xffff;
	_ =	sdelay $0x4  }
0x2c2: {  	v6 =	vshll.u32 v5, $0x3  }
0x2c3: {  	v6 =	vand.u32 $0xFFFFFC00, v6  }
0x2c4: {  	v5 =	vand.u32 $0x7F, v5;
	v6 =	vadd.s32 v2, v6  }
0x2c5: {  	v5 =	vor.u32 v5, v6  }
0x2c6: {  	p0 =	sne.s32 s18, $0x1C0;
	v5 =	vor.u32 v3, v5  }
.Ltmp10:
0x2c7: {  	_ = 	snop;
	(pc) =	sbr.rel @p0 .LBB2_19-.Ltmp10, $2  }
0x2c8: {  	_ =	sdelay $0x2  }
0x2c9: {  	s17 =	sadd.s32 $0x200, s17;
	s18 =	sadd.s32 $0x40, s18;
	[tilespmem:v5+s11+$0x0] =	vst.idx.add.f32.msk $0xffff, v1  }
0x2ca: {  	s15 =	sadd.s32 $0x1, s15  }
0x2cb: {  	p0 =	sne.s32 s15, $0x10  }
.Ltmp11:
0x2cc: {  	_ = 	snop;
	(pc) =	sbr.rel @p0 .LBB2_18-.Ltmp11, $1  }
0x2cd: {  	_ =	sdelay $0x3  }
0x2ce: {  	[hbm4b:s7+s2] =	stream.linear.scatter [tilespmem:s11], [sflag:$0x2], $0x8000, $0x38;
	[tilespmem:$0x18000] =	vst v63  }
0x2cf: {  	s14 =	sadd.s32 $0x1, s14  }
0x2d0: {  	_ =	swait.ge [sflag:s12], $0x8000;
	p0 =	sne.s32 s14, s8  }
.Ltmp12:
0x2d1: {  	[sflag:s12] =	ssyncset.done $0x0;
	(pc) =	sbr.rel @p0 .LBB2_1-.Ltmp12, $4  }
0x2d2: {  	[sflag:s12] =	ssyncadd.s32 $0xFFFF8000  }
0x2d3: {  	_ =	swait.ge [sflag:s13], $0x8000  }
0x2d4: {  	[sflag:s13] =	ssyncset.done $0x0  }
0x2d5: {  	[sflag:s13] =	ssyncadd.s32 $0xFFFF8000  }
0x2d6: {  	_ =	sfence.sel $0x180000  }
0x2d7: {  	[bflag:$0x0] =	sbarrier.arrive $0xFFFF  }
0x2d8: {  	p0 =	sne.s32 s1, $0x0;
	_ =	strace $0x90000047  }
0x2d9: {  	s0 =	sadd.s32 @!p0 $0x100000, s0;
	[bflag:$0x2] =	sbarrier.arrive $0xFFFF  }
0x2da: {  	[sflag:s0] =	ssyncadd.tile.s32 @!p0 $0x1;
	_ =	shalt  }
.Lfunc_end2:
_tile_overlayer_lowered:
.L_overlay_start_2:
0x2db: {  	(tag) =	ssettag $0x2  }
0x2dc: {  	s0 =	rddreg [dreg:$0x0];
	s2 =	stileid.u32  }
0x2dd: {  	s1 =	rddreg [dreg:$0x1];
	p0 =	sne.s32 s2, $0x0  }
0x2de: {  	s3 =	rddreg [dreg:$0x2];
	[bflag:$0x3] =	sbarrier.arrive $0xFFFF;
	s2 =	simm.s32 @!p0 $0x1C03  }
0x2df: {  	[timem:s3], [sflag:s2] =	dma.local @!p0 [hbm:s0], s1  }
0x2e0: {  	s0 =	simm.s32 @!p0 $0x3  }
0x2e1: {  	_ =	swait.ge @!p0 [sflag:s0], s1  }
0x2e2: {  	s1 =	ssub.s32 @!p0 $0x0, s1;
	[sflag:s0] =	ssyncset.done @!p0 $0x0  }
0x2e3: {  	[sflag:s0] =	ssyncadd.s32 @!p0 s1  }
0x2e4: {  	[bflag:$0x3] =	sbarrier.arrive $0xFFFF  }
0x2e5: {  	_ =	shalt  }

</sc_bundles>
